<compile_context>
chip_gen: v7x
topology: tpu7x:2x2x1
jax: 0.10.2.dev20260603
libtpu: 0.0.44.dev20260713+nightly
codegen_flags: <defaults>
</compile_context>

<pallas_src>
import functools

import jax
import jax.numpy as jnp
from jax import lax
from jax.experimental import pallas as pl
from jax.experimental.pallas import tpu as pltpu
from jax.experimental.pallas import tpu_sc as plsc

NC = 2
NS = 16
NT = NC * NS
CP = 48


def _edge_pipeline(NCH, tab_h, src_v, dst_v, bufs, gs, ss, acc):
    NB = len(bufs)
    for b in range(NB):
        pltpu.async_copy(tab_h.at[src_v.at[b]], bufs[b], gs[b])

    def step(kk, carry):
        for b in range(NB):
            k = kk * NB + b
            pltpu.make_async_copy(tab_h.at[src_v.at[k]], bufs[b],
                                  gs[b]).wait()
            pltpu.async_copy(bufs[b], acc.at[dst_v.at[k]], ss[b], add=True)
            r = k + 2
            br = (b + 2) % NB

            @pl.when(jnp.logical_and(r >= NB, r < NCH))
            def _():
                pltpu.make_async_copy(bufs[br], acc.at[dst_v.at[r]],
                                      ss[br]).wait()
                pltpu.async_copy(tab_h.at[src_v.at[r]], bufs[br], gs[br])
        return carry

    lax.fori_loop(0, NCH // NB, step, 0)
    for b in range(NB):
        pltpu.make_async_copy(bufs[b], acc.at[dst_v.at[0]], ss[b]).wait()


def _sc_feat_body(NPAD, NCH, KC,
                  feat_h, src_h, dst_h, zf_h,
                  o_pf, src_v, dst_v, f0, f1, f2, f3,
                  g0, g1, g2, g3, s0, s1, s2, s3, acc_f):
    c = lax.axis_index("c")
    s = lax.axis_index("s")
    wid = s * NC + c
    R = NPAD // NS
    st = pl.ds(s * R, R)

    pltpu.sync_copy(zf_h.at[st], acc_f.at[st])
    pltpu.sync_copy(src_h.at[wid], src_v)
    pltpu.sync_copy(dst_h.at[wid], dst_v)
    plsc.subcore_barrier()

    _edge_pipeline(NCH, feat_h, src_v, dst_v, [f0, f1, f2, f3],
                   [g0, g1, g2, g3], [s0, s1, s2, s3], acc_f)
    plsc.subcore_barrier()
    pltpu.sync_copy(acc_f.at[st], o_pf.at[c, st])


def _sc_label_body(NPAD, NCH, KC, LCH, UCH, UW,
                   src_h, dst_h, oh_h, lrow_h, unl_h, zl_h, zc_h, zd_h,
                   ones_h,
                   o_pl, o_lab1, o_wr,
                   src_v, dst_v, l0, l1, l2_, l3, ones_v, lab_build,
                   lrow_v, unl_v, g0, g1, g2, g3, s0, s1, s2, s3,
                   acc_l, acc_d):
    c = lax.axis_index("c")
    s = lax.axis_index("s")
    wid = s * NC + c
    R = NPAD // NS
    st = pl.ds(s * R, R)

    pltpu.sync_copy(zc_h.at[st], acc_l.at[st])
    pltpu.sync_copy(zd_h.at[st], acc_d.at[st])
    pltpu.sync_copy(lrow_h.at[s], lrow_v)
    pltpu.sync_copy(unl_h.at[s], unl_v)
    pltpu.sync_copy(ones_h, ones_v)
    plsc.subcore_barrier()

    for ch in range(LCH):
        pltpu.async_copy(oh_h.at[lrow_v.at[ch]], lab_build, g0).wait()
        pltpu.sync_copy(lab_build, acc_l.at[lrow_v.at[ch]])

    for ch in range(UCH):
        pltpu.sync_copy(ones_v.at[pl.ds(0, UW)], acc_d.at[unl_v.at[ch]])
    plsc.subcore_barrier()

    pltpu.sync_copy(acc_l.at[st], o_lab1.at[st])
    pltpu.sync_copy(acc_d.at[st], o_wr.at[st])
    pltpu.sync_copy(zl_h.at[st], acc_l.at[st])
    plsc.subcore_barrier()

    pltpu.sync_copy(src_h.at[wid], src_v)
    pltpu.sync_copy(dst_h.at[wid], dst_v)

    _edge_pipeline(NCH, o_lab1, src_v, dst_v, [l0, l1, l2_, l3],
                   [g0, g1, g2, g3], [s0, s1, s2, s3], acc_l)
    plsc.subcore_barrier()

    pltpu.sync_copy(acc_l.at[st], o_pl.at[c, st])


def _sc_label2_body(NPAD, NCH, KC,
                    lab2_h, src_h, dst_h, zl_h,
                    o_pl, src_v, dst_v, l0, l1, l2_, l3,
                    g0, g1, g2, g3, s0, s1, s2, s3, acc_l):
    c = lax.axis_index("c")
    s = lax.axis_index("s")
    wid = s * NC + c
    R = NPAD // NS
    st = pl.ds(s * R, R)

    pltpu.sync_copy(zl_h.at[st], acc_l.at[st])
    pltpu.sync_copy(src_h.at[wid], src_v)
    pltpu.sync_copy(dst_h.at[wid], dst_v)
    plsc.subcore_barrier()

    _edge_pipeline(NCH, lab2_h, src_v, dst_v, [l0, l1, l2_, l3],
                   [g0, g1, g2, g3], [s0, s1, s2, s3], acc_l)
    plsc.subcore_barrier()
    pltpu.sync_copy(acc_l.at[st], o_pl.at[c, st])


def _tc_mid_body(pf, plr, lab1, wr, w1, w2, o_pa, o_l2):
    af = pf[0] + pf[1]
    al = plr[0] + plr[1]
    inv = 1.0 / jnp.maximum(al[:, CP - 1:CP], 1.0)
    pa = jnp.dot(af * inv, w1[...])
    pred1 = pa + jnp.dot(al[:, :40] * inv, w2[...])
    m = jnp.max(pred1, axis=-1, keepdims=True)
    e = jnp.exp(pred1 - m)
    sm = e / jnp.sum(e, axis=-1, keepdims=True)
    l2 = jnp.where(wr[:, 0:1] > 0.0, sm, lab1[:, :40])
    o_pa[...] = pa
    o_l2[...] = jnp.concatenate(
        [l2, jnp.zeros((l2.shape[0], CP - 41), l2.dtype),
         jnp.ones((l2.shape[0], 1), l2.dtype)], axis=-1)



def _tc_final_body(pl2, pa, w2, o):
    al = pl2[0] + pl2[1]
    inv = 1.0 / jnp.maximum(al[:, CP - 1:CP], 1.0)
    o[...] = pa[...] + jnp.dot(al[:, :40] * inv, w2[...])


def kernel(feat, edge_index, y, mask, val_idx, test_idx, W):
    N, F = feat.shape
    C = W.shape[1]
    E = edge_index.shape[1]
    NPAD = -(-(N + 1) // (8 * NS)) * (8 * NS)
    EPT = E // NT
    KC = 50
    NCH = EPT // KC
    assert EPT % KC == 0 and E % NT == 0

    split = jax.random.uniform(jax.random.key(42), mask.shape) < 0.5
    lrows = jnp.where(split, mask, N).astype(jnp.int32)
    LM = mask.shape[0]
    LPAD = -(-LM // (NS * 96)) * (NS * 96)
    LCH = LPAD // NS // 96
    lrows_p = jnp.full((LPAD,), N, jnp.int32).at[:LM].set(lrows)
    lrows3 = lrows_p.reshape(NS, LCH, 96)

    unl_idx = jnp.concatenate([mask, val_idx, test_idx])
    unl_valid = jnp.concatenate([
        ~split,
        jnp.ones(val_idx.shape, bool),
        jnp.ones(test_idx.shape, bool),
    ])
    unl_rows = jnp.where(unl_valid, unl_idx, N).astype(jnp.int32)
    UM = unl_rows.shape[0]
    UW = 80
    UPAD = -(-UM // (NS * UW)) * (NS * UW)
    UCH = UPAD // NS // UW
    unl_p = jnp.full((UPAD,), N, jnp.int32).at[:UM].set(unl_rows)
    unl3 = unl_p.reshape(NS, UCH, UW)

    src3 = edge_index[0].reshape(NT, NCH, KC).astype(jnp.int32)
    dst3 = edge_index[1].reshape(NT, NCH, KC).astype(jnp.int32)
    y_p = jnp.full((NPAD,), -1, jnp.int32).at[:N].set(y)
    oh40 = (y_p[:, None] == jnp.arange(C)[None, :]).astype(jnp.float32)
    oh_h = jnp.concatenate(
        [oh40, jnp.zeros((NPAD, CP - C - 1), jnp.float32),
         jnp.ones((NPAD, 1), jnp.float32)], axis=-1)
    zc_h = jnp.concatenate(
        [jnp.zeros((NPAD, CP - 1), jnp.float32),
         jnp.ones((NPAD, 1), jnp.float32)], axis=-1)
    zf_h = jnp.zeros((NPAD, F), jnp.float32)
    zl_h = jnp.zeros((NPAD, CP), jnp.float32)
    zd_h = jnp.zeros((NPAD, 16), jnp.float32)
    ones_h = jnp.ones((128, 16), jnp.float32)
    w1 = W[:F]
    w2 = W[F:]

    f32 = jnp.float32
    mesh = plsc.VectorSubcoreMesh(core_axis_name="c", subcore_axis_name="s")
    sc_params = pltpu.CompilerParams(use_tc_tiling_on_sc=False)

    sc_feat = functools.partial(
        pl.kernel,
        functools.partial(_sc_feat_body, NPAD, NCH, KC),
        out_type=[jax.ShapeDtypeStruct((NC, NPAD, F), f32)],
        mesh=mesh,
        compiler_params=sc_params,
        scratch_types=(
            [pltpu.VMEM((NCH, KC), jnp.int32)] * 2
            + [pltpu.VMEM((KC, F), f32)] * 4
            + [pltpu.SemaphoreType.DMA] * 8
            + [pltpu.VMEM_SHARED((NPAD, F), f32)]
        ),
    )()
    (pf,) = sc_feat(feat, src3, dst3, zf_h)

    sc_label = functools.partial(
        pl.kernel,
        functools.partial(_sc_label_body, NPAD, NCH, KC, LCH, UCH, UW),
        out_type=[
            jax.ShapeDtypeStruct((NC, NPAD, CP), f32),
            jax.ShapeDtypeStruct((NPAD, CP), f32),
            jax.ShapeDtypeStruct((NPAD, 16), f32),
        ],
        mesh=mesh,
        compiler_params=sc_params,
        scratch_types=(
            [pltpu.VMEM((NCH, KC), jnp.int32)] * 2
            + [pltpu.VMEM((KC, CP), f32)] * 4
            + [pltpu.VMEM((128, 16), f32),
               pltpu.VMEM((96, CP), f32),
               pltpu.VMEM((LCH, 96), jnp.int32),
               pltpu.VMEM((UCH, UW), jnp.int32)]
            + [pltpu.SemaphoreType.DMA] * 8
            + [pltpu.VMEM_SHARED((NPAD, CP), f32),
               pltpu.VMEM_SHARED((NPAD, 16), f32)]
        ),
    )()
    plr, lab1, wr = sc_label(
        src3, dst3, oh_h, lrows3, unl3, zl_h, zc_h, zd_h, ones_h)

    BR = NPAD // 8
    pa, lab2 = pl.pallas_call(
        _tc_mid_body,
        grid=(NPAD // BR,),
        in_specs=[
            pl.BlockSpec((NC, BR, F), lambda i: (0, i, 0)),
            pl.BlockSpec((NC, BR, CP), lambda i: (0, i, 0)),
            pl.BlockSpec((BR, CP), lambda i: (i, 0)),
            pl.BlockSpec((BR, 16), lambda i: (i, 0)),
            pl.BlockSpec((F, C), lambda i: (0, 0)),
            pl.BlockSpec((C, C), lambda i: (0, 0)),
        ],
        out_specs=[
            pl.BlockSpec((BR, C), lambda i: (i, 0)),
            pl.BlockSpec((BR, CP), lambda i: (i, 0)),
        ],
        out_shape=[
            jax.ShapeDtypeStruct((NPAD, C), f32),
            jax.ShapeDtypeStruct((NPAD, CP), f32),
        ],
    )(pf, plr, lab1, wr, w1, w2)

    sc_lab2 = functools.partial(
        pl.kernel,
        functools.partial(_sc_label2_body, NPAD, NCH, KC),
        out_type=[jax.ShapeDtypeStruct((NC, NPAD, CP), f32)],
        mesh=mesh,
        compiler_params=sc_params,
        scratch_types=(
            [pltpu.VMEM((NCH, KC), jnp.int32)] * 2
            + [pltpu.VMEM((KC, CP), f32)] * 4
            + [pltpu.SemaphoreType.DMA] * 8
            + [pltpu.VMEM_SHARED((NPAD, CP), f32)]
        ),
    )()
    (pl2,) = sc_lab2(lab2, src3, dst3, zl_h)

    pred2 = pl.pallas_call(
        _tc_final_body,
        grid=(NPAD // BR,),
        in_specs=[
            pl.BlockSpec((NC, BR, CP), lambda i: (0, i, 0)),
            pl.BlockSpec((BR, C), lambda i: (i, 0)),
            pl.BlockSpec((C, C), lambda i: (0, 0)),
        ],
        out_specs=pl.BlockSpec((BR, C), lambda i: (i, 0)),
        out_shape=jax.ShapeDtypeStruct((NPAD, C), f32),
    )(pl2, pa, w2)

    return pred2[:N]

# --- scband reference (transcript-rebuilt; emitter-appended) ---
"""Pipeline reference for scband-label-usage-53395033424374 (READ-ONLY COPY).

The authoritative reference and input builder live on the scoring server;
editing this copy changes nothing except your own understanding.
"""

import jax, jax.numpy as jnp
import numpy as np

NUM_CLASSES = 40
SPLIT_RATIO = 0.5
NUM_RECYCLE = 0


def base_model(feat, edge_index, W):
    # simple mean-aggregation GCN layer: gather -> scatter-add -> normalize -> linear
    src = edge_index[0]
    dst = edge_index[1]
    msgs = jnp.take(feat, src, axis=0)
    agg = jax.ops.segment_sum(msgs, dst, num_segments=feat.shape[0])
    deg = jax.ops.segment_sum(jnp.ones((edge_index.shape[1],), feat.dtype), dst, num_segments=feat.shape[0])
    agg = agg / jnp.clip(deg, 1.0)[:, None]
    return agg @ W


def setup_inputs(seed: int = 0) -> dict:
    key = jax.random.key(seed)
    ks = jax.random.split(key, 8)
    N, F, E = 10000, 128, 320000
    feat = jax.random.normal(ks[0], (N, F), dtype=jnp.float32)
    edge_index = jax.random.randint(ks[1], (2, E), 0, N, dtype=jnp.int32)
    y = jax.random.randint(ks[2], (N,), 0, NUM_CLASSES, dtype=jnp.int32)
    mask = jax.random.randint(ks[3], (6000,), 0, N, dtype=jnp.int32)
    val_idx = jax.random.randint(ks[4], (2000,), 0, N, dtype=jnp.int32)
    test_idx = jax.random.randint(ks[5], (2000,), 0, N, dtype=jnp.int32)
    # learned parameter of base_model: input dim = F + NUM_CLASSES (label usage)
    W = jax.random.normal(ks[6], (F + NUM_CLASSES, NUM_CLASSES), dtype=jnp.float32) * 0.05
    return {"feat": feat, "edge_index": edge_index, "y": y, "mask": mask,
            "val_idx": val_idx, "test_idx": test_idx, "W": W}


def reference(feat, edge_index, y, mask, val_idx, test_idx, W):
    # split training nodes into label-feature nodes and prediction nodes
    split_mask = jax.random.uniform(jax.random.key(42), mask.shape) < SPLIT_RATIO
    oob = feat.shape[0]
    label_rows = jnp.where(split_mask, mask, oob)
    # one-hot scatter-overwrite of true labels into label channels
    onehot = jnp.zeros((feat.shape[0], NUM_CLASSES), dtype=feat.dtype)
    onehot = onehot.at[label_rows, y[mask]].set(1.0)
    feat = jnp.concatenate([feat, onehot], axis=-1)
    unlabeled_idx = jnp.concatenate([mask, val_idx, test_idx])
    unlabeled_valid = jnp.concatenate([
        ~split_mask,
        jnp.ones(val_idx.shape, dtype=bool),
        jnp.ones(test_idx.shape, dtype=bool),
    ])
    unlabeled_rows = jnp.where(unlabeled_valid, unlabeled_idx, oob)
    C0 = feat.shape[1] - NUM_CLASSES
    pred = base_model(feat, edge_index, W)
    for _ in range(max(1, NUM_RECYCLE + 1)):
        pred = jax.lax.stop_gradient(pred)
        sm = jax.nn.softmax(pred[unlabeled_idx], axis=-1)
        feat = feat.at[unlabeled_rows, C0:].set(sm)
        pred = base_model(feat, edge_index, W)
    return pred

if __name__ == "__main__":
    import jax
    _d = setup_inputs()
    print(jax.jit(kernel)(*tuple(_d.values())))

</pallas_src>

<mosaic_0001>
#map = affine_map<(d0, d1) -> (0, 0, 0)>
#map1 = affine_map<(d0, d1) -> (0, 0)>
module attributes {stable_mosaic.version = 14 : i64} {
  func.func @_sc_label_body(%arg0: i32, %arg1: i32, %arg2: memref<32x200x50xi32, #tpu.memory_space<hbm>>, %arg3: memref<32x200x50xi32, #tpu.memory_space<hbm>>, %arg4: memref<10112x48xf32, #tpu.memory_space<hbm>>, %arg5: memref<16x4x96xi32, #tpu.memory_space<hbm>>, %arg6: memref<16x8x80xi32, #tpu.memory_space<hbm>>, %arg7: memref<10112x48xf32, #tpu.memory_space<hbm>>, %arg8: memref<10112x48xf32, #tpu.memory_space<hbm>>, %arg9: memref<10112x16xf32, #tpu.memory_space<hbm>>, %arg10: memref<128x16xf32, #tpu.memory_space<hbm>>, %arg11: memref<2x10112x48xf32, #tpu.memory_space<hbm>>, %arg12: memref<10112x48xf32, #tpu.memory_space<hbm>>, %arg13: memref<10112x16xf32, #tpu.memory_space<hbm>>, %arg14: memref<200x50xi32, #tpu.memory_space<vmem>>, %arg15: memref<200x50xi32, #tpu.memory_space<vmem>>, %arg16: memref<50x48xf32, #tpu.memory_space<vmem>>, %arg17: memref<50x48xf32, #tpu.memory_space<vmem>>, %arg18: memref<50x48xf32, #tpu.memory_space<vmem>>, %arg19: memref<50x48xf32, #tpu.memory_space<vmem>>, %arg20: memref<128x16xf32, #tpu.memory_space<vmem>>, %arg21: memref<96x48xf32, #tpu.memory_space<vmem>>, %arg22: memref<4x96xi32, #tpu.memory_space<vmem>>, %arg23: memref<8x80xi32, #tpu.memory_space<vmem>>, %arg24: memref<!tpu.dma_semaphore, #tpu.memory_space<semaphore_mem>>, %arg25: memref<!tpu.dma_semaphore, #tpu.memory_space<semaphore_mem>>, %arg26: memref<!tpu.dma_semaphore, #tpu.memory_space<semaphore_mem>>, %arg27: memref<!tpu.dma_semaphore, #tpu.memory_space<semaphore_mem>>, %arg28: memref<!tpu.dma_semaphore, #tpu.memory_space<semaphore_mem>>, %arg29: memref<!tpu.dma_semaphore, #tpu.memory_space<semaphore_mem>>, %arg30: memref<!tpu.dma_semaphore, #tpu.memory_space<semaphore_mem>>, %arg31: memref<!tpu.dma_semaphore, #tpu.memory_space<semaphore_mem>>, %arg32: memref<10112x48xf32, #tpu.memory_space<vmem_shared>>, %arg33: memref<10112x16xf32, #tpu.memory_space<vmem_shared>>) attributes {dimension_semantics = [#tpu.dimension_semantics<core_parallel>, #tpu.dimension_semantics<subcore_parallel>], iteration_bounds = array<i64: 2, 16>, scalar_prefetch = 0 : i64, scratch_operands = 20 : i64, tpu.core_type = #tpu.core_type<sc_vector_subcore>, window_params = [{transform_indices = #map}, {transform_indices = #map}, {transform_indices = #map1}, {transform_indices = #map}, {transform_indices = #map}, {transform_indices = #map1}, {transform_indices = #map1}, {transform_indices = #map1}, {transform_indices = #map1}, {transform_indices = #map}, {transform_indices = #map1}, {transform_indices = #map1}]} {
    %mul3A = arith.constant 2 : i32
    %mul3A_0 = arith.muli %arg1, %mul3A : i32
    %add3A = arith.addi %mul3A_0, %arg0 : i32
    %mul3A_1 = arith.constant 632 : i32
    %mul3A_2 = arith.muli %arg1, %mul3A_1 : i32
    "tpu.region"() ({
      %run_scoped3A_132 = tpu.sem_alloc : memref<!tpu.dma_semaphore, #tpu.memory_space<semaphore_mem>>
      %dma_start3A_133 = arith.constant 0 : i32
      %dma_start3A_134 = tpu.memref_slice %arg32[%mul3A_2, %dma_start3A_133] : memref<10112x48xf32, #tpu.memory_space<vmem_shared>> -> memref<632x48xf32, #tpu.memory_space<vmem_shared>>
      %dma_start3A_135 = arith.constant 0 : i32
      %dma_start3A_136 = tpu.memref_slice %arg8[%mul3A_2, %dma_start3A_135] : memref<10112x48xf32, #tpu.memory_space<hbm>> -> memref<632x48xf32, #tpu.memory_space<hbm>>
      tpu.enqueue_dma source(%dma_start3A_136 : memref<632x48xf32, #tpu.memory_space<hbm>>) target(%dma_start3A_134 : memref<632x48xf32, #tpu.memory_space<vmem_shared>>) target_semaphore(%run_scoped3A_132 : memref<!tpu.dma_semaphore, #tpu.memory_space<semaphore_mem>>)
      %dma_wait3A_137 = arith.constant 0 : i32
      %dma_wait3A_138 = tpu.memref_slice %arg32[%mul3A_2, %dma_wait3A_137] : memref<10112x48xf32, #tpu.memory_space<vmem_shared>> -> memref<632x48xf32, #tpu.memory_space<vmem_shared>>
      %dma_wait3A_139 = arith.constant 0 : i32
      %dma_wait3A_140 = tpu.memref_slice %arg8[%mul3A_2, %dma_wait3A_139] : memref<10112x48xf32, #tpu.memory_space<hbm>> -> memref<632x48xf32, #tpu.memory_space<hbm>>
      tpu.wait_dma2 semaphore(%run_scoped3A_132 : memref<!tpu.dma_semaphore, #tpu.memory_space<semaphore_mem>>) src(%dma_wait3A_140 : memref<632x48xf32, #tpu.memory_space<hbm>>) dst(%dma_wait3A_138 : memref<632x48xf32, #tpu.memory_space<vmem_shared>>)
      tpu.yield
    }) : () -> ()
    "tpu.region"() ({
      %run_scoped3A_132 = tpu.sem_alloc : memref<!tpu.dma_semaphore, #tpu.memory_space<semaphore_mem>>
      %dma_start3A_133 = arith.constant 0 : i32
      %dma_start3A_134 = tpu.memref_slice %arg33[%mul3A_2, %dma_start3A_133] : memref<10112x16xf32, #tpu.memory_space<vmem_shared>> -> memref<632x16xf32, #tpu.memory_space<vmem_shared>>
      %dma_start3A_135 = arith.constant 0 : i32
      %dma_start3A_136 = tpu.memref_slice %arg9[%mul3A_2, %dma_start3A_135] : memref<10112x16xf32, #tpu.memory_space<hbm>> -> memref<632x16xf32, #tpu.memory_space<hbm>>
      tpu.enqueue_dma source(%dma_start3A_136 : memref<632x16xf32, #tpu.memory_space<hbm>>) target(%dma_start3A_134 : memref<632x16xf32, #tpu.memory_space<vmem_shared>>) target_semaphore(%run_scoped3A_132 : memref<!tpu.dma_semaphore, #tpu.memory_space<semaphore_mem>>)
      %dma_wait3A_137 = arith.constant 0 : i32
      %dma_wait3A_138 = tpu.memref_slice %arg33[%mul3A_2, %dma_wait3A_137] : memref<10112x16xf32, #tpu.memory_space<vmem_shared>> -> memref<632x16xf32, #tpu.memory_space<vmem_shared>>
      %dma_wait3A_139 = arith.constant 0 : i32
      %dma_wait3A_140 = tpu.memref_slice %arg9[%mul3A_2, %dma_wait3A_139] : memref<10112x16xf32, #tpu.memory_space<hbm>> -> memref<632x16xf32, #tpu.memory_space<hbm>>
      tpu.wait_dma2 semaphore(%run_scoped3A_132 : memref<!tpu.dma_semaphore, #tpu.memory_space<semaphore_mem>>) src(%dma_wait3A_140 : memref<632x16xf32, #tpu.memory_space<hbm>>) dst(%dma_wait3A_138 : memref<632x16xf32, #tpu.memory_space<vmem_shared>>)
      tpu.yield
    }) : () -> ()
    "tpu.region"() ({
      %run_scoped3A_132 = tpu.sem_alloc : memref<!tpu.dma_semaphore, #tpu.memory_space<semaphore_mem>>
      %dma_start3A_133 = arith.constant 0 : i32
      %dma_start3A_134 = arith.constant 0 : i32
      %dma_start3A_135 = tpu.memref_slice %arg5[%arg1, %dma_start3A_133, %dma_start3A_134] : memref<16x4x96xi32, #tpu.memory_space<hbm>> -> memref<1x4x96xi32, #tpu.memory_space<hbm>>
      %dma_start3A_136 = tpu.memref_squeeze %dma_start3A_135 : memref<1x4x96xi32, #tpu.memory_space<hbm>> -> memref<4x96xi32, #tpu.memory_space<hbm>>
      %dma_start3A_137 = arith.constant 0 : i32
      %dma_start3A_138 = arith.constant 0 : i32
      %dma_start3A_139 = tpu.memref_slice %arg5[%arg1, %dma_start3A_137, %dma_start3A_138] : memref<16x4x96xi32, #tpu.memory_space<hbm>> -> memref<1x4x96xi32, #tpu.memory_space<hbm>>
      %dma_start3A_140 = tpu.memref_squeeze %dma_start3A_139 : memref<1x4x96xi32, #tpu.memory_space<hbm>> -> memref<4x96xi32, #tpu.memory_space<hbm>>
      tpu.enqueue_dma source(%dma_start3A_140 : memref<4x96xi32, #tpu.memory_space<hbm>>) target(%arg22 : memref<4x96xi32, #tpu.memory_space<vmem>>) target_semaphore(%run_scoped3A_132 : memref<!tpu.dma_semaphore, #tpu.memory_space<semaphore_mem>>)
      %dma_wait3A_141 = arith.constant 0 : i32
      %dma_wait3A_142 = arith.constant 0 : i32
      %dma_wait3A_143 = tpu.memref_slice %arg5[%arg1, %dma_wait3A_141, %dma_wait3A_142] : memref<16x4x96xi32, #tpu.memory_space<hbm>> -> memref<1x4x96xi32, #tpu.memory_space<hbm>>
      %dma_wait3A_144 = tpu.memref_squeeze %dma_wait3A_143 : memref<1x4x96xi32, #tpu.memory_space<hbm>> -> memref<4x96xi32, #tpu.memory_space<hbm>>
      %dma_wait3A_145 = arith.constant 0 : i32
      %dma_wait3A_146 = arith.constant 0 : i32
      %dma_wait3A_147 = tpu.memref_slice %arg5[%arg1, %dma_wait3A_145, %dma_wait3A_146] : memref<16x4x96xi32, #tpu.memory_space<hbm>> -> memref<1x4x96xi32, #tpu.memory_space<hbm>>
      %dma_wait3A_148 = tpu.memref_squeeze %dma_wait3A_147 : memref<1x4x96xi32, #tpu.memory_space<hbm>> -> memref<4x96xi32, #tpu.memory_space<hbm>>
      tpu.wait_dma2 semaphore(%run_scoped3A_132 : memref<!tpu.dma_semaphore, #tpu.memory_space<semaphore_mem>>) src(%dma_wait3A_148 : memref<4x96xi32, #tpu.memory_space<hbm>>) dst(%arg22 : memref<4x96xi32, #tpu.memory_space<vmem>>)
      tpu.yield
    }) : () -> ()
    "tpu.region"() ({
      %run_scoped3A_132 = tpu.sem_alloc : memref<!tpu.dma_semaphore, #tpu.memory_space<semaphore_mem>>
      %dma_start3A_133 = arith.constant 0 : i32
      %dma_start3A_134 = arith.constant 0 : i32
      %dma_start3A_135 = tpu.memref_slice %arg6[%arg1, %dma_start3A_133, %dma_start3A_134] : memref<16x8x80xi32, #tpu.memory_space<hbm>> -> memref<1x8x80xi32, #tpu.memory_space<hbm>>
      %dma_start3A_136 = tpu.memref_squeeze %dma_start3A_135 : memref<1x8x80xi32, #tpu.memory_space<hbm>> -> memref<8x80xi32, #tpu.memory_space<hbm>>
      %dma_start3A_137 = arith.constant 0 : i32
      %dma_start3A_138 = arith.constant 0 : i32
      %dma_start3A_139 = tpu.memref_slice %arg6[%arg1, %dma_start3A_137, %dma_start3A_138] : memref<16x8x80xi32, #tpu.memory_space<hbm>> -> memref<1x8x80xi32, #tpu.memory_space<hbm>>
      %dma_start3A_140 = tpu.memref_squeeze %dma_start3A_139 : memref<1x8x80xi32, #tpu.memory_space<hbm>> -> memref<8x80xi32, #tpu.memory_space<hbm>>
      tpu.enqueue_dma source(%dma_start3A_140 : memref<8x80xi32, #tpu.memory_space<hbm>>) target(%arg23 : memref<8x80xi32, #tpu.memory_space<vmem>>) target_semaphore(%run_scoped3A_132 : memref<!tpu.dma_semaphore, #tpu.memory_space<semaphore_mem>>)
      %dma_wait3A_141 = arith.constant 0 : i32
      %dma_wait3A_142 = arith.constant 0 : i32
      %dma_wait3A_143 = tpu.memref_slice %arg6[%arg1, %dma_wait3A_141, %dma_wait3A_142] : memref<16x8x80xi32, #tpu.memory_space<hbm>> -> memref<1x8x80xi32, #tpu.memory_space<hbm>>
      %dma_wait3A_144 = tpu.memref_squeeze %dma_wait3A_143 : memref<1x8x80xi32, #tpu.memory_space<hbm>> -> memref<8x80xi32, #tpu.memory_space<hbm>>
      %dma_wait3A_145 = arith.constant 0 : i32
      %dma_wait3A_146 = arith.constant 0 : i32
      %dma_wait3A_147 = tpu.memref_slice %arg6[%arg1, %dma_wait3A_145, %dma_wait3A_146] : memref<16x8x80xi32, #tpu.memory_space<hbm>> -> memref<1x8x80xi32, #tpu.memory_space<hbm>>
      %dma_wait3A_148 = tpu.memref_squeeze %dma_wait3A_147 : memref<1x8x80xi32, #tpu.memory_space<hbm>> -> memref<8x80xi32, #tpu.memory_space<hbm>>
      tpu.wait_dma2 semaphore(%run_scoped3A_132 : memref<!tpu.dma_semaphore, #tpu.memory_space<semaphore_mem>>) src(%dma_wait3A_148 : memref<8x80xi32, #tpu.memory_space<hbm>>) dst(%arg23 : memref<8x80xi32, #tpu.memory_space<vmem>>)
      tpu.yield
    }) : () -> ()
    "tpu.region"() ({
      %run_scoped3A_132 = tpu.sem_alloc : memref<!tpu.dma_semaphore, #tpu.memory_space<semaphore_mem>>
      tpu.enqueue_dma source(%arg10 : memref<128x16xf32, #tpu.memory_space<hbm>>) target(%arg20 : memref<128x16xf32, #tpu.memory_space<vmem>>) target_semaphore(%run_scoped3A_132 : memref<!tpu.dma_semaphore, #tpu.memory_space<semaphore_mem>>)
      tpu.wait_dma2 semaphore(%run_scoped3A_132 : memref<!tpu.dma_semaphore, #tpu.memory_space<semaphore_mem>>) src(%arg10 : memref<128x16xf32, #tpu.memory_space<hbm>>) dst(%arg20 : memref<128x16xf32, #tpu.memory_space<vmem>>)
      tpu.yield
    }) : () -> ()
    %barrier3A = arith.constant 0 : index
    tpu.barrier barrier_id(%barrier3A)
    %dma_start3A = arith.constant 0 : i32
    %dma_start3A_3 = arith.constant 0 : i32
    %dma_start3A_4 = tpu.memref_slice %arg22[%dma_start3A, %dma_start3A_3] : memref<4x96xi32, #tpu.memory_space<vmem>> -> memref<1x96xi32, #tpu.memory_space<vmem>>
    %dma_start3A_5 = tpu.memref_squeeze %dma_start3A_4 : memref<1x96xi32, #tpu.memory_space<vmem>> -> memref<96xi32, #tpu.memory_space<vmem>>
    %dma_start3A_6 = arith.constant 0 : i32
    %dma_start3A_7 = arith.constant 0 : i32
    %dma_start3A_8 = tpu.memref_slice %arg4[%dma_start3A_6, %dma_start3A_7] : memref<10112x48xf32, #tpu.memory_space<hbm>> -> memref<10112x48xf32, #tpu.memory_space<hbm>>
    tpu.enqueue_indirect_dma source(%dma_start3A_8 : memref<10112x48xf32, #tpu.memory_space<hbm>>) target(%arg21 : memref<96x48xf32, #tpu.memory_space<vmem>>) offsets(%dma_start3A_5 : memref<96xi32, #tpu.memory_space<vmem>>) semaphore(%arg24 : memref<!tpu.dma_semaphore, #tpu.memory_space<semaphore_mem>>)
    %dma_wait3A = arith.constant 0 : i32
    %dma_wait3A_9 = arith.constant 0 : i32
    %dma_wait3A_10 = tpu.memref_slice %arg22[%dma_wait3A, %dma_wait3A_9] : memref<4x96xi32, #tpu.memory_space<vmem>> -> memref<1x96xi32, #tpu.memory_space<vmem>>
    %dma_wait3A_11 = tpu.memref_squeeze %dma_wait3A_10 : memref<1x96xi32, #tpu.memory_space<vmem>> -> memref<96xi32, #tpu.memory_space<vmem>>
    %dma_wait3A_12 = arith.constant 0 : i32
    %dma_wait3A_13 = arith.constant 0 : i32
    %dma_wait3A_14 = tpu.memref_slice %arg4[%dma_wait3A_12, %dma_wait3A_13] : memref<10112x48xf32, #tpu.memory_space<hbm>> -> memref<10112x48xf32, #tpu.memory_space<hbm>>
    tpu.wait_indirect_dma semaphore(%arg24 : memref<!tpu.dma_semaphore, #tpu.memory_space<semaphore_mem>>) src(%dma_wait3A_14 : memref<10112x48xf32, #tpu.memory_space<hbm>>) dst(%arg21 : memref<96x48xf32, #tpu.memory_space<vmem>>)
    %run_scoped3A = arith.constant 0 : i32
    "tpu.region"() ({
      %run_scoped3A_132 = tpu.sem_alloc : memref<!tpu.dma_semaphore, #tpu.memory_space<semaphore_mem>>
      %dma_start3A_133 = arith.constant 0 : i32
      %dma_start3A_134 = tpu.memref_slice %arg22[%run_scoped3A, %dma_start3A_133] : memref<4x96xi32, #tpu.memory_space<vmem>> -> memref<1x96xi32, #tpu.memory_space<vmem>>
      %dma_start3A_135 = tpu.memref_squeeze %dma_start3A_134 : memref<1x96xi32, #tpu.memory_space<vmem>> -> memref<96xi32, #tpu.memory_space<vmem>>
      %dma_start3A_136 = arith.constant 0 : i32
      %dma_start3A_137 = arith.constant 0 : i32
      %dma_start3A_138 = tpu.memref_slice %arg32[%dma_start3A_136, %dma_start3A_137] : memref<10112x48xf32, #tpu.memory_space<vmem_shared>> -> memref<10112x48xf32, #tpu.memory_space<vmem_shared>>
      tpu.enqueue_indirect_dma source(%arg21 : memref<96x48xf32, #tpu.memory_space<vmem>>) target(%dma_start3A_138 : memref<10112x48xf32, #tpu.memory_space<vmem_shared>>) offsets(%dma_start3A_135 : memref<96xi32, #tpu.memory_space<vmem>>) semaphore(%run_scoped3A_132 : memref<!tpu.dma_semaphore, #tpu.memory_space<semaphore_mem>>)
      %dma_wait3A_139 = arith.constant 0 : i32
      %dma_wait3A_140 = tpu.memref_slice %arg22[%run_scoped3A, %dma_wait3A_139] : memref<4x96xi32, #tpu.memory_space<vmem>> -> memref<1x96xi32, #tpu.memory_space<vmem>>
      %dma_wait3A_141 = tpu.memref_squeeze %dma_wait3A_140 : memref<1x96xi32, #tpu.memory_space<vmem>> -> memref<96xi32, #tpu.memory_space<vmem>>
      %dma_wait3A_142 = arith.constant 0 : i32
      %dma_wait3A_143 = arith.constant 0 : i32
      %dma_wait3A_144 = tpu.memref_slice %arg32[%dma_wait3A_142, %dma_wait3A_143] : memref<10112x48xf32, #tpu.memory_space<vmem_shared>> -> memref<10112x48xf32, #tpu.memory_space<vmem_shared>>
      tpu.wait_indirect_dma semaphore(%run_scoped3A_132 : memref<!tpu.dma_semaphore, #tpu.memory_space<semaphore_mem>>) src(%arg21 : memref<96x48xf32, #tpu.memory_space<vmem>>) dst(%dma_wait3A_144 : memref<10112x48xf32, #tpu.memory_space<vmem_shared>>)
      tpu.yield
    }) : () -> ()
    %dma_start3A_15 = arith.constant 1 : i32
    %dma_start3A_16 = arith.constant 0 : i32
    %dma_start3A_17 = tpu.memref_slice %arg22[%dma_start3A_15, %dma_start3A_16] : memref<4x96xi32, #tpu.memory_space<vmem>> -> memref<1x96xi32, #tpu.memory_space<vmem>>
    %dma_start3A_18 = tpu.memref_squeeze %dma_start3A_17 : memref<1x96xi32, #tpu.memory_space<vmem>> -> memref<96xi32, #tpu.memory_space<vmem>>
    %dma_start3A_19 = arith.constant 0 : i32
    %dma_start3A_20 = arith.constant 0 : i32
    %dma_start3A_21 = tpu.memref_slice %arg4[%dma_start3A_19, %dma_start3A_20] : memref<10112x48xf32, #tpu.memory_space<hbm>> -> memref<10112x48xf32, #tpu.memory_space<hbm>>
    tpu.enqueue_indirect_dma source(%dma_start3A_21 : memref<10112x48xf32, #tpu.memory_space<hbm>>) target(%arg21 : memref<96x48xf32, #tpu.memory_space<vmem>>) offsets(%dma_start3A_18 : memref<96xi32, #tpu.memory_space<vmem>>) semaphore(%arg24 : memref<!tpu.dma_semaphore, #tpu.memory_space<semaphore_mem>>)
    %dma_wait3A_22 = arith.constant 1 : i32
    %dma_wait3A_23 = arith.constant 0 : i32
    %dma_wait3A_24 = tpu.memref_slice %arg22[%dma_wait3A_22, %dma_wait3A_23] : memref<4x96xi32, #tpu.memory_space<vmem>> -> memref<1x96xi32, #tpu.memory_space<vmem>>
    %dma_wait3A_25 = tpu.memref_squeeze %dma_wait3A_24 : memref<1x96xi32, #tpu.memory_space<vmem>> -> memref<96xi32, #tpu.memory_space<vmem>>
    %dma_wait3A_26 = arith.constant 0 : i32
    %dma_wait3A_27 = arith.constant 0 : i32
    %dma_wait3A_28 = tpu.memref_slice %arg4[%dma_wait3A_26, %dma_wait3A_27] : memref<10112x48xf32, #tpu.memory_space<hbm>> -> memref<10112x48xf32, #tpu.memory_space<hbm>>
    tpu.wait_indirect_dma semaphore(%arg24 : memref<!tpu.dma_semaphore, #tpu.memory_space<semaphore_mem>>) src(%dma_wait3A_28 : memref<10112x48xf32, #tpu.memory_space<hbm>>) dst(%arg21 : memref<96x48xf32, #tpu.memory_space<vmem>>)
    %run_scoped3A_29 = arith.constant 1 : i32
    "tpu.region"() ({
      %run_scoped3A_132 = tpu.sem_alloc : memref<!tpu.dma_semaphore, #tpu.memory_space<semaphore_mem>>
      %dma_start3A_133 = arith.constant 0 : i32
      %dma_start3A_134 = tpu.memref_slice %arg22[%run_scoped3A_29, %dma_start3A_133] : memref<4x96xi32, #tpu.memory_space<vmem>> -> memref<1x96xi32, #tpu.memory_space<vmem>>
      %dma_start3A_135 = tpu.memref_squeeze %dma_start3A_134 : memref<1x96xi32, #tpu.memory_space<vmem>> -> memref<96xi32, #tpu.memory_space<vmem>>
      %dma_start3A_136 = arith.constant 0 : i32
      %dma_start3A_137 = arith.constant 0 : i32
      %dma_start3A_138 = tpu.memref_slice %arg32[%dma_start3A_136, %dma_start3A_137] : memref<10112x48xf32, #tpu.memory_space<vmem_shared>> -> memref<10112x48xf32, #tpu.memory_space<vmem_shared>>
      tpu.enqueue_indirect_dma source(%arg21 : memref<96x48xf32, #tpu.memory_space<vmem>>) target(%dma_start3A_138 : memref<10112x48xf32, #tpu.memory_space<vmem_shared>>) offsets(%dma_start3A_135 : memref<96xi32, #tpu.memory_space<vmem>>) semaphore(%run_scoped3A_132 : memref<!tpu.dma_semaphore, #tpu.memory_space<semaphore_mem>>)
      %dma_wait3A_139 = arith.constant 0 : i32
      %dma_wait3A_140 = tpu.memref_slice %arg22[%run_scoped3A_29, %dma_wait3A_139] : memref<4x96xi32, #tpu.memory_space<vmem>> -> memref<1x96xi32, #tpu.memory_space<vmem>>
      %dma_wait3A_141 = tpu.memref_squeeze %dma_wait3A_140 : memref<1x96xi32, #tpu.memory_space<vmem>> -> memref<96xi32, #tpu.memory_space<vmem>>
      %dma_wait3A_142 = arith.constant 0 : i32
      %dma_wait3A_143 = arith.constant 0 : i32
      %dma_wait3A_144 = tpu.memref_slice %arg32[%dma_wait3A_142, %dma_wait3A_143] : memref<10112x48xf32, #tpu.memory_space<vmem_shared>> -> memref<10112x48xf32, #tpu.memory_space<vmem_shared>>
      tpu.wait_indirect_dma semaphore(%run_scoped3A_132 : memref<!tpu.dma_semaphore, #tpu.memory_space<semaphore_mem>>) src(%arg21 : memref<96x48xf32, #tpu.memory_space<vmem>>) dst(%dma_wait3A_144 : memref<10112x48xf32, #tpu.memory_space<vmem_shared>>)
      tpu.yield
    }) : () -> ()
    %dma_start3A_30 = arith.constant 2 : i32
    %dma_start3A_31 = arith.constant 0 : i32
    %dma_start3A_32 = tpu.memref_slice %arg22[%dma_start3A_30, %dma_start3A_31] : memref<4x96xi32, #tpu.memory_space<vmem>> -> memref<1x96xi32, #tpu.memory_space<vmem>>
    %dma_start3A_33 = tpu.memref_squeeze %dma_start3A_32 : memref<1x96xi32, #tpu.memory_space<vmem>> -> memref<96xi32, #tpu.memory_space<vmem>>
    %dma_start3A_34 = arith.constant 0 : i32
    %dma_start3A_35 = arith.constant 0 : i32
    %dma_start3A_36 = tpu.memref_slice %arg4[%dma_start3A_34, %dma_start3A_35] : memref<10112x48xf32, #tpu.memory_space<hbm>> -> memref<10112x48xf32, #tpu.memory_space<hbm>>
    tpu.enqueue_indirect_dma source(%dma_start3A_36 : memref<10112x48xf32, #tpu.memory_space<hbm>>) target(%arg21 : memref<96x48xf32, #tpu.memory_space<vmem>>) offsets(%dma_start3A_33 : memref<96xi32, #tpu.memory_space<vmem>>) semaphore(%arg24 : memref<!tpu.dma_semaphore, #tpu.memory_space<semaphore_mem>>)
    %dma_wait3A_37 = arith.constant 2 : i32
    %dma_wait3A_38 = arith.constant 0 : i32
    %dma_wait3A_39 = tpu.memref_slice %arg22[%dma_wait3A_37, %dma_wait3A_38] : memref<4x96xi32, #tpu.memory_space<vmem>> -> memref<1x96xi32, #tpu.memory_space<vmem>>
    %dma_wait3A_40 = tpu.memref_squeeze %dma_wait3A_39 : memref<1x96xi32, #tpu.memory_space<vmem>> -> memref<96xi32, #tpu.memory_space<vmem>>
    %dma_wait3A_41 = arith.constant 0 : i32
    %dma_wait3A_42 = arith.constant 0 : i32
    %dma_wait3A_43 = tpu.memref_slice %arg4[%dma_wait3A_41, %dma_wait3A_42] : memref<10112x48xf32, #tpu.memory_space<hbm>> -> memref<10112x48xf32, #tpu.memory_space<hbm>>
    tpu.wait_indirect_dma semaphore(%arg24 : memref<!tpu.dma_semaphore, #tpu.memory_space<semaphore_mem>>) src(%dma_wait3A_43 : memref<10112x48xf32, #tpu.memory_space<hbm>>) dst(%arg21 : memref<96x48xf32, #tpu.memory_space<vmem>>)
    %run_scoped3A_44 = arith.constant 2 : i32
    "tpu.region"() ({
      %run_scoped3A_132 = tpu.sem_alloc : memref<!tpu.dma_semaphore, #tpu.memory_space<semaphore_mem>>
      %dma_start3A_133 = arith.constant 0 : i32
      %dma_start3A_134 = tpu.memref_slice %arg22[%run_scoped3A_44, %dma_start3A_133] : memref<4x96xi32, #tpu.memory_space<vmem>> -> memref<1x96xi32, #tpu.memory_space<vmem>>
      %dma_start3A_135 = tpu.memref_squeeze %dma_start3A_134 : memref<1x96xi32, #tpu.memory_space<vmem>> -> memref<96xi32, #tpu.memory_space<vmem>>
      %dma_start3A_136 = arith.constant 0 : i32
      %dma_start3A_137 = arith.constant 0 : i32
      %dma_start3A_138 = tpu.memref_slice %arg32[%dma_start3A_136, %dma_start3A_137] : memref<10112x48xf32, #tpu.memory_space<vmem_shared>> -> memref<10112x48xf32, #tpu.memory_space<vmem_shared>>
      tpu.enqueue_indirect_dma source(%arg21 : memref<96x48xf32, #tpu.memory_space<vmem>>) target(%dma_start3A_138 : memref<10112x48xf32, #tpu.memory_space<vmem_shared>>) offsets(%dma_start3A_135 : memref<96xi32, #tpu.memory_space<vmem>>) semaphore(%run_scoped3A_132 : memref<!tpu.dma_semaphore, #tpu.memory_space<semaphore_mem>>)
      %dma_wait3A_139 = arith.constant 0 : i32
      %dma_wait3A_140 = tpu.memref_slice %arg22[%run_scoped3A_44, %dma_wait3A_139] : memref<4x96xi32, #tpu.memory_space<vmem>> -> memref<1x96xi32, #tpu.memory_space<vmem>>
      %dma_wait3A_141 = tpu.memref_squeeze %dma_wait3A_140 : memref<1x96xi32, #tpu.memory_space<vmem>> -> memref<96xi32, #tpu.memory_space<vmem>>
      %dma_wait3A_142 = arith.constant 0 : i32
      %dma_wait3A_143 = arith.constant 0 : i32
      %dma_wait3A_144 = tpu.memref_slice %arg32[%dma_wait3A_142, %dma_wait3A_143] : memref<10112x48xf32, #tpu.memory_space<vmem_shared>> -> memref<10112x48xf32, #tpu.memory_space<vmem_shared>>
      tpu.wait_indirect_dma semaphore(%run_scoped3A_132 : memref<!tpu.dma_semaphore, #tpu.memory_space<semaphore_mem>>) src(%arg21 : memref<96x48xf32, #tpu.memory_space<vmem>>) dst(%dma_wait3A_144 : memref<10112x48xf32, #tpu.memory_space<vmem_shared>>)
      tpu.yield
    }) : () -> ()
    %dma_start3A_45 = arith.constant 3 : i32
    %dma_start3A_46 = arith.constant 0 : i32
    %dma_start3A_47 = tpu.memref_slice %arg22[%dma_start3A_45, %dma_start3A_46] : memref<4x96xi32, #tpu.memory_space<vmem>> -> memref<1x96xi32, #tpu.memory_space<vmem>>
    %dma_start3A_48 = tpu.memref_squeeze %dma_start3A_47 : memref<1x96xi32, #tpu.memory_space<vmem>> -> memref<96xi32, #tpu.memory_space<vmem>>
    %dma_start3A_49 = arith.constant 0 : i32
    %dma_start3A_50 = arith.constant 0 : i32
    %dma_start3A_51 = tpu.memref_slice %arg4[%dma_start3A_49, %dma_start3A_50] : memref<10112x48xf32, #tpu.memory_space<hbm>> -> memref<10112x48xf32, #tpu.memory_space<hbm>>
    tpu.enqueue_indirect_dma source(%dma_start3A_51 : memref<10112x48xf32, #tpu.memory_space<hbm>>) target(%arg21 : memref<96x48xf32, #tpu.memory_space<vmem>>) offsets(%dma_start3A_48 : memref<96xi32, #tpu.memory_space<vmem>>) semaphore(%arg24 : memref<!tpu.dma_semaphore, #tpu.memory_space<semaphore_mem>>)
    %dma_wait3A_52 = arith.constant 3 : i32
    %dma_wait3A_53 = arith.constant 0 : i32
    %dma_wait3A_54 = tpu.memref_slice %arg22[%dma_wait3A_52, %dma_wait3A_53] : memref<4x96xi32, #tpu.memory_space<vmem>> -> memref<1x96xi32, #tpu.memory_space<vmem>>
    %dma_wait3A_55 = tpu.memref_squeeze %dma_wait3A_54 : memref<1x96xi32, #tpu.memory_space<vmem>> -> memref<96xi32, #tpu.memory_space<vmem>>
    %dma_wait3A_56 = arith.constant 0 : i32
    %dma_wait3A_57 = arith.constant 0 : i32
    %dma_wait3A_58 = tpu.memref_slice %arg4[%dma_wait3A_56, %dma_wait3A_57] : memref<10112x48xf32, #tpu.memory_space<hbm>> -> memref<10112x48xf32, #tpu.memory_space<hbm>>
    tpu.wait_indirect_dma semaphore(%arg24 : memref<!tpu.dma_semaphore, #tpu.memory_space<semaphore_mem>>) src(%dma_wait3A_58 : memref<10112x48xf32, #tpu.memory_space<hbm>>) dst(%arg21 : memref<96x48xf32, #tpu.memory_space<vmem>>)
    %run_scoped3A_59 = arith.constant 3 : i32
    "tpu.region"() ({
      %run_scoped3A_132 = tpu.sem_alloc : memref<!tpu.dma_semaphore, #tpu.memory_space<semaphore_mem>>
      %dma_start3A_133 = arith.constant 0 : i32
      %dma_start3A_134 = tpu.memref_slice %arg22[%run_scoped3A_59, %dma_start3A_133] : memref<4x96xi32, #tpu.memory_space<vmem>> -> memref<1x96xi32, #tpu.memory_space<vmem>>
      %dma_start3A_135 = tpu.memref_squeeze %dma_start3A_134 : memref<1x96xi32, #tpu.memory_space<vmem>> -> memref<96xi32, #tpu.memory_space<vmem>>
      %dma_start3A_136 = arith.constant 0 : i32
      %dma_start3A_137 = arith.constant 0 : i32
      %dma_start3A_138 = tpu.memref_slice %arg32[%dma_start3A_136, %dma_start3A_137] : memref<10112x48xf32, #tpu.memory_space<vmem_shared>> -> memref<10112x48xf32, #tpu.memory_space<vmem_shared>>
      tpu.enqueue_indirect_dma source(%arg21 : memref<96x48xf32, #tpu.memory_space<vmem>>) target(%dma_start3A_138 : memref<10112x48xf32, #tpu.memory_space<vmem_shared>>) offsets(%dma_start3A_135 : memref<96xi32, #tpu.memory_space<vmem>>) semaphore(%run_scoped3A_132 : memref<!tpu.dma_semaphore, #tpu.memory_space<semaphore_mem>>)
      %dma_wait3A_139 = arith.constant 0 : i32
      %dma_wait3A_140 = tpu.memref_slice %arg22[%run_scoped3A_59, %dma_wait3A_139] : memref<4x96xi32, #tpu.memory_space<vmem>> -> memref<1x96xi32, #tpu.memory_space<vmem>>
      %dma_wait3A_141 = tpu.memref_squeeze %dma_wait3A_140 : memref<1x96xi32, #tpu.memory_space<vmem>> -> memref<96xi32, #tpu.memory_space<vmem>>
      %dma_wait3A_142 = arith.constant 0 : i32
      %dma_wait3A_143 = arith.constant 0 : i32
      %dma_wait3A_144 = tpu.memref_slice %arg32[%dma_wait3A_142, %dma_wait3A_143] : memref<10112x48xf32, #tpu.memory_space<vmem_shared>> -> memref<10112x48xf32, #tpu.memory_space<vmem_shared>>
      tpu.wait_indirect_dma semaphore(%run_scoped3A_132 : memref<!tpu.dma_semaphore, #tpu.memory_space<semaphore_mem>>) src(%arg21 : memref<96x48xf32, #tpu.memory_space<vmem>>) dst(%dma_wait3A_144 : memref<10112x48xf32, #tpu.memory_space<vmem_shared>>)
      tpu.yield
    }) : () -> ()
    %run_scoped3A_60 = arith.constant 0 : i32
    "tpu.region"() ({
      %run_scoped3A_132 = tpu.sem_alloc : memref<!tpu.dma_semaphore, #tpu.memory_space<semaphore_mem>>
      %dma_start3A_133 = arith.constant 0 : i32
      %dma_start3A_134 = arith.constant 0 : i32
      %dma_start3A_135 = tpu.memref_slice %arg20[%dma_start3A_133, %dma_start3A_134] : memref<128x16xf32, #tpu.memory_space<vmem>> -> memref<80x16xf32, #tpu.memory_space<vmem>>
      %dma_start3A_136 = arith.constant 0 : i32
      %dma_start3A_137 = tpu.memref_slice %arg23[%run_scoped3A_60, %dma_start3A_136] : memref<8x80xi32, #tpu.memory_space<vmem>> -> memref<1x80xi32, #tpu.memory_space<vmem>>
      %dma_start3A_138 = tpu.memref_squeeze %dma_start3A_137 : memref<1x80xi32, #tpu.memory_space<vmem>> -> memref<80xi32, #tpu.memory_space<vmem>>
      %dma_start3A_139 = arith.constant 0 : i32
      %dma_start3A_140 = arith.constant 0 : i32
      %dma_start3A_141 = tpu.memref_slice %arg33[%dma_start3A_139, %dma_start3A_140] : memref<10112x16xf32, #tpu.memory_space<vmem_shared>> -> memref<10112x16xf32, #tpu.memory_space<vmem_shared>>
      tpu.enqueue_indirect_dma source(%dma_start3A_135 : memref<80x16xf32, #tpu.memory_space<vmem>>) target(%dma_start3A_141 : memref<10112x16xf32, #tpu.memory_space<vmem_shared>>) offsets(%dma_start3A_138 : memref<80xi32, #tpu.memory_space<vmem>>) semaphore(%run_scoped3A_132 : memref<!tpu.dma_semaphore, #tpu.memory_space<semaphore_mem>>)
      %dma_wait3A_142 = arith.constant 0 : i32
      %dma_wait3A_143 = arith.constant 0 : i32
      %dma_wait3A_144 = tpu.memref_slice %arg20[%dma_wait3A_142, %dma_wait3A_143] : memref<128x16xf32, #tpu.memory_space<vmem>> -> memref<80x16xf32, #tpu.memory_space<vmem>>
      %dma_wait3A_145 = arith.constant 0 : i32
      %dma_wait3A_146 = tpu.memref_slice %arg23[%run_scoped3A_60, %dma_wait3A_145] : memref<8x80xi32, #tpu.memory_space<vmem>> -> memref<1x80xi32, #tpu.memory_space<vmem>>
      %dma_wait3A_147 = tpu.memref_squeeze %dma_wait3A_146 : memref<1x80xi32, #tpu.memory_space<vmem>> -> memref<80xi32, #tpu.memory_space<vmem>>
      %dma_wait3A_148 = arith.constant 0 : i32
      %dma_wait3A_149 = arith.constant 0 : i32
      %dma_wait3A_150 = tpu.memref_slice %arg33[%dma_wait3A_148, %dma_wait3A_149] : memref<10112x16xf32, #tpu.memory_space<vmem_shared>> -> memref<10112x16xf32, #tpu.memory_space<vmem_shared>>
      tpu.wait_indirect_dma semaphore(%run_scoped3A_132 : memref<!tpu.dma_semaphore, #tpu.memory_space<semaphore_mem>>) src(%dma_wait3A_144 : memref<80x16xf32, #tpu.memory_space<vmem>>) dst(%dma_wait3A_150 : memref<10112x16xf32, #tpu.memory_space<vmem_shared>>)
      tpu.yield
    }) : () -> ()
    %run_scoped3A_61 = arith.constant 1 : i32
    "tpu.region"() ({
      %run_scoped3A_132 = tpu.sem_alloc : memref<!tpu.dma_semaphore, #tpu.memory_space<semaphore_mem>>
      %dma_start3A_133 = arith.constant 0 : i32
      %dma_start3A_134 = arith.constant 0 : i32
      %dma_start3A_135 = tpu.memref_slice %arg20[%dma_start3A_133, %dma_start3A_134] : memref<128x16xf32, #tpu.memory_space<vmem>> -> memref<80x16xf32, #tpu.memory_space<vmem>>
      %dma_start3A_136 = arith.constant 0 : i32
      %dma_start3A_137 = tpu.memref_slice %arg23[%run_scoped3A_61, %dma_start3A_136] : memref<8x80xi32, #tpu.memory_space<vmem>> -> memref<1x80xi32, #tpu.memory_space<vmem>>
      %dma_start3A_138 = tpu.memref_squeeze %dma_start3A_137 : memref<1x80xi32, #tpu.memory_space<vmem>> -> memref<80xi32, #tpu.memory_space<vmem>>
      %dma_start3A_139 = arith.constant 0 : i32
      %dma_start3A_140 = arith.constant 0 : i32
      %dma_start3A_141 = tpu.memref_slice %arg33[%dma_start3A_139, %dma_start3A_140] : memref<10112x16xf32, #tpu.memory_space<vmem_shared>> -> memref<10112x16xf32, #tpu.memory_space<vmem_shared>>
      tpu.enqueue_indirect_dma source(%dma_start3A_135 : memref<80x16xf32, #tpu.memory_space<vmem>>) target(%dma_start3A_141 : memref<10112x16xf32, #tpu.memory_space<vmem_shared>>) offsets(%dma_start3A_138 : memref<80xi32, #tpu.memory_space<vmem>>) semaphore(%run_scoped3A_132 : memref<!tpu.dma_semaphore, #tpu.memory_space<semaphore_mem>>)
      %dma_wait3A_142 = arith.constant 0 : i32
      %dma_wait3A_143 = arith.constant 0 : i32
      %dma_wait3A_144 = tpu.memref_slice %arg20[%dma_wait3A_142, %dma_wait3A_143] : memref<128x16xf32, #tpu.memory_space<vmem>> -> memref<80x16xf32, #tpu.memory_space<vmem>>
      %dma_wait3A_145 = arith.constant 0 : i32
      %dma_wait3A_146 = tpu.memref_slice %arg23[%run_scoped3A_61, %dma_wait3A_145] : memref<8x80xi32, #tpu.memory_space<vmem>> -> memref<1x80xi32, #tpu.memory_space<vmem>>
      %dma_wait3A_147 = tpu.memref_squeeze %dma_wait3A_146 : memref<1x80xi32, #tpu.memory_space<vmem>> -> memref<80xi32, #tpu.memory_space<vmem>>
      %dma_wait3A_148 = arith.constant 0 : i32
      %dma_wait3A_149 = arith.constant 0 : i32
      %dma_wait3A_150 = tpu.memref_slice %arg33[%dma_wait3A_148, %dma_wait3A_149] : memref<10112x16xf32, #tpu.memory_space<vmem_shared>> -> memref<10112x16xf32, #tpu.memory_space<vmem_shared>>
      tpu.wait_indirect_dma semaphore(%run_scoped3A_132 : memref<!tpu.dma_semaphore, #tpu.memory_space<semaphore_mem>>) src(%dma_wait3A_144 : memref<80x16xf32, #tpu.memory_space<vmem>>) dst(%dma_wait3A_150 : memref<10112x16xf32, #tpu.memory_space<vmem_shared>>)
      tpu.yield
    }) : () -> ()
    %run_scoped3A_62 = arith.constant 2 : i32
    "tpu.region"() ({
      %run_scoped3A_132 = tpu.sem_alloc : memref<!tpu.dma_semaphore, #tpu.memory_space<semaphore_mem>>
      %dma_start3A_133 = arith.constant 0 : i32
      %dma_start3A_134 = arith.constant 0 : i32
      %dma_start3A_135 = tpu.memref_slice %arg20[%dma_start3A_133, %dma_start3A_134] : memref<128x16xf32, #tpu.memory_space<vmem>> -> memref<80x16xf32, #tpu.memory_space<vmem>>
      %dma_start3A_136 = arith.constant 0 : i32
      %dma_start3A_137 = tpu.memref_slice %arg23[%run_scoped3A_62, %dma_start3A_136] : memref<8x80xi32, #tpu.memory_space<vmem>> -> memref<1x80xi32, #tpu.memory_space<vmem>>
      %dma_start3A_138 = tpu.memref_squeeze %dma_start3A_137 : memref<1x80xi32, #tpu.memory_space<vmem>> -> memref<80xi32, #tpu.memory_space<vmem>>
      %dma_start3A_139 = arith.constant 0 : i32
      %dma_start3A_140 = arith.constant 0 : i32
      %dma_start3A_141 = tpu.memref_slice %arg33[%dma_start3A_139, %dma_start3A_140] : memref<10112x16xf32, #tpu.memory_space<vmem_shared>> -> memref<10112x16xf32, #tpu.memory_space<vmem_shared>>
      tpu.enqueue_indirect_dma source(%dma_start3A_135 : memref<80x16xf32, #tpu.memory_space<vmem>>) target(%dma_start3A_141 : memref<10112x16xf32, #tpu.memory_space<vmem_shared>>) offsets(%dma_start3A_138 : memref<80xi32, #tpu.memory_space<vmem>>) semaphore(%run_scoped3A_132 : memref<!tpu.dma_semaphore, #tpu.memory_space<semaphore_mem>>)
      %dma_wait3A_142 = arith.constant 0 : i32
      %dma_wait3A_143 = arith.constant 0 : i32
      %dma_wait3A_144 = tpu.memref_slice %arg20[%dma_wait3A_142, %dma_wait3A_143] : memref<128x16xf32, #tpu.memory_space<vmem>> -> memref<80x16xf32, #tpu.memory_space<vmem>>
      %dma_wait3A_145 = arith.constant 0 : i32
      %dma_wait3A_146 = tpu.memref_slice %arg23[%run_scoped3A_62, %dma_wait3A_145] : memref<8x80xi32, #tpu.memory_space<vmem>> -> memref<1x80xi32, #tpu.memory_space<vmem>>
      %dma_wait3A_147 = tpu.memref_squeeze %dma_wait3A_146 : memref<1x80xi32, #tpu.memory_space<vmem>> -> memref<80xi32, #tpu.memory_space<vmem>>
      %dma_wait3A_148 = arith.constant 0 : i32
      %dma_wait3A_149 = arith.constant 0 : i32
      %dma_wait3A_150 = tpu.memref_slice %arg33[%dma_wait3A_148, %dma_wait3A_149] : memref<10112x16xf32, #tpu.memory_space<vmem_shared>> -> memref<10112x16xf32, #tpu.memory_space<vmem_shared>>
      tpu.wait_indirect_dma semaphore(%run_scoped3A_132 : memref<!tpu.dma_semaphore, #tpu.memory_space<semaphore_mem>>) src(%dma_wait3A_144 : memref<80x16xf32, #tpu.memory_space<vmem>>) dst(%dma_wait3A_150 : memref<10112x16xf32, #tpu.memory_space<vmem_shared>>)
      tpu.yield
    }) : () -> ()
    %run_scoped3A_63 = arith.constant 3 : i32
    "tpu.region"() ({
      %run_scoped3A_132 = tpu.sem_alloc : memref<!tpu.dma_semaphore, #tpu.memory_space<semaphore_mem>>
      %dma_start3A_133 = arith.constant 0 : i32
      %dma_start3A_134 = arith.constant 0 : i32
      %dma_start3A_135 = tpu.memref_slice %arg20[%dma_start3A_133, %dma_start3A_134] : memref<128x16xf32, #tpu.memory_space<vmem>> -> memref<80x16xf32, #tpu.memory_space<vmem>>
      %dma_start3A_136 = arith.constant 0 : i32
      %dma_start3A_137 = tpu.memref_slice %arg23[%run_scoped3A_63, %dma_start3A_136] : memref<8x80xi32, #tpu.memory_space<vmem>> -> memref<1x80xi32, #tpu.memory_space<vmem>>
      %dma_start3A_138 = tpu.memref_squeeze %dma_start3A_137 : memref<1x80xi32, #tpu.memory_space<vmem>> -> memref<80xi32, #tpu.memory_space<vmem>>
      %dma_start3A_139 = arith.constant 0 : i32
      %dma_start3A_140 = arith.constant 0 : i32
      %dma_start3A_141 = tpu.memref_slice %arg33[%dma_start3A_139, %dma_start3A_140] : memref<10112x16xf32, #tpu.memory_space<vmem_shared>> -> memref<10112x16xf32, #tpu.memory_space<vmem_shared>>
      tpu.enqueue_indirect_dma source(%dma_start3A_135 : memref<80x16xf32, #tpu.memory_space<vmem>>) target(%dma_start3A_141 : memref<10112x16xf32, #tpu.memory_space<vmem_shared>>) offsets(%dma_start3A_138 : memref<80xi32, #tpu.memory_space<vmem>>) semaphore(%run_scoped3A_132 : memref<!tpu.dma_semaphore, #tpu.memory_space<semaphore_mem>>)
      %dma_wait3A_142 = arith.constant 0 : i32
      %dma_wait3A_143 = arith.constant 0 : i32
      %dma_wait3A_144 = tpu.memref_slice %arg20[%dma_wait3A_142, %dma_wait3A_143] : memref<128x16xf32, #tpu.memory_space<vmem>> -> memref<80x16xf32, #tpu.memory_space<vmem>>
      %dma_wait3A_145 = arith.constant 0 : i32
      %dma_wait3A_146 = tpu.memref_slice %arg23[%run_scoped3A_63, %dma_wait3A_145] : memref<8x80xi32, #tpu.memory_space<vmem>> -> memref<1x80xi32, #tpu.memory_space<vmem>>
      %dma_wait3A_147 = tpu.memref_squeeze %dma_wait3A_146 : memref<1x80xi32, #tpu.memory_space<vmem>> -> memref<80xi32, #tpu.memory_space<vmem>>
      %dma_wait3A_148 = arith.constant 0 : i32
      %dma_wait3A_149 = arith.constant 0 : i32
      %dma_wait3A_150 = tpu.memref_slice %arg33[%dma_wait3A_148, %dma_wait3A_149] : memref<10112x16xf32, #tpu.memory_space<vmem_shared>> -> memref<10112x16xf32, #tpu.memory_space<vmem_shared>>
      tpu.wait_indirect_dma semaphore(%run_scoped3A_132 : memref<!tpu.dma_semaphore, #tpu.memory_space<semaphore_mem>>) src(%dma_wait3A_144 : memref<80x16xf32, #tpu.memory_space<vmem>>) dst(%dma_wait3A_150 : memref<10112x16xf32, #tpu.memory_space<vmem_shared>>)
      tpu.yield
    }) : () -> ()
    %run_scoped3A_64 = arith.constant 4 : i32
    "tpu.region"() ({
      %run_scoped3A_132 = tpu.sem_alloc : memref<!tpu.dma_semaphore, #tpu.memory_space<semaphore_mem>>
      %dma_start3A_133 = arith.constant 0 : i32
      %dma_start3A_134 = arith.constant 0 : i32
      %dma_start3A_135 = tpu.memref_slice %arg20[%dma_start3A_133, %dma_start3A_134] : memref<128x16xf32, #tpu.memory_space<vmem>> -> memref<80x16xf32, #tpu.memory_space<vmem>>
      %dma_start3A_136 = arith.constant 0 : i32
      %dma_start3A_137 = tpu.memref_slice %arg23[%run_scoped3A_64, %dma_start3A_136] : memref<8x80xi32, #tpu.memory_space<vmem>> -> memref<1x80xi32, #tpu.memory_space<vmem>>
      %dma_start3A_138 = tpu.memref_squeeze %dma_start3A_137 : memref<1x80xi32, #tpu.memory_space<vmem>> -> memref<80xi32, #tpu.memory_space<vmem>>
      %dma_start3A_139 = arith.constant 0 : i32
      %dma_start3A_140 = arith.constant 0 : i32
      %dma_start3A_141 = tpu.memref_slice %arg33[%dma_start3A_139, %dma_start3A_140] : memref<10112x16xf32, #tpu.memory_space<vmem_shared>> -> memref<10112x16xf32, #tpu.memory_space<vmem_shared>>
      tpu.enqueue_indirect_dma source(%dma_start3A_135 : memref<80x16xf32, #tpu.memory_space<vmem>>) target(%dma_start3A_141 : memref<10112x16xf32, #tpu.memory_space<vmem_shared>>) offsets(%dma_start3A_138 : memref<80xi32, #tpu.memory_space<vmem>>) semaphore(%run_scoped3A_132 : memref<!tpu.dma_semaphore, #tpu.memory_space<semaphore_mem>>)
      %dma_wait3A_142 = arith.constant 0 : i32
      %dma_wait3A_143 = arith.constant 0 : i32
      %dma_wait3A_144 = tpu.memref_slice %arg20[%dma_wait3A_142, %dma_wait3A_143] : memref<128x16xf32, #tpu.memory_space<vmem>> -> memref<80x16xf32, #tpu.memory_space<vmem>>
      %dma_wait3A_145 = arith.constant 0 : i32
      %dma_wait3A_146 = tpu.memref_slice %arg23[%run_scoped3A_64, %dma_wait3A_145] : memref<8x80xi32, #tpu.memory_space<vmem>> -> memref<1x80xi32, #tpu.memory_space<vmem>>
      %dma_wait3A_147 = tpu.memref_squeeze %dma_wait3A_146 : memref<1x80xi32, #tpu.memory_space<vmem>> -> memref<80xi32, #tpu.memory_space<vmem>>
      %dma_wait3A_148 = arith.constant 0 : i32
      %dma_wait3A_149 = arith.constant 0 : i32
      %dma_wait3A_150 = tpu.memref_slice %arg33[%dma_wait3A_148, %dma_wait3A_149] : memref<10112x16xf32, #tpu.memory_space<vmem_shared>> -> memref<10112x16xf32, #tpu.memory_space<vmem_shared>>
      tpu.wait_indirect_dma semaphore(%run_scoped3A_132 : memref<!tpu.dma_semaphore, #tpu.memory_space<semaphore_mem>>) src(%dma_wait3A_144 : memref<80x16xf32, #tpu.memory_space<vmem>>) dst(%dma_wait3A_150 : memref<10112x16xf32, #tpu.memory_space<vmem_shared>>)
      tpu.yield
    }) : () -> ()
    %run_scoped3A_65 = arith.constant 5 : i32
    "tpu.region"() ({
      %run_scoped3A_132 = tpu.sem_alloc : memref<!tpu.dma_semaphore, #tpu.memory_space<semaphore_mem>>
      %dma_start3A_133 = arith.constant 0 : i32
      %dma_start3A_134 = arith.constant 0 : i32
      %dma_start3A_135 = tpu.memref_slice %arg20[%dma_start3A_133, %dma_start3A_134] : memref<128x16xf32, #tpu.memory_space<vmem>> -> memref<80x16xf32, #tpu.memory_space<vmem>>
      %dma_start3A_136 = arith.constant 0 : i32
      %dma_start3A_137 = tpu.memref_slice %arg23[%run_scoped3A_65, %dma_start3A_136] : memref<8x80xi32, #tpu.memory_space<vmem>> -> memref<1x80xi32, #tpu.memory_space<vmem>>
      %dma_start3A_138 = tpu.memref_squeeze %dma_start3A_137 : memref<1x80xi32, #tpu.memory_space<vmem>> -> memref<80xi32, #tpu.memory_space<vmem>>
      %dma_start3A_139 = arith.constant 0 : i32
      %dma_start3A_140 = arith.constant 0 : i32
      %dma_start3A_141 = tpu.memref_slice %arg33[%dma_start3A_139, %dma_start3A_140] : memref<10112x16xf32, #tpu.memory_space<vmem_shared>> -> memref<10112x16xf32, #tpu.memory_space<vmem_shared>>
      tpu.enqueue_indirect_dma source(%dma_start3A_135 : memref<80x16xf32, #tpu.memory_space<vmem>>) target(%dma_start3A_141 : memref<10112x16xf32, #tpu.memory_space<vmem_shared>>) offsets(%dma_start3A_138 : memref<80xi32, #tpu.memory_space<vmem>>) semaphore(%run_scoped3A_132 : memref<!tpu.dma_semaphore, #tpu.memory_space<semaphore_mem>>)
      %dma_wait3A_142 = arith.constant 0 : i32
      %dma_wait3A_143 = arith.constant 0 : i32
      %dma_wait3A_144 = tpu.memref_slice %arg20[%dma_wait3A_142, %dma_wait3A_143] : memref<128x16xf32, #tpu.memory_space<vmem>> -> memref<80x16xf32, #tpu.memory_space<vmem>>
      %dma_wait3A_145 = arith.constant 0 : i32
      %dma_wait3A_146 = tpu.memref_slice %arg23[%run_scoped3A_65, %dma_wait3A_145] : memref<8x80xi32, #tpu.memory_space<vmem>> -> memref<1x80xi32, #tpu.memory_space<vmem>>
      %dma_wait3A_147 = tpu.memref_squeeze %dma_wait3A_146 : memref<1x80xi32, #tpu.memory_space<vmem>> -> memref<80xi32, #tpu.memory_space<vmem>>
      %dma_wait3A_148 = arith.constant 0 : i32
      %dma_wait3A_149 = arith.constant 0 : i32
      %dma_wait3A_150 = tpu.memref_slice %arg33[%dma_wait3A_148, %dma_wait3A_149] : memref<10112x16xf32, #tpu.memory_space<vmem_shared>> -> memref<10112x16xf32, #tpu.memory_space<vmem_shared>>
      tpu.wait_indirect_dma semaphore(%run_scoped3A_132 : memref<!tpu.dma_semaphore, #tpu.memory_space<semaphore_mem>>) src(%dma_wait3A_144 : memref<80x16xf32, #tpu.memory_space<vmem>>) dst(%dma_wait3A_150 : memref<10112x16xf32, #tpu.memory_space<vmem_shared>>)
      tpu.yield
    }) : () -> ()
    %run_scoped3A_66 = arith.constant 6 : i32
    "tpu.region"() ({
      %run_scoped3A_132 = tpu.sem_alloc : memref<!tpu.dma_semaphore, #tpu.memory_space<semaphore_mem>>
      %dma_start3A_133 = arith.constant 0 : i32
      %dma_start3A_134 = arith.constant 0 : i32
      %dma_start3A_135 = tpu.memref_slice %arg20[%dma_start3A_133, %dma_start3A_134] : memref<128x16xf32, #tpu.memory_space<vmem>> -> memref<80x16xf32, #tpu.memory_space<vmem>>
      %dma_start3A_136 = arith.constant 0 : i32
      %dma_start3A_137 = tpu.memref_slice %arg23[%run_scoped3A_66, %dma_start3A_136] : memref<8x80xi32, #tpu.memory_space<vmem>> -> memref<1x80xi32, #tpu.memory_space<vmem>>
      %dma_start3A_138 = tpu.memref_squeeze %dma_start3A_137 : memref<1x80xi32, #tpu.memory_space<vmem>> -> memref<80xi32, #tpu.memory_space<vmem>>
      %dma_start3A_139 = arith.constant 0 : i32
      %dma_start3A_140 = arith.constant 0 : i32
      %dma_start3A_141 = tpu.memref_slice %arg33[%dma_start3A_139, %dma_start3A_140] : memref<10112x16xf32, #tpu.memory_space<vmem_shared>> -> memref<10112x16xf32, #tpu.memory_space<vmem_shared>>
      tpu.enqueue_indirect_dma source(%dma_start3A_135 : memref<80x16xf32, #tpu.memory_space<vmem>>) target(%dma_start3A_141 : memref<10112x16xf32, #tpu.memory_space<vmem_shared>>) offsets(%dma_start3A_138 : memref<80xi32, #tpu.memory_space<vmem>>) semaphore(%run_scoped3A_132 : memref<!tpu.dma_semaphore, #tpu.memory_space<semaphore_mem>>)
      %dma_wait3A_142 = arith.constant 0 : i32
      %dma_wait3A_143 = arith.constant 0 : i32
      %dma_wait3A_144 = tpu.memref_slice %arg20[%dma_wait3A_142, %dma_wait3A_143] : memref<128x16xf32, #tpu.memory_space<vmem>> -> memref<80x16xf32, #tpu.memory_space<vmem>>
      %dma_wait3A_145 = arith.constant 0 : i32
      %dma_wait3A_146 = tpu.memref_slice %arg23[%run_scoped3A_66, %dma_wait3A_145] : memref<8x80xi32, #tpu.memory_space<vmem>> -> memref<1x80xi32, #tpu.memory_space<vmem>>
      %dma_wait3A_147 = tpu.memref_squeeze %dma_wait3A_146 : memref<1x80xi32, #tpu.memory_space<vmem>> -> memref<80xi32, #tpu.memory_space<vmem>>
      %dma_wait3A_148 = arith.constant 0 : i32
      %dma_wait3A_149 = arith.constant 0 : i32
      %dma_wait3A_150 = tpu.memref_slice %arg33[%dma_wait3A_148, %dma_wait3A_149] : memref<10112x16xf32, #tpu.memory_space<vmem_shared>> -> memref<10112x16xf32, #tpu.memory_space<vmem_shared>>
      tpu.wait_indirect_dma semaphore(%run_scoped3A_132 : memref<!tpu.dma_semaphore, #tpu.memory_space<semaphore_mem>>) src(%dma_wait3A_144 : memref<80x16xf32, #tpu.memory_space<vmem>>) dst(%dma_wait3A_150 : memref<10112x16xf32, #tpu.memory_space<vmem_shared>>)
      tpu.yield
    }) : () -> ()
    %run_scoped3A_67 = arith.constant 7 : i32
    "tpu.region"() ({
      %run_scoped3A_132 = tpu.sem_alloc : memref<!tpu.dma_semaphore, #tpu.memory_space<semaphore_mem>>
      %dma_start3A_133 = arith.constant 0 : i32
      %dma_start3A_134 = arith.constant 0 : i32
      %dma_start3A_135 = tpu.memref_slice %arg20[%dma_start3A_133, %dma_start3A_134] : memref<128x16xf32, #tpu.memory_space<vmem>> -> memref<80x16xf32, #tpu.memory_space<vmem>>
      %dma_start3A_136 = arith.constant 0 : i32
      %dma_start3A_137 = tpu.memref_slice %arg23[%run_scoped3A_67, %dma_start3A_136] : memref<8x80xi32, #tpu.memory_space<vmem>> -> memref<1x80xi32, #tpu.memory_space<vmem>>
      %dma_start3A_138 = tpu.memref_squeeze %dma_start3A_137 : memref<1x80xi32, #tpu.memory_space<vmem>> -> memref<80xi32, #tpu.memory_space<vmem>>
      %dma_start3A_139 = arith.constant 0 : i32
      %dma_start3A_140 = arith.constant 0 : i32
      %dma_start3A_141 = tpu.memref_slice %arg33[%dma_start3A_139, %dma_start3A_140] : memref<10112x16xf32, #tpu.memory_space<vmem_shared>> -> memref<10112x16xf32, #tpu.memory_space<vmem_shared>>
      tpu.enqueue_indirect_dma source(%dma_start3A_135 : memref<80x16xf32, #tpu.memory_space<vmem>>) target(%dma_start3A_141 : memref<10112x16xf32, #tpu.memory_space<vmem_shared>>) offsets(%dma_start3A_138 : memref<80xi32, #tpu.memory_space<vmem>>) semaphore(%run_scoped3A_132 : memref<!tpu.dma_semaphore, #tpu.memory_space<semaphore_mem>>)
      %dma_wait3A_142 = arith.constant 0 : i32
      %dma_wait3A_143 = arith.constant 0 : i32
      %dma_wait3A_144 = tpu.memref_slice %arg20[%dma_wait3A_142, %dma_wait3A_143] : memref<128x16xf32, #tpu.memory_space<vmem>> -> memref<80x16xf32, #tpu.memory_space<vmem>>
      %dma_wait3A_145 = arith.constant 0 : i32
      %dma_wait3A_146 = tpu.memref_slice %arg23[%run_scoped3A_67, %dma_wait3A_145] : memref<8x80xi32, #tpu.memory_space<vmem>> -> memref<1x80xi32, #tpu.memory_space<vmem>>
      %dma_wait3A_147 = tpu.memref_squeeze %dma_wait3A_146 : memref<1x80xi32, #tpu.memory_space<vmem>> -> memref<80xi32, #tpu.memory_space<vmem>>
      %dma_wait3A_148 = arith.constant 0 : i32
      %dma_wait3A_149 = arith.constant 0 : i32
      %dma_wait3A_150 = tpu.memref_slice %arg33[%dma_wait3A_148, %dma_wait3A_149] : memref<10112x16xf32, #tpu.memory_space<vmem_shared>> -> memref<10112x16xf32, #tpu.memory_space<vmem_shared>>
      tpu.wait_indirect_dma semaphore(%run_scoped3A_132 : memref<!tpu.dma_semaphore, #tpu.memory_space<semaphore_mem>>) src(%dma_wait3A_144 : memref<80x16xf32, #tpu.memory_space<vmem>>) dst(%dma_wait3A_150 : memref<10112x16xf32, #tpu.memory_space<vmem_shared>>)
      tpu.yield
    }) : () -> ()
    %barrier3A_68 = arith.constant 0 : index
    tpu.barrier barrier_id(%barrier3A_68)
    "tpu.region"() ({
      %run_scoped3A_132 = tpu.sem_alloc : memref<!tpu.dma_semaphore, #tpu.memory_space<semaphore_mem>>
      %dma_start3A_133 = arith.constant 0 : i32
      %dma_start3A_134 = tpu.memref_slice %arg12[%mul3A_2, %dma_start3A_133] : memref<10112x48xf32, #tpu.memory_space<hbm>> -> memref<632x48xf32, #tpu.memory_space<hbm>>
      %dma_start3A_135 = arith.constant 0 : i32
      %dma_start3A_136 = tpu.memref_slice %arg32[%mul3A_2, %dma_start3A_135] : memref<10112x48xf32, #tpu.memory_space<vmem_shared>> -> memref<632x48xf32, #tpu.memory_space<vmem_shared>>
      tpu.enqueue_dma source(%dma_start3A_136 : memref<632x48xf32, #tpu.memory_space<vmem_shared>>) target(%dma_start3A_134 : memref<632x48xf32, #tpu.memory_space<hbm>>) target_semaphore(%run_scoped3A_132 : memref<!tpu.dma_semaphore, #tpu.memory_space<semaphore_mem>>)
      %dma_wait3A_137 = arith.constant 0 : i32
      %dma_wait3A_138 = tpu.memref_slice %arg12[%mul3A_2, %dma_wait3A_137] : memref<10112x48xf32, #tpu.memory_space<hbm>> -> memref<632x48xf32, #tpu.memory_space<hbm>>
      %dma_wait3A_139 = arith.constant 0 : i32
      %dma_wait3A_140 = tpu.memref_slice %arg32[%mul3A_2, %dma_wait3A_139] : memref<10112x48xf32, #tpu.memory_space<vmem_shared>> -> memref<632x48xf32, #tpu.memory_space<vmem_shared>>
      tpu.wait_dma2 semaphore(%run_scoped3A_132 : memref<!tpu.dma_semaphore, #tpu.memory_space<semaphore_mem>>) src(%dma_wait3A_140 : memref<632x48xf32, #tpu.memory_space<vmem_shared>>) dst(%dma_wait3A_138 : memref<632x48xf32, #tpu.memory_space<hbm>>)
      tpu.yield
    }) : () -> ()
    "tpu.region"() ({
      %run_scoped3A_132 = tpu.sem_alloc : memref<!tpu.dma_semaphore, #tpu.memory_space<semaphore_mem>>
      %dma_start3A_133 = arith.constant 0 : i32
      %dma_start3A_134 = tpu.memref_slice %arg13[%mul3A_2, %dma_start3A_133] : memref<10112x16xf32, #tpu.memory_space<hbm>> -> memref<632x16xf32, #tpu.memory_space<hbm>>
      %dma_start3A_135 = arith.constant 0 : i32
      %dma_start3A_136 = tpu.memref_slice %arg33[%mul3A_2, %dma_start3A_135] : memref<10112x16xf32, #tpu.memory_space<vmem_shared>> -> memref<632x16xf32, #tpu.memory_space<vmem_shared>>
      tpu.enqueue_dma source(%dma_start3A_136 : memref<632x16xf32, #tpu.memory_space<vmem_shared>>) target(%dma_start3A_134 : memref<632x16xf32, #tpu.memory_space<hbm>>) target_semaphore(%run_scoped3A_132 : memref<!tpu.dma_semaphore, #tpu.memory_space<semaphore_mem>>)
      %dma_wait3A_137 = arith.constant 0 : i32
      %dma_wait3A_138 = tpu.memref_slice %arg13[%mul3A_2, %dma_wait3A_137] : memref<10112x16xf32, #tpu.memory_space<hbm>> -> memref<632x16xf32, #tpu.memory_space<hbm>>
      %dma_wait3A_139 = arith.constant 0 : i32
      %dma_wait3A_140 = tpu.memref_slice %arg33[%mul3A_2, %dma_wait3A_139] : memref<10112x16xf32, #tpu.memory_space<vmem_shared>> -> memref<632x16xf32, #tpu.memory_space<vmem_shared>>
      tpu.wait_dma2 semaphore(%run_scoped3A_132 : memref<!tpu.dma_semaphore, #tpu.memory_space<semaphore_mem>>) src(%dma_wait3A_140 : memref<632x16xf32, #tpu.memory_space<vmem_shared>>) dst(%dma_wait3A_138 : memref<632x16xf32, #tpu.memory_space<hbm>>)
      tpu.yield
    }) : () -> ()
    "tpu.region"() ({
      %run_scoped3A_132 = tpu.sem_alloc : memref<!tpu.dma_semaphore, #tpu.memory_space<semaphore_mem>>
      %dma_start3A_133 = arith.constant 0 : i32
      %dma_start3A_134 = tpu.memref_slice %arg32[%mul3A_2, %dma_start3A_133] : memref<10112x48xf32, #tpu.memory_space<vmem_shared>> -> memref<632x48xf32, #tpu.memory_space<vmem_shared>>
      %dma_start3A_135 = arith.constant 0 : i32
      %dma_start3A_136 = tpu.memref_slice %arg7[%mul3A_2, %dma_start3A_135] : memref<10112x48xf32, #tpu.memory_space<hbm>> -> memref<632x48xf32, #tpu.memory_space<hbm>>
      tpu.enqueue_dma source(%dma_start3A_136 : memref<632x48xf32, #tpu.memory_space<hbm>>) target(%dma_start3A_134 : memref<632x48xf32, #tpu.memory_space<vmem_shared>>) target_semaphore(%run_scoped3A_132 : memref<!tpu.dma_semaphore, #tpu.memory_space<semaphore_mem>>)
      %dma_wait3A_137 = arith.constant 0 : i32
      %dma_wait3A_138 = tpu.memref_slice %arg32[%mul3A_2, %dma_wait3A_137] : memref<10112x48xf32, #tpu.memory_space<vmem_shared>> -> memref<632x48xf32, #tpu.memory_space<vmem_shared>>
      %dma_wait3A_139 = arith.constant 0 : i32
      %dma_wait3A_140 = tpu.memref_slice %arg7[%mul3A_2, %dma_wait3A_139] : memref<10112x48xf32, #tpu.memory_space<hbm>> -> memref<632x48xf32, #tpu.memory_space<hbm>>
      tpu.wait_dma2 semaphore(%run_scoped3A_132 : memref<!tpu.dma_semaphore, #tpu.memory_space<semaphore_mem>>) src(%dma_wait3A_140 : memref<632x48xf32, #tpu.memory_space<hbm>>) dst(%dma_wait3A_138 : memref<632x48xf32, #tpu.memory_space<vmem_shared>>)
      tpu.yield
    }) : () -> ()
    %barrier3A_69 = arith.constant 0 : index
    tpu.barrier barrier_id(%barrier3A_69)
    "tpu.region"() ({
      %run_scoped3A_132 = tpu.sem_alloc : memref<!tpu.dma_semaphore, #tpu.memory_space<semaphore_mem>>
      %dma_start3A_133 = arith.constant 0 : i32
      %dma_start3A_134 = arith.constant 0 : i32
      %dma_start3A_135 = tpu.memref_slice %arg2[%add3A, %dma_start3A_133, %dma_start3A_134] : memref<32x200x50xi32, #tpu.memory_space<hbm>> -> memref<1x200x50xi32, #tpu.memory_space<hbm>>
      %dma_start3A_136 = tpu.memref_squeeze %dma_start3A_135 : memref<1x200x50xi32, #tpu.memory_space<hbm>> -> memref<200x50xi32, #tpu.memory_space<hbm>>
      %dma_start3A_137 = arith.constant 0 : i32
      %dma_start3A_138 = arith.constant 0 : i32
      %dma_start3A_139 = tpu.memref_slice %arg2[%add3A, %dma_start3A_137, %dma_start3A_138] : memref<32x200x50xi32, #tpu.memory_space<hbm>> -> memref<1x200x50xi32, #tpu.memory_space<hbm>>
      %dma_start3A_140 = tpu.memref_squeeze %dma_start3A_139 : memref<1x200x50xi32, #tpu.memory_space<hbm>> -> memref<200x50xi32, #tpu.memory_space<hbm>>
      tpu.enqueue_dma source(%dma_start3A_140 : memref<200x50xi32, #tpu.memory_space<hbm>>) target(%arg14 : memref<200x50xi32, #tpu.memory_space<vmem>>) target_semaphore(%run_scoped3A_132 : memref<!tpu.dma_semaphore, #tpu.memory_space<semaphore_mem>>)
      %dma_wait3A_141 = arith.constant 0 : i32
      %dma_wait3A_142 = arith.constant 0 : i32
      %dma_wait3A_143 = tpu.memref_slice %arg2[%add3A, %dma_wait3A_141, %dma_wait3A_142] : memref<32x200x50xi32, #tpu.memory_space<hbm>> -> memref<1x200x50xi32, #tpu.memory_space<hbm>>
      %dma_wait3A_144 = tpu.memref_squeeze %dma_wait3A_143 : memref<1x200x50xi32, #tpu.memory_space<hbm>> -> memref<200x50xi32, #tpu.memory_space<hbm>>
      %dma_wait3A_145 = arith.constant 0 : i32
      %dma_wait3A_146 = arith.constant 0 : i32
      %dma_wait3A_147 = tpu.memref_slice %arg2[%add3A, %dma_wait3A_145, %dma_wait3A_146] : memref<32x200x50xi32, #tpu.memory_space<hbm>> -> memref<1x200x50xi32, #tpu.memory_space<hbm>>
      %dma_wait3A_148 = tpu.memref_squeeze %dma_wait3A_147 : memref<1x200x50xi32, #tpu.memory_space<hbm>> -> memref<200x50xi32, #tpu.memory_space<hbm>>
      tpu.wait_dma2 semaphore(%run_scoped3A_132 : memref<!tpu.dma_semaphore, #tpu.memory_space<semaphore_mem>>) src(%dma_wait3A_148 : memref<200x50xi32, #tpu.memory_space<hbm>>) dst(%arg14 : memref<200x50xi32, #tpu.memory_space<vmem>>)
      tpu.yield
    }) : () -> ()
    "tpu.region"() ({
      %run_scoped3A_132 = tpu.sem_alloc : memref<!tpu.dma_semaphore, #tpu.memory_space<semaphore_mem>>
      %dma_start3A_133 = arith.constant 0 : i32
      %dma_start3A_134 = arith.constant 0 : i32
      %dma_start3A_135 = tpu.memref_slice %arg3[%add3A, %dma_start3A_133, %dma_start3A_134] : memref<32x200x50xi32, #tpu.memory_space<hbm>> -> memref<1x200x50xi32, #tpu.memory_space<hbm>>
      %dma_start3A_136 = tpu.memref_squeeze %dma_start3A_135 : memref<1x200x50xi32, #tpu.memory_space<hbm>> -> memref<200x50xi32, #tpu.memory_space<hbm>>
      %dma_start3A_137 = arith.constant 0 : i32
      %dma_start3A_138 = arith.constant 0 : i32
      %dma_start3A_139 = tpu.memref_slice %arg3[%add3A, %dma_start3A_137, %dma_start3A_138] : memref<32x200x50xi32, #tpu.memory_space<hbm>> -> memref<1x200x50xi32, #tpu.memory_space<hbm>>
      %dma_start3A_140 = tpu.memref_squeeze %dma_start3A_139 : memref<1x200x50xi32, #tpu.memory_space<hbm>> -> memref<200x50xi32, #tpu.memory_space<hbm>>
      tpu.enqueue_dma source(%dma_start3A_140 : memref<200x50xi32, #tpu.memory_space<hbm>>) target(%arg15 : memref<200x50xi32, #tpu.memory_space<vmem>>) target_semaphore(%run_scoped3A_132 : memref<!tpu.dma_semaphore, #tpu.memory_space<semaphore_mem>>)
      %dma_wait3A_141 = arith.constant 0 : i32
      %dma_wait3A_142 = arith.constant 0 : i32
      %dma_wait3A_143 = tpu.memref_slice %arg3[%add3A, %dma_wait3A_141, %dma_wait3A_142] : memref<32x200x50xi32, #tpu.memory_space<hbm>> -> memref<1x200x50xi32, #tpu.memory_space<hbm>>
      %dma_wait3A_144 = tpu.memref_squeeze %dma_wait3A_143 : memref<1x200x50xi32, #tpu.memory_space<hbm>> -> memref<200x50xi32, #tpu.memory_space<hbm>>
      %dma_wait3A_145 = arith.constant 0 : i32
      %dma_wait3A_146 = arith.constant 0 : i32
      %dma_wait3A_147 = tpu.memref_slice %arg3[%add3A, %dma_wait3A_145, %dma_wait3A_146] : memref<32x200x50xi32, #tpu.memory_space<hbm>> -> memref<1x200x50xi32, #tpu.memory_space<hbm>>
      %dma_wait3A_148 = tpu.memref_squeeze %dma_wait3A_147 : memref<1x200x50xi32, #tpu.memory_space<hbm>> -> memref<200x50xi32, #tpu.memory_space<hbm>>
      tpu.wait_dma2 semaphore(%run_scoped3A_132 : memref<!tpu.dma_semaphore, #tpu.memory_space<semaphore_mem>>) src(%dma_wait3A_148 : memref<200x50xi32, #tpu.memory_space<hbm>>) dst(%arg15 : memref<200x50xi32, #tpu.memory_space<vmem>>)
      tpu.yield
    }) : () -> ()
    %dma_start3A_70 = arith.constant 0 : i32
    %dma_start3A_71 = arith.constant 0 : i32
    %dma_start3A_72 = tpu.memref_slice %arg14[%dma_start3A_70, %dma_start3A_71] : memref<200x50xi32, #tpu.memory_space<vmem>> -> memref<1x50xi32, #tpu.memory_space<vmem>>
    %dma_start3A_73 = tpu.memref_squeeze %dma_start3A_72 : memref<1x50xi32, #tpu.memory_space<vmem>> -> memref<50xi32, #tpu.memory_space<vmem>>
    %dma_start3A_74 = arith.constant 0 : i32
    %dma_start3A_75 = arith.constant 0 : i32
    %dma_start3A_76 = tpu.memref_slice %arg12[%dma_start3A_74, %dma_start3A_75] : memref<10112x48xf32, #tpu.memory_space<hbm>> -> memref<10112x48xf32, #tpu.memory_space<hbm>>
    tpu.enqueue_indirect_dma source(%dma_start3A_76 : memref<10112x48xf32, #tpu.memory_space<hbm>>) target(%arg16 : memref<50x48xf32, #tpu.memory_space<vmem>>) offsets(%dma_start3A_73 : memref<50xi32, #tpu.memory_space<vmem>>) semaphore(%arg24 : memref<!tpu.dma_semaphore, #tpu.memory_space<semaphore_mem>>)
    %dma_start3A_77 = arith.constant 1 : i32
    %dma_start3A_78 = arith.constant 0 : i32
    %dma_start3A_79 = tpu.memref_slice %arg14[%dma_start3A_77, %dma_start3A_78] : memref<200x50xi32, #tpu.memory_space<vmem>> -> memref<1x50xi32, #tpu.memory_space<vmem>>
    %dma_start3A_80 = tpu.memref_squeeze %dma_start3A_79 : memref<1x50xi32, #tpu.memory_space<vmem>> -> memref<50xi32, #tpu.memory_space<vmem>>
    %dma_start3A_81 = arith.constant 0 : i32
    %dma_start3A_82 = arith.constant 0 : i32
    %dma_start3A_83 = tpu.memref_slice %arg12[%dma_start3A_81, %dma_start3A_82] : memref<10112x48xf32, #tpu.memory_space<hbm>> -> memref<10112x48xf32, #tpu.memory_space<hbm>>
    tpu.enqueue_indirect_dma source(%dma_start3A_83 : memref<10112x48xf32, #tpu.memory_space<hbm>>) target(%arg17 : memref<50x48xf32, #tpu.memory_space<vmem>>) offsets(%dma_start3A_80 : memref<50xi32, #tpu.memory_space<vmem>>) semaphore(%arg25 : memref<!tpu.dma_semaphore, #tpu.memory_space<semaphore_mem>>)
    %dma_start3A_84 = arith.constant 2 : i32
    %dma_start3A_85 = arith.constant 0 : i32
    %dma_start3A_86 = tpu.memref_slice %arg14[%dma_start3A_84, %dma_start3A_85] : memref<200x50xi32, #tpu.memory_space<vmem>> -> memref<1x50xi32, #tpu.memory_space<vmem>>
    %dma_start3A_87 = tpu.memref_squeeze %dma_start3A_86 : memref<1x50xi32, #tpu.memory_space<vmem>> -> memref<50xi32, #tpu.memory_space<vmem>>
    %dma_start3A_88 = arith.constant 0 : i32
    %dma_start3A_89 = arith.constant 0 : i32
    %dma_start3A_90 = tpu.memref_slice %arg12[%dma_start3A_88, %dma_start3A_89] : memref<10112x48xf32, #tpu.memory_space<hbm>> -> memref<10112x48xf32, #tpu.memory_space<hbm>>
    tpu.enqueue_indirect_dma source(%dma_start3A_90 : memref<10112x48xf32, #tpu.memory_space<hbm>>) target(%arg18 : memref<50x48xf32, #tpu.memory_space<vmem>>) offsets(%dma_start3A_87 : memref<50xi32, #tpu.memory_space<vmem>>) semaphore(%arg26 : memref<!tpu.dma_semaphore, #tpu.memory_space<semaphore_mem>>)
    %dma_start3A_91 = arith.constant 3 : i32
    %dma_start3A_92 = arith.constant 0 : i32
    %dma_start3A_93 = tpu.memref_slice %arg14[%dma_start3A_91, %dma_start3A_92] : memref<200x50xi32, #tpu.memory_space<vmem>> -> memref<1x50xi32, #tpu.memory_space<vmem>>
    %dma_start3A_94 = tpu.memref_squeeze %dma_start3A_93 : memref<1x50xi32, #tpu.memory_space<vmem>> -> memref<50xi32, #tpu.memory_space<vmem>>
    %dma_start3A_95 = arith.constant 0 : i32
    %dma_start3A_96 = arith.constant 0 : i32
    %dma_start3A_97 = tpu.memref_slice %arg12[%dma_start3A_95, %dma_start3A_96] : memref<10112x48xf32, #tpu.memory_space<hbm>> -> memref<10112x48xf32, #tpu.memory_space<hbm>>
    tpu.enqueue_indirect_dma source(%dma_start3A_97 : memref<10112x48xf32, #tpu.memory_space<hbm>>) target(%arg19 : memref<50x48xf32, #tpu.memory_space<vmem>>) offsets(%dma_start3A_94 : memref<50xi32, #tpu.memory_space<vmem>>) semaphore(%arg27 : memref<!tpu.dma_semaphore, #tpu.memory_space<semaphore_mem>>)
    %scan3A = arith.constant 0 : i32
    %scan3A_98 = arith.constant 0 : i32
    %scan3A_99 = arith.constant 50 : i32
    %scan3A_100 = arith.addi %scan3A_98, %scan3A_99 : i32
    %scan3A_101 = arith.constant 1 : i32
    scf.for %scan3A_132 = %scan3A_98 to %scan3A_100 step %scan3A_101  : i32 {
      %mul3A_133 = arith.constant 4 : i32
      %mul3A_134 = arith.muli %scan3A_132, %mul3A_133 : i32
      %add3A_135 = arith.constant 0 : i32
      %add3A_136 = arith.addi %mul3A_134, %add3A_135 : i32
      %dma_wait3A_137 = arith.constant 0 : i32
      %dma_wait3A_138 = tpu.memref_slice %arg14[%add3A_136, %dma_wait3A_137] : memref<200x50xi32, #tpu.memory_space<vmem>> -> memref<1x50xi32, #tpu.memory_space<vmem>>
      %dma_wait3A_139 = tpu.memref_squeeze %dma_wait3A_138 : memref<1x50xi32, #tpu.memory_space<vmem>> -> memref<50xi32, #tpu.memory_space<vmem>>
      %dma_wait3A_140 = arith.constant 0 : i32
      %dma_wait3A_141 = arith.constant 0 : i32
      %dma_wait3A_142 = tpu.memref_slice %arg12[%dma_wait3A_140, %dma_wait3A_141] : memref<10112x48xf32, #tpu.memory_space<hbm>> -> memref<10112x48xf32, #tpu.memory_space<hbm>>
      tpu.wait_indirect_dma semaphore(%arg24 : memref<!tpu.dma_semaphore, #tpu.memory_space<semaphore_mem>>) src(%dma_wait3A_142 : memref<10112x48xf32, #tpu.memory_space<hbm>>) dst(%arg16 : memref<50x48xf32, #tpu.memory_space<vmem>>)
      %dma_start3A_143 = arith.constant 0 : i32
      %dma_start3A_144 = tpu.memref_slice %arg15[%add3A_136, %dma_start3A_143] : memref<200x50xi32, #tpu.memory_space<vmem>> -> memref<1x50xi32, #tpu.memory_space<vmem>>
      %dma_start3A_145 = tpu.memref_squeeze %dma_start3A_144 : memref<1x50xi32, #tpu.memory_space<vmem>> -> memref<50xi32, #tpu.memory_space<vmem>>
      %dma_start3A_146 = arith.constant 0 : i32
      %dma_start3A_147 = arith.constant 0 : i32
      %dma_start3A_148 = tpu.memref_slice %arg32[%dma_start3A_146, %dma_start3A_147] : memref<10112x48xf32, #tpu.memory_space<vmem_shared>> -> memref<10112x48xf32, #tpu.memory_space<vmem_shared>>
      tpu.enqueue_indirect_dma source(%arg16 : memref<50x48xf32, #tpu.memory_space<vmem>>) target(%dma_start3A_148 : memref<10112x48xf32, #tpu.memory_space<vmem_shared>>) offsets(%dma_start3A_145 : memref<50xi32, #tpu.memory_space<vmem>>) semaphore(%arg28 : memref<!tpu.dma_semaphore, #tpu.memory_space<semaphore_mem>>) {add = true}
      %add3A_149 = arith.constant 2 : i32
      %add3A_150 = arith.addi %add3A_136, %add3A_149 : i32
      %ge3A = arith.constant 4 : i32
      %ge3A_151 = arith.cmpi sge, %add3A_150, %ge3A : i32
      %lt3A = arith.constant 200 : i32
      %lt3A_152 = arith.cmpi slt, %add3A_150, %lt3A : i32
      %and3A = arith.andi %ge3A_151, %lt3A_152 : i1
      %convert_element_type3A = arith.extui %and3A : i1 to i32
      %cond3A = arith.constant 0 : i32
      %cond3A_153 = arith.cmpi ne, %convert_element_type3A, %cond3A : i32
      scf.if %cond3A_153 {
        %dma_wait3A_232 = arith.constant 0 : i32
        %dma_wait3A_233 = tpu.memref_slice %arg15[%add3A_150, %dma_wait3A_232] : memref<200x50xi32, #tpu.memory_space<vmem>> -> memref<1x50xi32, #tpu.memory_space<vmem>>
        %dma_wait3A_234 = tpu.memref_squeeze %dma_wait3A_233 : memref<1x50xi32, #tpu.memory_space<vmem>> -> memref<50xi32, #tpu.memory_space<vmem>>
        %dma_wait3A_235 = arith.constant 0 : i32
        %dma_wait3A_236 = arith.constant 0 : i32
        %dma_wait3A_237 = tpu.memref_slice %arg32[%dma_wait3A_235, %dma_wait3A_236] : memref<10112x48xf32, #tpu.memory_space<vmem_shared>> -> memref<10112x48xf32, #tpu.memory_space<vmem_shared>>
        tpu.wait_indirect_dma semaphore(%arg30 : memref<!tpu.dma_semaphore, #tpu.memory_space<semaphore_mem>>) src(%arg18 : memref<50x48xf32, #tpu.memory_space<vmem>>) dst(%dma_wait3A_237 : memref<10112x48xf32, #tpu.memory_space<vmem_shared>>)
        %dma_start3A_238 = arith.constant 0 : i32
        %dma_start3A_239 = tpu.memref_slice %arg14[%add3A_150, %dma_start3A_238] : memref<200x50xi32, #tpu.memory_space<vmem>> -> memref<1x50xi32, #tpu.memory_space<vmem>>
        %dma_start3A_240 = tpu.memref_squeeze %dma_start3A_239 : memref<1x50xi32, #tpu.memory_space<vmem>> -> memref<50xi32, #tpu.memory_space<vmem>>
        %dma_start3A_241 = arith.constant 0 : i32
        %dma_start3A_242 = arith.constant 0 : i32
        %dma_start3A_243 = tpu.memref_slice %arg12[%dma_start3A_241, %dma_start3A_242] : memref<10112x48xf32, #tpu.memory_space<hbm>> -> memref<10112x48xf32, #tpu.memory_space<hbm>>
        tpu.enqueue_indirect_dma source(%dma_start3A_243 : memref<10112x48xf32, #tpu.memory_space<hbm>>) target(%arg18 : memref<50x48xf32, #tpu.memory_space<vmem>>) offsets(%dma_start3A_240 : memref<50xi32, #tpu.memory_space<vmem>>) semaphore(%arg26 : memref<!tpu.dma_semaphore, #tpu.memory_space<semaphore_mem>>)
      } else {
      }
      %mul3A_154 = arith.constant 4 : i32
      %mul3A_155 = arith.muli %scan3A_132, %mul3A_154 : i32
      %add3A_156 = arith.constant 1 : i32
      %add3A_157 = arith.addi %mul3A_155, %add3A_156 : i32
      %dma_wait3A_158 = arith.constant 0 : i32
      %dma_wait3A_159 = tpu.memref_slice %arg14[%add3A_157, %dma_wait3A_158] : memref<200x50xi32, #tpu.memory_space<vmem>> -> memref<1x50xi32, #tpu.memory_space<vmem>>
      %dma_wait3A_160 = tpu.memref_squeeze %dma_wait3A_159 : memref<1x50xi32, #tpu.memory_space<vmem>> -> memref<50xi32, #tpu.memory_space<vmem>>
      %dma_wait3A_161 = arith.constant 0 : i32
      %dma_wait3A_162 = arith.constant 0 : i32
      %dma_wait3A_163 = tpu.memref_slice %arg12[%dma_wait3A_161, %dma_wait3A_162] : memref<10112x48xf32, #tpu.memory_space<hbm>> -> memref<10112x48xf32, #tpu.memory_space<hbm>>
      tpu.wait_indirect_dma semaphore(%arg25 : memref<!tpu.dma_semaphore, #tpu.memory_space<semaphore_mem>>) src(%dma_wait3A_163 : memref<10112x48xf32, #tpu.memory_space<hbm>>) dst(%arg17 : memref<50x48xf32, #tpu.memory_space<vmem>>)
      %dma_start3A_164 = arith.constant 0 : i32
      %dma_start3A_165 = tpu.memref_slice %arg15[%add3A_157, %dma_start3A_164] : memref<200x50xi32, #tpu.memory_space<vmem>> -> memref<1x50xi32, #tpu.memory_space<vmem>>
      %dma_start3A_166 = tpu.memref_squeeze %dma_start3A_165 : memref<1x50xi32, #tpu.memory_space<vmem>> -> memref<50xi32, #tpu.memory_space<vmem>>
      %dma_start3A_167 = arith.constant 0 : i32
      %dma_start3A_168 = arith.constant 0 : i32
      %dma_start3A_169 = tpu.memref_slice %arg32[%dma_start3A_167, %dma_start3A_168] : memref<10112x48xf32, #tpu.memory_space<vmem_shared>> -> memref<10112x48xf32, #tpu.memory_space<vmem_shared>>
      tpu.enqueue_indirect_dma source(%arg17 : memref<50x48xf32, #tpu.memory_space<vmem>>) target(%dma_start3A_169 : memref<10112x48xf32, #tpu.memory_space<vmem_shared>>) offsets(%dma_start3A_166 : memref<50xi32, #tpu.memory_space<vmem>>) semaphore(%arg29 : memref<!tpu.dma_semaphore, #tpu.memory_space<semaphore_mem>>) {add = true}
      %add3A_170 = arith.constant 2 : i32
      %add3A_171 = arith.addi %add3A_157, %add3A_170 : i32
      %ge3A_172 = arith.constant 4 : i32
      %ge3A_173 = arith.cmpi sge, %add3A_171, %ge3A_172 : i32
      %lt3A_174 = arith.constant 200 : i32
      %lt3A_175 = arith.cmpi slt, %add3A_171, %lt3A_174 : i32
      %and3A_176 = arith.andi %ge3A_173, %lt3A_175 : i1
      %convert_element_type3A_177 = arith.extui %and3A_176 : i1 to i32
      %cond3A_178 = arith.constant 0 : i32
      %cond3A_179 = arith.cmpi ne, %convert_element_type3A_177, %cond3A_178 : i32
      scf.if %cond3A_179 {
        %dma_wait3A_232 = arith.constant 0 : i32
        %dma_wait3A_233 = tpu.memref_slice %arg15[%add3A_171, %dma_wait3A_232] : memref<200x50xi32, #tpu.memory_space<vmem>> -> memref<1x50xi32, #tpu.memory_space<vmem>>
        %dma_wait3A_234 = tpu.memref_squeeze %dma_wait3A_233 : memref<1x50xi32, #tpu.memory_space<vmem>> -> memref<50xi32, #tpu.memory_space<vmem>>
        %dma_wait3A_235 = arith.constant 0 : i32
        %dma_wait3A_236 = arith.constant 0 : i32
        %dma_wait3A_237 = tpu.memref_slice %arg32[%dma_wait3A_235, %dma_wait3A_236] : memref<10112x48xf32, #tpu.memory_space<vmem_shared>> -> memref<10112x48xf32, #tpu.memory_space<vmem_shared>>
        tpu.wait_indirect_dma semaphore(%arg31 : memref<!tpu.dma_semaphore, #tpu.memory_space<semaphore_mem>>) src(%arg19 : memref<50x48xf32, #tpu.memory_space<vmem>>) dst(%dma_wait3A_237 : memref<10112x48xf32, #tpu.memory_space<vmem_shared>>)
        %dma_start3A_238 = arith.constant 0 : i32
        %dma_start3A_239 = tpu.memref_slice %arg14[%add3A_171, %dma_start3A_238] : memref<200x50xi32, #tpu.memory_space<vmem>> -> memref<1x50xi32, #tpu.memory_space<vmem>>
        %dma_start3A_240 = tpu.memref_squeeze %dma_start3A_239 : memref<1x50xi32, #tpu.memory_space<vmem>> -> memref<50xi32, #tpu.memory_space<vmem>>
        %dma_start3A_241 = arith.constant 0 : i32
        %dma_start3A_242 = arith.constant 0 : i32
        %dma_start3A_243 = tpu.memref_slice %arg12[%dma_start3A_241, %dma_start3A_242] : memref<10112x48xf32, #tpu.memory_space<hbm>> -> memref<10112x48xf32, #tpu.memory_space<hbm>>
        tpu.enqueue_indirect_dma source(%dma_start3A_243 : memref<10112x48xf32, #tpu.memory_space<hbm>>) target(%arg19 : memref<50x48xf32, #tpu.memory_space<vmem>>) offsets(%dma_start3A_240 : memref<50xi32, #tpu.memory_space<vmem>>) semaphore(%arg27 : memref<!tpu.dma_semaphore, #tpu.memory_space<semaphore_mem>>)
      } else {
      }
      %mul3A_180 = arith.constant 4 : i32
      %mul3A_181 = arith.muli %scan3A_132, %mul3A_180 : i32
      %add3A_182 = arith.constant 2 : i32
      %add3A_183 = arith.addi %mul3A_181, %add3A_182 : i32
      %dma_wait3A_184 = arith.constant 0 : i32
      %dma_wait3A_185 = tpu.memref_slice %arg14[%add3A_183, %dma_wait3A_184] : memref<200x50xi32, #tpu.memory_space<vmem>> -> memref<1x50xi32, #tpu.memory_space<vmem>>
      %dma_wait3A_186 = tpu.memref_squeeze %dma_wait3A_185 : memref<1x50xi32, #tpu.memory_space<vmem>> -> memref<50xi32, #tpu.memory_space<vmem>>
      %dma_wait3A_187 = arith.constant 0 : i32
      %dma_wait3A_188 = arith.constant 0 : i32
      %dma_wait3A_189 = tpu.memref_slice %arg12[%dma_wait3A_187, %dma_wait3A_188] : memref<10112x48xf32, #tpu.memory_space<hbm>> -> memref<10112x48xf32, #tpu.memory_space<hbm>>
      tpu.wait_indirect_dma semaphore(%arg26 : memref<!tpu.dma_semaphore, #tpu.memory_space<semaphore_mem>>) src(%dma_wait3A_189 : memref<10112x48xf32, #tpu.memory_space<hbm>>) dst(%arg18 : memref<50x48xf32, #tpu.memory_space<vmem>>)
      %dma_start3A_190 = arith.constant 0 : i32
      %dma_start3A_191 = tpu.memref_slice %arg15[%add3A_183, %dma_start3A_190] : memref<200x50xi32, #tpu.memory_space<vmem>> -> memref<1x50xi32, #tpu.memory_space<vmem>>
      %dma_start3A_192 = tpu.memref_squeeze %dma_start3A_191 : memref<1x50xi32, #tpu.memory_space<vmem>> -> memref<50xi32, #tpu.memory_space<vmem>>
      %dma_start3A_193 = arith.constant 0 : i32
      %dma_start3A_194 = arith.constant 0 : i32
      %dma_start3A_195 = tpu.memref_slice %arg32[%dma_start3A_193, %dma_start3A_194] : memref<10112x48xf32, #tpu.memory_space<vmem_shared>> -> memref<10112x48xf32, #tpu.memory_space<vmem_shared>>
      tpu.enqueue_indirect_dma source(%arg18 : memref<50x48xf32, #tpu.memory_space<vmem>>) target(%dma_start3A_195 : memref<10112x48xf32, #tpu.memory_space<vmem_shared>>) offsets(%dma_start3A_192 : memref<50xi32, #tpu.memory_space<vmem>>) semaphore(%arg30 : memref<!tpu.dma_semaphore, #tpu.memory_space<semaphore_mem>>) {add = true}
      %add3A_196 = arith.constant 2 : i32
      %add3A_197 = arith.addi %add3A_183, %add3A_196 : i32
      %ge3A_198 = arith.constant 4 : i32
      %ge3A_199 = arith.cmpi sge, %add3A_197, %ge3A_198 : i32
      %lt3A_200 = arith.constant 200 : i32
      %lt3A_201 = arith.cmpi slt, %add3A_197, %lt3A_200 : i32
      %and3A_202 = arith.andi %ge3A_199, %lt3A_201 : i1
      %convert_element_type3A_203 = arith.extui %and3A_202 : i1 to i32
      %cond3A_204 = arith.constant 0 : i32
      %cond3A_205 = arith.cmpi ne, %convert_element_type3A_203, %cond3A_204 : i32
      scf.if %cond3A_205 {
        %dma_wait3A_232 = arith.constant 0 : i32
        %dma_wait3A_233 = tpu.memref_slice %arg15[%add3A_197, %dma_wait3A_232] : memref<200x50xi32, #tpu.memory_space<vmem>> -> memref<1x50xi32, #tpu.memory_space<vmem>>
        %dma_wait3A_234 = tpu.memref_squeeze %dma_wait3A_233 : memref<1x50xi32, #tpu.memory_space<vmem>> -> memref<50xi32, #tpu.memory_space<vmem>>
        %dma_wait3A_235 = arith.constant 0 : i32
        %dma_wait3A_236 = arith.constant 0 : i32
        %dma_wait3A_237 = tpu.memref_slice %arg32[%dma_wait3A_235, %dma_wait3A_236] : memref<10112x48xf32, #tpu.memory_space<vmem_shared>> -> memref<10112x48xf32, #tpu.memory_space<vmem_shared>>
        tpu.wait_indirect_dma semaphore(%arg28 : memref<!tpu.dma_semaphore, #tpu.memory_space<semaphore_mem>>) src(%arg16 : memref<50x48xf32, #tpu.memory_space<vmem>>) dst(%dma_wait3A_237 : memref<10112x48xf32, #tpu.memory_space<vmem_shared>>)
        %dma_start3A_238 = arith.constant 0 : i32
        %dma_start3A_239 = tpu.memref_slice %arg14[%add3A_197, %dma_start3A_238] : memref<200x50xi32, #tpu.memory_space<vmem>> -> memref<1x50xi32, #tpu.memory_space<vmem>>
        %dma_start3A_240 = tpu.memref_squeeze %dma_start3A_239 : memref<1x50xi32, #tpu.memory_space<vmem>> -> memref<50xi32, #tpu.memory_space<vmem>>
        %dma_start3A_241 = arith.constant 0 : i32
        %dma_start3A_242 = arith.constant 0 : i32
        %dma_start3A_243 = tpu.memref_slice %arg12[%dma_start3A_241, %dma_start3A_242] : memref<10112x48xf32, #tpu.memory_space<hbm>> -> memref<10112x48xf32, #tpu.memory_space<hbm>>
        tpu.enqueue_indirect_dma source(%dma_start3A_243 : memref<10112x48xf32, #tpu.memory_space<hbm>>) target(%arg16 : memref<50x48xf32, #tpu.memory_space<vmem>>) offsets(%dma_start3A_240 : memref<50xi32, #tpu.memory_space<vmem>>) semaphore(%arg24 : memref<!tpu.dma_semaphore, #tpu.memory_space<semaphore_mem>>)
      } else {
      }
      %mul3A_206 = arith.constant 4 : i32
      %mul3A_207 = arith.muli %scan3A_132, %mul3A_206 : i32
      %add3A_208 = arith.constant 3 : i32
      %add3A_209 = arith.addi %mul3A_207, %add3A_208 : i32
      %dma_wait3A_210 = arith.constant 0 : i32
      %dma_wait3A_211 = tpu.memref_slice %arg14[%add3A_209, %dma_wait3A_210] : memref<200x50xi32, #tpu.memory_space<vmem>> -> memref<1x50xi32, #tpu.memory_space<vmem>>
      %dma_wait3A_212 = tpu.memref_squeeze %dma_wait3A_211 : memref<1x50xi32, #tpu.memory_space<vmem>> -> memref<50xi32, #tpu.memory_space<vmem>>
      %dma_wait3A_213 = arith.constant 0 : i32
      %dma_wait3A_214 = arith.constant 0 : i32
      %dma_wait3A_215 = tpu.memref_slice %arg12[%dma_wait3A_213, %dma_wait3A_214] : memref<10112x48xf32, #tpu.memory_space<hbm>> -> memref<10112x48xf32, #tpu.memory_space<hbm>>
      tpu.wait_indirect_dma semaphore(%arg27 : memref<!tpu.dma_semaphore, #tpu.memory_space<semaphore_mem>>) src(%dma_wait3A_215 : memref<10112x48xf32, #tpu.memory_space<hbm>>) dst(%arg19 : memref<50x48xf32, #tpu.memory_space<vmem>>)
      %dma_start3A_216 = arith.constant 0 : i32
      %dma_start3A_217 = tpu.memref_slice %arg15[%add3A_209, %dma_start3A_216] : memref<200x50xi32, #tpu.memory_space<vmem>> -> memref<1x50xi32, #tpu.memory_space<vmem>>
      %dma_start3A_218 = tpu.memref_squeeze %dma_start3A_217 : memref<1x50xi32, #tpu.memory_space<vmem>> -> memref<50xi32, #tpu.memory_space<vmem>>
      %dma_start3A_219 = arith.constant 0 : i32
      %dma_start3A_220 = arith.constant 0 : i32
      %dma_start3A_221 = tpu.memref_slice %arg32[%dma_start3A_219, %dma_start3A_220] : memref<10112x48xf32, #tpu.memory_space<vmem_shared>> -> memref<10112x48xf32, #tpu.memory_space<vmem_shared>>
      tpu.enqueue_indirect_dma source(%arg19 : memref<50x48xf32, #tpu.memory_space<vmem>>) target(%dma_start3A_221 : memref<10112x48xf32, #tpu.memory_space<vmem_shared>>) offsets(%dma_start3A_218 : memref<50xi32, #tpu.memory_space<vmem>>) semaphore(%arg31 : memref<!tpu.dma_semaphore, #tpu.memory_space<semaphore_mem>>) {add = true}
      %add3A_222 = arith.constant 2 : i32
      %add3A_223 = arith.addi %add3A_209, %add3A_222 : i32
      %ge3A_224 = arith.constant 4 : i32
      %ge3A_225 = arith.cmpi sge, %add3A_223, %ge3A_224 : i32
      %lt3A_226 = arith.constant 200 : i32
      %lt3A_227 = arith.cmpi slt, %add3A_223, %lt3A_226 : i32
      %and3A_228 = arith.andi %ge3A_225, %lt3A_227 : i1
      %convert_element_type3A_229 = arith.extui %and3A_228 : i1 to i32
      %cond3A_230 = arith.constant 0 : i32
      %cond3A_231 = arith.cmpi ne, %convert_element_type3A_229, %cond3A_230 : i32
      scf.if %cond3A_231 {
        %dma_wait3A_232 = arith.constant 0 : i32
        %dma_wait3A_233 = tpu.memref_slice %arg15[%add3A_223, %dma_wait3A_232] : memref<200x50xi32, #tpu.memory_space<vmem>> -> memref<1x50xi32, #tpu.memory_space<vmem>>
        %dma_wait3A_234 = tpu.memref_squeeze %dma_wait3A_233 : memref<1x50xi32, #tpu.memory_space<vmem>> -> memref<50xi32, #tpu.memory_space<vmem>>
        %dma_wait3A_235 = arith.constant 0 : i32
        %dma_wait3A_236 = arith.constant 0 : i32
        %dma_wait3A_237 = tpu.memref_slice %arg32[%dma_wait3A_235, %dma_wait3A_236] : memref<10112x48xf32, #tpu.memory_space<vmem_shared>> -> memref<10112x48xf32, #tpu.memory_space<vmem_shared>>
        tpu.wait_indirect_dma semaphore(%arg29 : memref<!tpu.dma_semaphore, #tpu.memory_space<semaphore_mem>>) src(%arg17 : memref<50x48xf32, #tpu.memory_space<vmem>>) dst(%dma_wait3A_237 : memref<10112x48xf32, #tpu.memory_space<vmem_shared>>)
        %dma_start3A_238 = arith.constant 0 : i32
        %dma_start3A_239 = tpu.memref_slice %arg14[%add3A_223, %dma_start3A_238] : memref<200x50xi32, #tpu.memory_space<vmem>> -> memref<1x50xi32, #tpu.memory_space<vmem>>
        %dma_start3A_240 = tpu.memref_squeeze %dma_start3A_239 : memref<1x50xi32, #tpu.memory_space<vmem>> -> memref<50xi32, #tpu.memory_space<vmem>>
        %dma_start3A_241 = arith.constant 0 : i32
        %dma_start3A_242 = arith.constant 0 : i32
        %dma_start3A_243 = tpu.memref_slice %arg12[%dma_start3A_241, %dma_start3A_242] : memref<10112x48xf32, #tpu.memory_space<hbm>> -> memref<10112x48xf32, #tpu.memory_space<hbm>>
        tpu.enqueue_indirect_dma source(%dma_start3A_243 : memref<10112x48xf32, #tpu.memory_space<hbm>>) target(%arg17 : memref<50x48xf32, #tpu.memory_space<vmem>>) offsets(%dma_start3A_240 : memref<50xi32, #tpu.memory_space<vmem>>) semaphore(%arg25 : memref<!tpu.dma_semaphore, #tpu.memory_space<semaphore_mem>>)
      } else {
      }
    }
    %scan3A_102 = arith.constant 50 : i32
    %dma_wait3A_103 = arith.constant 0 : i32
    %dma_wait3A_104 = arith.constant 0 : i32
    %dma_wait3A_105 = tpu.memref_slice %arg15[%dma_wait3A_103, %dma_wait3A_104] : memref<200x50xi32, #tpu.memory_space<vmem>> -> memref<1x50xi32, #tpu.memory_space<vmem>>
    %dma_wait3A_106 = tpu.memref_squeeze %dma_wait3A_105 : memref<1x50xi32, #tpu.memory_space<vmem>> -> memref<50xi32, #tpu.memory_space<vmem>>
    %dma_wait3A_107 = arith.constant 0 : i32
    %dma_wait3A_108 = arith.constant 0 : i32
    %dma_wait3A_109 = tpu.memref_slice %arg32[%dma_wait3A_107, %dma_wait3A_108] : memref<10112x48xf32, #tpu.memory_space<vmem_shared>> -> memref<10112x48xf32, #tpu.memory_space<vmem_shared>>
    tpu.wait_indirect_dma semaphore(%arg28 : memref<!tpu.dma_semaphore, #tpu.memory_space<semaphore_mem>>) src(%arg16 : memref<50x48xf32, #tpu.memory_space<vmem>>) dst(%dma_wait3A_109 : memref<10112x48xf32, #tpu.memory_space<vmem_shared>>)
    %dma_wait3A_110 = arith.constant 0 : i32
    %dma_wait3A_111 = arith.constant 0 : i32
    %dma_wait3A_112 = tpu.memref_slice %arg15[%dma_wait3A_110, %dma_wait3A_111] : memref<200x50xi32, #tpu.memory_space<vmem>> -> memref<1x50xi32, #tpu.memory_space<vmem>>
    %dma_wait3A_113 = tpu.memref_squeeze %dma_wait3A_112 : memref<1x50xi32, #tpu.memory_space<vmem>> -> memref<50xi32, #tpu.memory_space<vmem>>
    %dma_wait3A_114 = arith.constant 0 : i32
    %dma_wait3A_115 = arith.constant 0 : i32
    %dma_wait3A_116 = tpu.memref_slice %arg32[%dma_wait3A_114, %dma_wait3A_115] : memref<10112x48xf32, #tpu.memory_space<vmem_shared>> -> memref<10112x48xf32, #tpu.memory_space<vmem_shared>>
    tpu.wait_indirect_dma semaphore(%arg29 : memref<!tpu.dma_semaphore, #tpu.memory_space<semaphore_mem>>) src(%arg17 : memref<50x48xf32, #tpu.memory_space<vmem>>) dst(%dma_wait3A_116 : memref<10112x48xf32, #tpu.memory_space<vmem_shared>>)
    %dma_wait3A_117 = arith.constant 0 : i32
    %dma_wait3A_118 = arith.constant 0 : i32
    %dma_wait3A_119 = tpu.memref_slice %arg15[%dma_wait3A_117, %dma_wait3A_118] : memref<200x50xi32, #tpu.memory_space<vmem>> -> memref<1x50xi32, #tpu.memory_space<vmem>>
    %dma_wait3A_120 = tpu.memref_squeeze %dma_wait3A_119 : memref<1x50xi32, #tpu.memory_space<vmem>> -> memref<50xi32, #tpu.memory_space<vmem>>
    %dma_wait3A_121 = arith.constant 0 : i32
    %dma_wait3A_122 = arith.constant 0 : i32
    %dma_wait3A_123 = tpu.memref_slice %arg32[%dma_wait3A_121, %dma_wait3A_122] : memref<10112x48xf32, #tpu.memory_space<vmem_shared>> -> memref<10112x48xf32, #tpu.memory_space<vmem_shared>>
    tpu.wait_indirect_dma semaphore(%arg30 : memref<!tpu.dma_semaphore, #tpu.memory_space<semaphore_mem>>) src(%arg18 : memref<50x48xf32, #tpu.memory_space<vmem>>) dst(%dma_wait3A_123 : memref<10112x48xf32, #tpu.memory_space<vmem_shared>>)
    %dma_wait3A_124 = arith.constant 0 : i32
    %dma_wait3A_125 = arith.constant 0 : i32
    %dma_wait3A_126 = tpu.memref_slice %arg15[%dma_wait3A_124, %dma_wait3A_125] : memref<200x50xi32, #tpu.memory_space<vmem>> -> memref<1x50xi32, #tpu.memory_space<vmem>>
    %dma_wait3A_127 = tpu.memref_squeeze %dma_wait3A_126 : memref<1x50xi32, #tpu.memory_space<vmem>> -> memref<50xi32, #tpu.memory_space<vmem>>
    %dma_wait3A_128 = arith.constant 0 : i32
    %dma_wait3A_129 = arith.constant 0 : i32
    %dma_wait3A_130 = tpu.memref_slice %arg32[%dma_wait3A_128, %dma_wait3A_129] : memref<10112x48xf32, #tpu.memory_space<vmem_shared>> -> memref<10112x48xf32, #tpu.memory_space<vmem_shared>>
    tpu.wait_indirect_dma semaphore(%arg31 : memref<!tpu.dma_semaphore, #tpu.memory_space<semaphore_mem>>) src(%arg19 : memref<50x48xf32, #tpu.memory_space<vmem>>) dst(%dma_wait3A_130 : memref<10112x48xf32, #tpu.memory_space<vmem_shared>>)
    %barrier3A_131 = arith.constant 0 : index
    tpu.barrier barrier_id(%barrier3A_131)
    "tpu.region"() ({
      %run_scoped3A_132 = tpu.sem_alloc : memref<!tpu.dma_semaphore, #tpu.memory_space<semaphore_mem>>
      %dma_start3A_133 = arith.constant 0 : i32
      %dma_start3A_134 = tpu.memref_slice %arg11[%arg0, %mul3A_2, %dma_start3A_133] : memref<2x10112x48xf32, #tpu.memory_space<hbm>> -> memref<1x632x48xf32, #tpu.memory_space<hbm>>
      %dma_start3A_135 = tpu.memref_squeeze %dma_start3A_134 : memref<1x632x48xf32, #tpu.memory_space<hbm>> -> memref<632x48xf32, #tpu.memory_space<hbm>>
      %dma_start3A_136 = arith.constant 0 : i32
      %dma_start3A_137 = tpu.memref_slice %arg32[%mul3A_2, %dma_start3A_136] : memref<10112x48xf32, #tpu.memory_space<vmem_shared>> -> memref<632x48xf32, #tpu.memory_space<vmem_shared>>
      tpu.enqueue_dma source(%dma_start3A_137 : memref<632x48xf32, #tpu.memory_space<vmem_shared>>) target(%dma_start3A_135 : memref<632x48xf32, #tpu.memory_space<hbm>>) target_semaphore(%run_scoped3A_132 : memref<!tpu.dma_semaphore, #tpu.memory_space<semaphore_mem>>)
      %dma_wait3A_138 = arith.constant 0 : i32
      %dma_wait3A_139 = tpu.memref_slice %arg11[%arg0, %mul3A_2, %dma_wait3A_138] : memref<2x10112x48xf32, #tpu.memory_space<hbm>> -> memref<1x632x48xf32, #tpu.memory_space<hbm>>
      %dma_wait3A_140 = tpu.memref_squeeze %dma_wait3A_139 : memref<1x632x48xf32, #tpu.memory_space<hbm>> -> memref<632x48xf32, #tpu.memory_space<hbm>>
      %dma_wait3A_141 = arith.constant 0 : i32
      %dma_wait3A_142 = tpu.memref_slice %arg32[%mul3A_2, %dma_wait3A_141] : memref<10112x48xf32, #tpu.memory_space<vmem_shared>> -> memref<632x48xf32, #tpu.memory_space<vmem_shared>>
      tpu.wait_dma2 semaphore(%run_scoped3A_132 : memref<!tpu.dma_semaphore, #tpu.memory_space<semaphore_mem>>) src(%dma_wait3A_142 : memref<632x48xf32, #tpu.memory_space<vmem_shared>>) dst(%dma_wait3A_140 : memref<632x48xf32, #tpu.memory_space<hbm>>)
      tpu.yield
    }) : () -> ()
    return
  }
}

#map = affine_map<(d0, d1) -> (0, 0)>
#map1 = affine_map<(d0, d1) -> (0, 0, 0)>
module attributes {stable_mosaic.version = 14 : i64} {
  func.func @_sc_feat_body(%arg0: i32, %arg1: i32, %arg2: memref<10000x128xf32, #tpu.memory_space<hbm>>, %arg3: memref<32x200x50xi32, #tpu.memory_space<hbm>>, %arg4: memref<32x200x50xi32, #tpu.memory_space<hbm>>, %arg5: memref<10112x128xf32, #tpu.memory_space<hbm>>, %arg6: memref<2x10112x128xf32, #tpu.memory_space<hbm>>, %arg7: memref<200x50xi32, #tpu.memory_space<vmem>>, %arg8: memref<200x50xi32, #tpu.memory_space<vmem>>, %arg9: memref<50x128xf32, #tpu.memory_space<vmem>>, %arg10: memref<50x128xf32, #tpu.memory_space<vmem>>, %arg11: memref<50x128xf32, #tpu.memory_space<vmem>>, %arg12: memref<50x128xf32, #tpu.memory_space<vmem>>, %arg13: memref<!tpu.dma_semaphore, #tpu.memory_space<semaphore_mem>>, %arg14: memref<!tpu.dma_semaphore, #tpu.memory_space<semaphore_mem>>, %arg15: memref<!tpu.dma_semaphore, #tpu.memory_space<semaphore_mem>>, %arg16: memref<!tpu.dma_semaphore, #tpu.memory_space<semaphore_mem>>, %arg17: memref<!tpu.dma_semaphore, #tpu.memory_space<semaphore_mem>>, %arg18: memref<!tpu.dma_semaphore, #tpu.memory_space<semaphore_mem>>, %arg19: memref<!tpu.dma_semaphore, #tpu.memory_space<semaphore_mem>>, %arg20: memref<!tpu.dma_semaphore, #tpu.memory_space<semaphore_mem>>, %arg21: memref<10112x128xf32, #tpu.memory_space<vmem_shared>>) attributes {dimension_semantics = [#tpu.dimension_semantics<core_parallel>, #tpu.dimension_semantics<subcore_parallel>], iteration_bounds = array<i64: 2, 16>, scalar_prefetch = 0 : i64, scratch_operands = 15 : i64, tpu.core_type = #tpu.core_type<sc_vector_subcore>, window_params = [{transform_indices = #map}, {transform_indices = #map1}, {transform_indices = #map1}, {transform_indices = #map}, {transform_indices = #map1}]} {
    %mul3A = arith.constant 2 : i32
    %mul3A_0 = arith.muli %arg1, %mul3A : i32
    %add3A = arith.addi %mul3A_0, %arg0 : i32
    %mul3A_1 = arith.constant 632 : i32
    %mul3A_2 = arith.muli %arg1, %mul3A_1 : i32
    "tpu.region"() ({
      %run_scoped3A = tpu.sem_alloc : memref<!tpu.dma_semaphore, #tpu.memory_space<semaphore_mem>>
      %dma_start3A_63 = arith.constant 0 : i32
      %dma_start3A_64 = tpu.memref_slice %arg21[%mul3A_2, %dma_start3A_63] : memref<10112x128xf32, #tpu.memory_space<vmem_shared>> -> memref<632x128xf32, #tpu.memory_space<vmem_shared>>
      %dma_start3A_65 = arith.constant 0 : i32
      %dma_start3A_66 = tpu.memref_slice %arg5[%mul3A_2, %dma_start3A_65] : memref<10112x128xf32, #tpu.memory_space<hbm>> -> memref<632x128xf32, #tpu.memory_space<hbm>>
      tpu.enqueue_dma source(%dma_start3A_66 : memref<632x128xf32, #tpu.memory_space<hbm>>) target(%dma_start3A_64 : memref<632x128xf32, #tpu.memory_space<vmem_shared>>) target_semaphore(%run_scoped3A : memref<!tpu.dma_semaphore, #tpu.memory_space<semaphore_mem>>)
      %dma_wait3A_67 = arith.constant 0 : i32
      %dma_wait3A_68 = tpu.memref_slice %arg21[%mul3A_2, %dma_wait3A_67] : memref<10112x128xf32, #tpu.memory_space<vmem_shared>> -> memref<632x128xf32, #tpu.memory_space<vmem_shared>>
      %dma_wait3A_69 = arith.constant 0 : i32
      %dma_wait3A_70 = tpu.memref_slice %arg5[%mul3A_2, %dma_wait3A_69] : memref<10112x128xf32, #tpu.memory_space<hbm>> -> memref<632x128xf32, #tpu.memory_space<hbm>>
      tpu.wait_dma2 semaphore(%run_scoped3A : memref<!tpu.dma_semaphore, #tpu.memory_space<semaphore_mem>>) src(%dma_wait3A_70 : memref<632x128xf32, #tpu.memory_space<hbm>>) dst(%dma_wait3A_68 : memref<632x128xf32, #tpu.memory_space<vmem_shared>>)
      tpu.yield
    }) : () -> ()
    "tpu.region"() ({
      %run_scoped3A = tpu.sem_alloc : memref<!tpu.dma_semaphore, #tpu.memory_space<semaphore_mem>>
      %dma_start3A_63 = arith.constant 0 : i32
      %dma_start3A_64 = arith.constant 0 : i32
      %dma_start3A_65 = tpu.memref_slice %arg3[%add3A, %dma_start3A_63, %dma_start3A_64] : memref<32x200x50xi32, #tpu.memory_space<hbm>> -> memref<1x200x50xi32, #tpu.memory_space<hbm>>
      %dma_start3A_66 = tpu.memref_squeeze %dma_start3A_65 : memref<1x200x50xi32, #tpu.memory_space<hbm>> -> memref<200x50xi32, #tpu.memory_space<hbm>>
      %dma_start3A_67 = arith.constant 0 : i32
      %dma_start3A_68 = arith.constant 0 : i32
      %dma_start3A_69 = tpu.memref_slice %arg3[%add3A, %dma_start3A_67, %dma_start3A_68] : memref<32x200x50xi32, #tpu.memory_space<hbm>> -> memref<1x200x50xi32, #tpu.memory_space<hbm>>
      %dma_start3A_70 = tpu.memref_squeeze %dma_start3A_69 : memref<1x200x50xi32, #tpu.memory_space<hbm>> -> memref<200x50xi32, #tpu.memory_space<hbm>>
      tpu.enqueue_dma source(%dma_start3A_70 : memref<200x50xi32, #tpu.memory_space<hbm>>) target(%arg7 : memref<200x50xi32, #tpu.memory_space<vmem>>) target_semaphore(%run_scoped3A : memref<!tpu.dma_semaphore, #tpu.memory_space<semaphore_mem>>)
      %dma_wait3A_71 = arith.constant 0 : i32
      %dma_wait3A_72 = arith.constant 0 : i32
      %dma_wait3A_73 = tpu.memref_slice %arg3[%add3A, %dma_wait3A_71, %dma_wait3A_72] : memref<32x200x50xi32, #tpu.memory_space<hbm>> -> memref<1x200x50xi32, #tpu.memory_space<hbm>>
      %dma_wait3A_74 = tpu.memref_squeeze %dma_wait3A_73 : memref<1x200x50xi32, #tpu.memory_space<hbm>> -> memref<200x50xi32, #tpu.memory_space<hbm>>
      %dma_wait3A_75 = arith.constant 0 : i32
      %dma_wait3A_76 = arith.constant 0 : i32
      %dma_wait3A_77 = tpu.memref_slice %arg3[%add3A, %dma_wait3A_75, %dma_wait3A_76] : memref<32x200x50xi32, #tpu.memory_space<hbm>> -> memref<1x200x50xi32, #tpu.memory_space<hbm>>
      %dma_wait3A_78 = tpu.memref_squeeze %dma_wait3A_77 : memref<1x200x50xi32, #tpu.memory_space<hbm>> -> memref<200x50xi32, #tpu.memory_space<hbm>>
      tpu.wait_dma2 semaphore(%run_scoped3A : memref<!tpu.dma_semaphore, #tpu.memory_space<semaphore_mem>>) src(%dma_wait3A_78 : memref<200x50xi32, #tpu.memory_space<hbm>>) dst(%arg7 : memref<200x50xi32, #tpu.memory_space<vmem>>)
      tpu.yield
    }) : () -> ()
    "tpu.region"() ({
      %run_scoped3A = tpu.sem_alloc : memref<!tpu.dma_semaphore, #tpu.memory_space<semaphore_mem>>
      %dma_start3A_63 = arith.constant 0 : i32
      %dma_start3A_64 = arith.constant 0 : i32
      %dma_start3A_65 = tpu.memref_slice %arg4[%add3A, %dma_start3A_63, %dma_start3A_64] : memref<32x200x50xi32, #tpu.memory_space<hbm>> -> memref<1x200x50xi32, #tpu.memory_space<hbm>>
      %dma_start3A_66 = tpu.memref_squeeze %dma_start3A_65 : memref<1x200x50xi32, #tpu.memory_space<hbm>> -> memref<200x50xi32, #tpu.memory_space<hbm>>
      %dma_start3A_67 = arith.constant 0 : i32
      %dma_start3A_68 = arith.constant 0 : i32
      %dma_start3A_69 = tpu.memref_slice %arg4[%add3A, %dma_start3A_67, %dma_start3A_68] : memref<32x200x50xi32, #tpu.memory_space<hbm>> -> memref<1x200x50xi32, #tpu.memory_space<hbm>>
      %dma_start3A_70 = tpu.memref_squeeze %dma_start3A_69 : memref<1x200x50xi32, #tpu.memory_space<hbm>> -> memref<200x50xi32, #tpu.memory_space<hbm>>
      tpu.enqueue_dma source(%dma_start3A_70 : memref<200x50xi32, #tpu.memory_space<hbm>>) target(%arg8 : memref<200x50xi32, #tpu.memory_space<vmem>>) target_semaphore(%run_scoped3A : memref<!tpu.dma_semaphore, #tpu.memory_space<semaphore_mem>>)
      %dma_wait3A_71 = arith.constant 0 : i32
      %dma_wait3A_72 = arith.constant 0 : i32
      %dma_wait3A_73 = tpu.memref_slice %arg4[%add3A, %dma_wait3A_71, %dma_wait3A_72] : memref<32x200x50xi32, #tpu.memory_space<hbm>> -> memref<1x200x50xi32, #tpu.memory_space<hbm>>
      %dma_wait3A_74 = tpu.memref_squeeze %dma_wait3A_73 : memref<1x200x50xi32, #tpu.memory_space<hbm>> -> memref<200x50xi32, #tpu.memory_space<hbm>>
      %dma_wait3A_75 = arith.constant 0 : i32
      %dma_wait3A_76 = arith.constant 0 : i32
      %dma_wait3A_77 = tpu.memref_slice %arg4[%add3A, %dma_wait3A_75, %dma_wait3A_76] : memref<32x200x50xi32, #tpu.memory_space<hbm>> -> memref<1x200x50xi32, #tpu.memory_space<hbm>>
      %dma_wait3A_78 = tpu.memref_squeeze %dma_wait3A_77 : memref<1x200x50xi32, #tpu.memory_space<hbm>> -> memref<200x50xi32, #tpu.memory_space<hbm>>
      tpu.wait_dma2 semaphore(%run_scoped3A : memref<!tpu.dma_semaphore, #tpu.memory_space<semaphore_mem>>) src(%dma_wait3A_78 : memref<200x50xi32, #tpu.memory_space<hbm>>) dst(%arg8 : memref<200x50xi32, #tpu.memory_space<vmem>>)
      tpu.yield
    }) : () -> ()
    %barrier3A = arith.constant 0 : index
    tpu.barrier barrier_id(%barrier3A)
    %dma_start3A = arith.constant 0 : i32
    %dma_start3A_3 = arith.constant 0 : i32
    %dma_start3A_4 = tpu.memref_slice %arg7[%dma_start3A, %dma_start3A_3] : memref<200x50xi32, #tpu.memory_space<vmem>> -> memref<1x50xi32, #tpu.memory_space<vmem>>
    %dma_start3A_5 = tpu.memref_squeeze %dma_start3A_4 : memref<1x50xi32, #tpu.memory_space<vmem>> -> memref<50xi32, #tpu.memory_space<vmem>>
    %dma_start3A_6 = arith.constant 0 : i32
    %dma_start3A_7 = arith.constant 0 : i32
    %dma_start3A_8 = tpu.memref_slice %arg2[%dma_start3A_6, %dma_start3A_7] : memref<10000x128xf32, #tpu.memory_space<hbm>> -> memref<10000x128xf32, #tpu.memory_space<hbm>>
    tpu.enqueue_indirect_dma source(%dma_start3A_8 : memref<10000x128xf32, #tpu.memory_space<hbm>>) target(%arg9 : memref<50x128xf32, #tpu.memory_space<vmem>>) offsets(%dma_start3A_5 : memref<50xi32, #tpu.memory_space<vmem>>) semaphore(%arg13 : memref<!tpu.dma_semaphore, #tpu.memory_space<semaphore_mem>>)
    %dma_start3A_9 = arith.constant 1 : i32
    %dma_start3A_10 = arith.constant 0 : i32
    %dma_start3A_11 = tpu.memref_slice %arg7[%dma_start3A_9, %dma_start3A_10] : memref<200x50xi32, #tpu.memory_space<vmem>> -> memref<1x50xi32, #tpu.memory_space<vmem>>
    %dma_start3A_12 = tpu.memref_squeeze %dma_start3A_11 : memref<1x50xi32, #tpu.memory_space<vmem>> -> memref<50xi32, #tpu.memory_space<vmem>>
    %dma_start3A_13 = arith.constant 0 : i32
    %dma_start3A_14 = arith.constant 0 : i32
    %dma_start3A_15 = tpu.memref_slice %arg2[%dma_start3A_13, %dma_start3A_14] : memref<10000x128xf32, #tpu.memory_space<hbm>> -> memref<10000x128xf32, #tpu.memory_space<hbm>>
    tpu.enqueue_indirect_dma source(%dma_start3A_15 : memref<10000x128xf32, #tpu.memory_space<hbm>>) target(%arg10 : memref<50x128xf32, #tpu.memory_space<vmem>>) offsets(%dma_start3A_12 : memref<50xi32, #tpu.memory_space<vmem>>) semaphore(%arg14 : memref<!tpu.dma_semaphore, #tpu.memory_space<semaphore_mem>>)
    %dma_start3A_16 = arith.constant 2 : i32
    %dma_start3A_17 = arith.constant 0 : i32
    %dma_start3A_18 = tpu.memref_slice %arg7[%dma_start3A_16, %dma_start3A_17] : memref<200x50xi32, #tpu.memory_space<vmem>> -> memref<1x50xi32, #tpu.memory_space<vmem>>
    %dma_start3A_19 = tpu.memref_squeeze %dma_start3A_18 : memref<1x50xi32, #tpu.memory_space<vmem>> -> memref<50xi32, #tpu.memory_space<vmem>>
    %dma_start3A_20 = arith.constant 0 : i32
    %dma_start3A_21 = arith.constant 0 : i32
    %dma_start3A_22 = tpu.memref_slice %arg2[%dma_start3A_20, %dma_start3A_21] : memref<10000x128xf32, #tpu.memory_space<hbm>> -> memref<10000x128xf32, #tpu.memory_space<hbm>>
    tpu.enqueue_indirect_dma source(%dma_start3A_22 : memref<10000x128xf32, #tpu.memory_space<hbm>>) target(%arg11 : memref<50x128xf32, #tpu.memory_space<vmem>>) offsets(%dma_start3A_19 : memref<50xi32, #tpu.memory_space<vmem>>) semaphore(%arg15 : memref<!tpu.dma_semaphore, #tpu.memory_space<semaphore_mem>>)
    %dma_start3A_23 = arith.constant 3 : i32
    %dma_start3A_24 = arith.constant 0 : i32
    %dma_start3A_25 = tpu.memref_slice %arg7[%dma_start3A_23, %dma_start3A_24] : memref<200x50xi32, #tpu.memory_space<vmem>> -> memref<1x50xi32, #tpu.memory_space<vmem>>
    %dma_start3A_26 = tpu.memref_squeeze %dma_start3A_25 : memref<1x50xi32, #tpu.memory_space<vmem>> -> memref<50xi32, #tpu.memory_space<vmem>>
    %dma_start3A_27 = arith.constant 0 : i32
    %dma_start3A_28 = arith.constant 0 : i32
    %dma_start3A_29 = tpu.memref_slice %arg2[%dma_start3A_27, %dma_start3A_28] : memref<10000x128xf32, #tpu.memory_space<hbm>> -> memref<10000x128xf32, #tpu.memory_space<hbm>>
    tpu.enqueue_indirect_dma source(%dma_start3A_29 : memref<10000x128xf32, #tpu.memory_space<hbm>>) target(%arg12 : memref<50x128xf32, #tpu.memory_space<vmem>>) offsets(%dma_start3A_26 : memref<50xi32, #tpu.memory_space<vmem>>) semaphore(%arg16 : memref<!tpu.dma_semaphore, #tpu.memory_space<semaphore_mem>>)
    %scan3A = arith.constant 0 : i32
    %scan3A_30 = arith.constant 0 : i32
    %scan3A_31 = arith.constant 50 : i32
    %scan3A_32 = arith.addi %scan3A_30, %scan3A_31 : i32
    %scan3A_33 = arith.constant 1 : i32
    scf.for %scan3A_63 = %scan3A_30 to %scan3A_32 step %scan3A_33  : i32 {
      %mul3A_64 = arith.constant 4 : i32
      %mul3A_65 = arith.muli %scan3A_63, %mul3A_64 : i32
      %add3A_66 = arith.constant 0 : i32
      %add3A_67 = arith.addi %mul3A_65, %add3A_66 : i32
      %dma_wait3A_68 = arith.constant 0 : i32
      %dma_wait3A_69 = tpu.memref_slice %arg7[%add3A_67, %dma_wait3A_68] : memref<200x50xi32, #tpu.memory_space<vmem>> -> memref<1x50xi32, #tpu.memory_space<vmem>>
      %dma_wait3A_70 = tpu.memref_squeeze %dma_wait3A_69 : memref<1x50xi32, #tpu.memory_space<vmem>> -> memref<50xi32, #tpu.memory_space<vmem>>
      %dma_wait3A_71 = arith.constant 0 : i32
      %dma_wait3A_72 = arith.constant 0 : i32
      %dma_wait3A_73 = tpu.memref_slice %arg2[%dma_wait3A_71, %dma_wait3A_72] : memref<10000x128xf32, #tpu.memory_space<hbm>> -> memref<10000x128xf32, #tpu.memory_space<hbm>>
      tpu.wait_indirect_dma semaphore(%arg13 : memref<!tpu.dma_semaphore, #tpu.memory_space<semaphore_mem>>) src(%dma_wait3A_73 : memref<10000x128xf32, #tpu.memory_space<hbm>>) dst(%arg9 : memref<50x128xf32, #tpu.memory_space<vmem>>)
      %dma_start3A_74 = arith.constant 0 : i32
      %dma_start3A_75 = tpu.memref_slice %arg8[%add3A_67, %dma_start3A_74] : memref<200x50xi32, #tpu.memory_space<vmem>> -> memref<1x50xi32, #tpu.memory_space<vmem>>
      %dma_start3A_76 = tpu.memref_squeeze %dma_start3A_75 : memref<1x50xi32, #tpu.memory_space<vmem>> -> memref<50xi32, #tpu.memory_space<vmem>>
      %dma_start3A_77 = arith.constant 0 : i32
      %dma_start3A_78 = arith.constant 0 : i32
      %dma_start3A_79 = tpu.memref_slice %arg21[%dma_start3A_77, %dma_start3A_78] : memref<10112x128xf32, #tpu.memory_space<vmem_shared>> -> memref<10112x128xf32, #tpu.memory_space<vmem_shared>>
      tpu.enqueue_indirect_dma source(%arg9 : memref<50x128xf32, #tpu.memory_space<vmem>>) target(%dma_start3A_79 : memref<10112x128xf32, #tpu.memory_space<vmem_shared>>) offsets(%dma_start3A_76 : memref<50xi32, #tpu.memory_space<vmem>>) semaphore(%arg17 : memref<!tpu.dma_semaphore, #tpu.memory_space<semaphore_mem>>) {add = true}
      %add3A_80 = arith.constant 2 : i32
      %add3A_81 = arith.addi %add3A_67, %add3A_80 : i32
      %ge3A = arith.constant 4 : i32
      %ge3A_82 = arith.cmpi sge, %add3A_81, %ge3A : i32
      %lt3A = arith.constant 200 : i32
      %lt3A_83 = arith.cmpi slt, %add3A_81, %lt3A : i32
      %and3A = arith.andi %ge3A_82, %lt3A_83 : i1
      %convert_element_type3A = arith.extui %and3A : i1 to i32
      %cond3A = arith.constant 0 : i32
      %cond3A_84 = arith.cmpi ne, %convert_element_type3A, %cond3A : i32
      scf.if %cond3A_84 {
        %dma_wait3A_163 = arith.constant 0 : i32
        %dma_wait3A_164 = tpu.memref_slice %arg8[%add3A_81, %dma_wait3A_163] : memref<200x50xi32, #tpu.memory_space<vmem>> -> memref<1x50xi32, #tpu.memory_space<vmem>>
        %dma_wait3A_165 = tpu.memref_squeeze %dma_wait3A_164 : memref<1x50xi32, #tpu.memory_space<vmem>> -> memref<50xi32, #tpu.memory_space<vmem>>
        %dma_wait3A_166 = arith.constant 0 : i32
        %dma_wait3A_167 = arith.constant 0 : i32
        %dma_wait3A_168 = tpu.memref_slice %arg21[%dma_wait3A_166, %dma_wait3A_167] : memref<10112x128xf32, #tpu.memory_space<vmem_shared>> -> memref<10112x128xf32, #tpu.memory_space<vmem_shared>>
        tpu.wait_indirect_dma semaphore(%arg19 : memref<!tpu.dma_semaphore, #tpu.memory_space<semaphore_mem>>) src(%arg11 : memref<50x128xf32, #tpu.memory_space<vmem>>) dst(%dma_wait3A_168 : memref<10112x128xf32, #tpu.memory_space<vmem_shared>>)
        %dma_start3A_169 = arith.constant 0 : i32
        %dma_start3A_170 = tpu.memref_slice %arg7[%add3A_81, %dma_start3A_169] : memref<200x50xi32, #tpu.memory_space<vmem>> -> memref<1x50xi32, #tpu.memory_space<vmem>>
        %dma_start3A_171 = tpu.memref_squeeze %dma_start3A_170 : memref<1x50xi32, #tpu.memory_space<vmem>> -> memref<50xi32, #tpu.memory_space<vmem>>
        %dma_start3A_172 = arith.constant 0 : i32
        %dma_start3A_173 = arith.constant 0 : i32
        %dma_start3A_174 = tpu.memref_slice %arg2[%dma_start3A_172, %dma_start3A_173] : memref<10000x128xf32, #tpu.memory_space<hbm>> -> memref<10000x128xf32, #tpu.memory_space<hbm>>
        tpu.enqueue_indirect_dma source(%dma_start3A_174 : memref<10000x128xf32, #tpu.memory_space<hbm>>) target(%arg11 : memref<50x128xf32, #tpu.memory_space<vmem>>) offsets(%dma_start3A_171 : memref<50xi32, #tpu.memory_space<vmem>>) semaphore(%arg15 : memref<!tpu.dma_semaphore, #tpu.memory_space<semaphore_mem>>)
      } else {
      }
      %mul3A_85 = arith.constant 4 : i32
      %mul3A_86 = arith.muli %scan3A_63, %mul3A_85 : i32
      %add3A_87 = arith.constant 1 : i32
      %add3A_88 = arith.addi %mul3A_86, %add3A_87 : i32
      %dma_wait3A_89 = arith.constant 0 : i32
      %dma_wait3A_90 = tpu.memref_slice %arg7[%add3A_88, %dma_wait3A_89] : memref<200x50xi32, #tpu.memory_space<vmem>> -> memref<1x50xi32, #tpu.memory_space<vmem>>
      %dma_wait3A_91 = tpu.memref_squeeze %dma_wait3A_90 : memref<1x50xi32, #tpu.memory_space<vmem>> -> memref<50xi32, #tpu.memory_space<vmem>>
      %dma_wait3A_92 = arith.constant 0 : i32
      %dma_wait3A_93 = arith.constant 0 : i32
      %dma_wait3A_94 = tpu.memref_slice %arg2[%dma_wait3A_92, %dma_wait3A_93] : memref<10000x128xf32, #tpu.memory_space<hbm>> -> memref<10000x128xf32, #tpu.memory_space<hbm>>
      tpu.wait_indirect_dma semaphore(%arg14 : memref<!tpu.dma_semaphore, #tpu.memory_space<semaphore_mem>>) src(%dma_wait3A_94 : memref<10000x128xf32, #tpu.memory_space<hbm>>) dst(%arg10 : memref<50x128xf32, #tpu.memory_space<vmem>>)
      %dma_start3A_95 = arith.constant 0 : i32
      %dma_start3A_96 = tpu.memref_slice %arg8[%add3A_88, %dma_start3A_95] : memref<200x50xi32, #tpu.memory_space<vmem>> -> memref<1x50xi32, #tpu.memory_space<vmem>>
      %dma_start3A_97 = tpu.memref_squeeze %dma_start3A_96 : memref<1x50xi32, #tpu.memory_space<vmem>> -> memref<50xi32, #tpu.memory_space<vmem>>
      %dma_start3A_98 = arith.constant 0 : i32
      %dma_start3A_99 = arith.constant 0 : i32
      %dma_start3A_100 = tpu.memref_slice %arg21[%dma_start3A_98, %dma_start3A_99] : memref<10112x128xf32, #tpu.memory_space<vmem_shared>> -> memref<10112x128xf32, #tpu.memory_space<vmem_shared>>
      tpu.enqueue_indirect_dma source(%arg10 : memref<50x128xf32, #tpu.memory_space<vmem>>) target(%dma_start3A_100 : memref<10112x128xf32, #tpu.memory_space<vmem_shared>>) offsets(%dma_start3A_97 : memref<50xi32, #tpu.memory_space<vmem>>) semaphore(%arg18 : memref<!tpu.dma_semaphore, #tpu.memory_space<semaphore_mem>>) {add = true}
      %add3A_101 = arith.constant 2 : i32
      %add3A_102 = arith.addi %add3A_88, %add3A_101 : i32
      %ge3A_103 = arith.constant 4 : i32
      %ge3A_104 = arith.cmpi sge, %add3A_102, %ge3A_103 : i32
      %lt3A_105 = arith.constant 200 : i32
      %lt3A_106 = arith.cmpi slt, %add3A_102, %lt3A_105 : i32
      %and3A_107 = arith.andi %ge3A_104, %lt3A_106 : i1
      %convert_element_type3A_108 = arith.extui %and3A_107 : i1 to i32
      %cond3A_109 = arith.constant 0 : i32
      %cond3A_110 = arith.cmpi ne, %convert_element_type3A_108, %cond3A_109 : i32
      scf.if %cond3A_110 {
        %dma_wait3A_163 = arith.constant 0 : i32
        %dma_wait3A_164 = tpu.memref_slice %arg8[%add3A_102, %dma_wait3A_163] : memref<200x50xi32, #tpu.memory_space<vmem>> -> memref<1x50xi32, #tpu.memory_space<vmem>>
        %dma_wait3A_165 = tpu.memref_squeeze %dma_wait3A_164 : memref<1x50xi32, #tpu.memory_space<vmem>> -> memref<50xi32, #tpu.memory_space<vmem>>
        %dma_wait3A_166 = arith.constant 0 : i32
        %dma_wait3A_167 = arith.constant 0 : i32
        %dma_wait3A_168 = tpu.memref_slice %arg21[%dma_wait3A_166, %dma_wait3A_167] : memref<10112x128xf32, #tpu.memory_space<vmem_shared>> -> memref<10112x128xf32, #tpu.memory_space<vmem_shared>>
        tpu.wait_indirect_dma semaphore(%arg20 : memref<!tpu.dma_semaphore, #tpu.memory_space<semaphore_mem>>) src(%arg12 : memref<50x128xf32, #tpu.memory_space<vmem>>) dst(%dma_wait3A_168 : memref<10112x128xf32, #tpu.memory_space<vmem_shared>>)
        %dma_start3A_169 = arith.constant 0 : i32
        %dma_start3A_170 = tpu.memref_slice %arg7[%add3A_102, %dma_start3A_169] : memref<200x50xi32, #tpu.memory_space<vmem>> -> memref<1x50xi32, #tpu.memory_space<vmem>>
        %dma_start3A_171 = tpu.memref_squeeze %dma_start3A_170 : memref<1x50xi32, #tpu.memory_space<vmem>> -> memref<50xi32, #tpu.memory_space<vmem>>
        %dma_start3A_172 = arith.constant 0 : i32
        %dma_start3A_173 = arith.constant 0 : i32
        %dma_start3A_174 = tpu.memref_slice %arg2[%dma_start3A_172, %dma_start3A_173] : memref<10000x128xf32, #tpu.memory_space<hbm>> -> memref<10000x128xf32, #tpu.memory_space<hbm>>
        tpu.enqueue_indirect_dma source(%dma_start3A_174 : memref<10000x128xf32, #tpu.memory_space<hbm>>) target(%arg12 : memref<50x128xf32, #tpu.memory_space<vmem>>) offsets(%dma_start3A_171 : memref<50xi32, #tpu.memory_space<vmem>>) semaphore(%arg16 : memref<!tpu.dma_semaphore, #tpu.memory_space<semaphore_mem>>)
      } else {
      }
      %mul3A_111 = arith.constant 4 : i32
      %mul3A_112 = arith.muli %scan3A_63, %mul3A_111 : i32
      %add3A_113 = arith.constant 2 : i32
      %add3A_114 = arith.addi %mul3A_112, %add3A_113 : i32
      %dma_wait3A_115 = arith.constant 0 : i32
      %dma_wait3A_116 = tpu.memref_slice %arg7[%add3A_114, %dma_wait3A_115] : memref<200x50xi32, #tpu.memory_space<vmem>> -> memref<1x50xi32, #tpu.memory_space<vmem>>
      %dma_wait3A_117 = tpu.memref_squeeze %dma_wait3A_116 : memref<1x50xi32, #tpu.memory_space<vmem>> -> memref<50xi32, #tpu.memory_space<vmem>>
      %dma_wait3A_118 = arith.constant 0 : i32
      %dma_wait3A_119 = arith.constant 0 : i32
      %dma_wait3A_120 = tpu.memref_slice %arg2[%dma_wait3A_118, %dma_wait3A_119] : memref<10000x128xf32, #tpu.memory_space<hbm>> -> memref<10000x128xf32, #tpu.memory_space<hbm>>
      tpu.wait_indirect_dma semaphore(%arg15 : memref<!tpu.dma_semaphore, #tpu.memory_space<semaphore_mem>>) src(%dma_wait3A_120 : memref<10000x128xf32, #tpu.memory_space<hbm>>) dst(%arg11 : memref<50x128xf32, #tpu.memory_space<vmem>>)
      %dma_start3A_121 = arith.constant 0 : i32
      %dma_start3A_122 = tpu.memref_slice %arg8[%add3A_114, %dma_start3A_121] : memref<200x50xi32, #tpu.memory_space<vmem>> -> memref<1x50xi32, #tpu.memory_space<vmem>>
      %dma_start3A_123 = tpu.memref_squeeze %dma_start3A_122 : memref<1x50xi32, #tpu.memory_space<vmem>> -> memref<50xi32, #tpu.memory_space<vmem>>
      %dma_start3A_124 = arith.constant 0 : i32
      %dma_start3A_125 = arith.constant 0 : i32
      %dma_start3A_126 = tpu.memref_slice %arg21[%dma_start3A_124, %dma_start3A_125] : memref<10112x128xf32, #tpu.memory_space<vmem_shared>> -> memref<10112x128xf32, #tpu.memory_space<vmem_shared>>
      tpu.enqueue_indirect_dma source(%arg11 : memref<50x128xf32, #tpu.memory_space<vmem>>) target(%dma_start3A_126 : memref<10112x128xf32, #tpu.memory_space<vmem_shared>>) offsets(%dma_start3A_123 : memref<50xi32, #tpu.memory_space<vmem>>) semaphore(%arg19 : memref<!tpu.dma_semaphore, #tpu.memory_space<semaphore_mem>>) {add = true}
      %add3A_127 = arith.constant 2 : i32
      %add3A_128 = arith.addi %add3A_114, %add3A_127 : i32
      %ge3A_129 = arith.constant 4 : i32
      %ge3A_130 = arith.cmpi sge, %add3A_128, %ge3A_129 : i32
      %lt3A_131 = arith.constant 200 : i32
      %lt3A_132 = arith.cmpi slt, %add3A_128, %lt3A_131 : i32
      %and3A_133 = arith.andi %ge3A_130, %lt3A_132 : i1
      %convert_element_type3A_134 = arith.extui %and3A_133 : i1 to i32
      %cond3A_135 = arith.constant 0 : i32
      %cond3A_136 = arith.cmpi ne, %convert_element_type3A_134, %cond3A_135 : i32
      scf.if %cond3A_136 {
        %dma_wait3A_163 = arith.constant 0 : i32
        %dma_wait3A_164 = tpu.memref_slice %arg8[%add3A_128, %dma_wait3A_163] : memref<200x50xi32, #tpu.memory_space<vmem>> -> memref<1x50xi32, #tpu.memory_space<vmem>>
        %dma_wait3A_165 = tpu.memref_squeeze %dma_wait3A_164 : memref<1x50xi32, #tpu.memory_space<vmem>> -> memref<50xi32, #tpu.memory_space<vmem>>
        %dma_wait3A_166 = arith.constant 0 : i32
        %dma_wait3A_167 = arith.constant 0 : i32
        %dma_wait3A_168 = tpu.memref_slice %arg21[%dma_wait3A_166, %dma_wait3A_167] : memref<10112x128xf32, #tpu.memory_space<vmem_shared>> -> memref<10112x128xf32, #tpu.memory_space<vmem_shared>>
        tpu.wait_indirect_dma semaphore(%arg17 : memref<!tpu.dma_semaphore, #tpu.memory_space<semaphore_mem>>) src(%arg9 : memref<50x128xf32, #tpu.memory_space<vmem>>) dst(%dma_wait3A_168 : memref<10112x128xf32, #tpu.memory_space<vmem_shared>>)
        %dma_start3A_169 = arith.constant 0 : i32
        %dma_start3A_170 = tpu.memref_slice %arg7[%add3A_128, %dma_start3A_169] : memref<200x50xi32, #tpu.memory_space<vmem>> -> memref<1x50xi32, #tpu.memory_space<vmem>>
        %dma_start3A_171 = tpu.memref_squeeze %dma_start3A_170 : memref<1x50xi32, #tpu.memory_space<vmem>> -> memref<50xi32, #tpu.memory_space<vmem>>
        %dma_start3A_172 = arith.constant 0 : i32
        %dma_start3A_173 = arith.constant 0 : i32
        %dma_start3A_174 = tpu.memref_slice %arg2[%dma_start3A_172, %dma_start3A_173] : memref<10000x128xf32, #tpu.memory_space<hbm>> -> memref<10000x128xf32, #tpu.memory_space<hbm>>
        tpu.enqueue_indirect_dma source(%dma_start3A_174 : memref<10000x128xf32, #tpu.memory_space<hbm>>) target(%arg9 : memref<50x128xf32, #tpu.memory_space<vmem>>) offsets(%dma_start3A_171 : memref<50xi32, #tpu.memory_space<vmem>>) semaphore(%arg13 : memref<!tpu.dma_semaphore, #tpu.memory_space<semaphore_mem>>)
      } else {
      }
      %mul3A_137 = arith.constant 4 : i32
      %mul3A_138 = arith.muli %scan3A_63, %mul3A_137 : i32
      %add3A_139 = arith.constant 3 : i32
      %add3A_140 = arith.addi %mul3A_138, %add3A_139 : i32
      %dma_wait3A_141 = arith.constant 0 : i32
      %dma_wait3A_142 = tpu.memref_slice %arg7[%add3A_140, %dma_wait3A_141] : memref<200x50xi32, #tpu.memory_space<vmem>> -> memref<1x50xi32, #tpu.memory_space<vmem>>
      %dma_wait3A_143 = tpu.memref_squeeze %dma_wait3A_142 : memref<1x50xi32, #tpu.memory_space<vmem>> -> memref<50xi32, #tpu.memory_space<vmem>>
      %dma_wait3A_144 = arith.constant 0 : i32
      %dma_wait3A_145 = arith.constant 0 : i32
      %dma_wait3A_146 = tpu.memref_slice %arg2[%dma_wait3A_144, %dma_wait3A_145] : memref<10000x128xf32, #tpu.memory_space<hbm>> -> memref<10000x128xf32, #tpu.memory_space<hbm>>
      tpu.wait_indirect_dma semaphore(%arg16 : memref<!tpu.dma_semaphore, #tpu.memory_space<semaphore_mem>>) src(%dma_wait3A_146 : memref<10000x128xf32, #tpu.memory_space<hbm>>) dst(%arg12 : memref<50x128xf32, #tpu.memory_space<vmem>>)
      %dma_start3A_147 = arith.constant 0 : i32
      %dma_start3A_148 = tpu.memref_slice %arg8[%add3A_140, %dma_start3A_147] : memref<200x50xi32, #tpu.memory_space<vmem>> -> memref<1x50xi32, #tpu.memory_space<vmem>>
      %dma_start3A_149 = tpu.memref_squeeze %dma_start3A_148 : memref<1x50xi32, #tpu.memory_space<vmem>> -> memref<50xi32, #tpu.memory_space<vmem>>
      %dma_start3A_150 = arith.constant 0 : i32
      %dma_start3A_151 = arith.constant 0 : i32
      %dma_start3A_152 = tpu.memref_slice %arg21[%dma_start3A_150, %dma_start3A_151] : memref<10112x128xf32, #tpu.memory_space<vmem_shared>> -> memref<10112x128xf32, #tpu.memory_space<vmem_shared>>
      tpu.enqueue_indirect_dma source(%arg12 : memref<50x128xf32, #tpu.memory_space<vmem>>) target(%dma_start3A_152 : memref<10112x128xf32, #tpu.memory_space<vmem_shared>>) offsets(%dma_start3A_149 : memref<50xi32, #tpu.memory_space<vmem>>) semaphore(%arg20 : memref<!tpu.dma_semaphore, #tpu.memory_space<semaphore_mem>>) {add = true}
      %add3A_153 = arith.constant 2 : i32
      %add3A_154 = arith.addi %add3A_140, %add3A_153 : i32
      %ge3A_155 = arith.constant 4 : i32
      %ge3A_156 = arith.cmpi sge, %add3A_154, %ge3A_155 : i32
      %lt3A_157 = arith.constant 200 : i32
      %lt3A_158 = arith.cmpi slt, %add3A_154, %lt3A_157 : i32
      %and3A_159 = arith.andi %ge3A_156, %lt3A_158 : i1
      %convert_element_type3A_160 = arith.extui %and3A_159 : i1 to i32
      %cond3A_161 = arith.constant 0 : i32
      %cond3A_162 = arith.cmpi ne, %convert_element_type3A_160, %cond3A_161 : i32
      scf.if %cond3A_162 {
        %dma_wait3A_163 = arith.constant 0 : i32
        %dma_wait3A_164 = tpu.memref_slice %arg8[%add3A_154, %dma_wait3A_163] : memref<200x50xi32, #tpu.memory_space<vmem>> -> memref<1x50xi32, #tpu.memory_space<vmem>>
        %dma_wait3A_165 = tpu.memref_squeeze %dma_wait3A_164 : memref<1x50xi32, #tpu.memory_space<vmem>> -> memref<50xi32, #tpu.memory_space<vmem>>
        %dma_wait3A_166 = arith.constant 0 : i32
        %dma_wait3A_167 = arith.constant 0 : i32
        %dma_wait3A_168 = tpu.memref_slice %arg21[%dma_wait3A_166, %dma_wait3A_167] : memref<10112x128xf32, #tpu.memory_space<vmem_shared>> -> memref<10112x128xf32, #tpu.memory_space<vmem_shared>>
        tpu.wait_indirect_dma semaphore(%arg18 : memref<!tpu.dma_semaphore, #tpu.memory_space<semaphore_mem>>) src(%arg10 : memref<50x128xf32, #tpu.memory_space<vmem>>) dst(%dma_wait3A_168 : memref<10112x128xf32, #tpu.memory_space<vmem_shared>>)
        %dma_start3A_169 = arith.constant 0 : i32
        %dma_start3A_170 = tpu.memref_slice %arg7[%add3A_154, %dma_start3A_169] : memref<200x50xi32, #tpu.memory_space<vmem>> -> memref<1x50xi32, #tpu.memory_space<vmem>>
        %dma_start3A_171 = tpu.memref_squeeze %dma_start3A_170 : memref<1x50xi32, #tpu.memory_space<vmem>> -> memref<50xi32, #tpu.memory_space<vmem>>
        %dma_start3A_172 = arith.constant 0 : i32
        %dma_start3A_173 = arith.constant 0 : i32
        %dma_start3A_174 = tpu.memref_slice %arg2[%dma_start3A_172, %dma_start3A_173] : memref<10000x128xf32, #tpu.memory_space<hbm>> -> memref<10000x128xf32, #tpu.memory_space<hbm>>
        tpu.enqueue_indirect_dma source(%dma_start3A_174 : memref<10000x128xf32, #tpu.memory_space<hbm>>) target(%arg10 : memref<50x128xf32, #tpu.memory_space<vmem>>) offsets(%dma_start3A_171 : memref<50xi32, #tpu.memory_space<vmem>>) semaphore(%arg14 : memref<!tpu.dma_semaphore, #tpu.memory_space<semaphore_mem>>)
      } else {
      }
    }
    %scan3A_34 = arith.constant 50 : i32
    %dma_wait3A = arith.constant 0 : i32
    %dma_wait3A_35 = arith.constant 0 : i32
    %dma_wait3A_36 = tpu.memref_slice %arg8[%dma_wait3A, %dma_wait3A_35] : memref<200x50xi32, #tpu.memory_space<vmem>> -> memref<1x50xi32, #tpu.memory_space<vmem>>
    %dma_wait3A_37 = tpu.memref_squeeze %dma_wait3A_36 : memref<1x50xi32, #tpu.memory_space<vmem>> -> memref<50xi32, #tpu.memory_space<vmem>>
    %dma_wait3A_38 = arith.constant 0 : i32
    %dma_wait3A_39 = arith.constant 0 : i32
    %dma_wait3A_40 = tpu.memref_slice %arg21[%dma_wait3A_38, %dma_wait3A_39] : memref<10112x128xf32, #tpu.memory_space<vmem_shared>> -> memref<10112x128xf32, #tpu.memory_space<vmem_shared>>
    tpu.wait_indirect_dma semaphore(%arg17 : memref<!tpu.dma_semaphore, #tpu.memory_space<semaphore_mem>>) src(%arg9 : memref<50x128xf32, #tpu.memory_space<vmem>>) dst(%dma_wait3A_40 : memref<10112x128xf32, #tpu.memory_space<vmem_shared>>)
    %dma_wait3A_41 = arith.constant 0 : i32
    %dma_wait3A_42 = arith.constant 0 : i32
    %dma_wait3A_43 = tpu.memref_slice %arg8[%dma_wait3A_41, %dma_wait3A_42] : memref<200x50xi32, #tpu.memory_space<vmem>> -> memref<1x50xi32, #tpu.memory_space<vmem>>
    %dma_wait3A_44 = tpu.memref_squeeze %dma_wait3A_43 : memref<1x50xi32, #tpu.memory_space<vmem>> -> memref<50xi32, #tpu.memory_space<vmem>>
    %dma_wait3A_45 = arith.constant 0 : i32
    %dma_wait3A_46 = arith.constant 0 : i32
    %dma_wait3A_47 = tpu.memref_slice %arg21[%dma_wait3A_45, %dma_wait3A_46] : memref<10112x128xf32, #tpu.memory_space<vmem_shared>> -> memref<10112x128xf32, #tpu.memory_space<vmem_shared>>
    tpu.wait_indirect_dma semaphore(%arg18 : memref<!tpu.dma_semaphore, #tpu.memory_space<semaphore_mem>>) src(%arg10 : memref<50x128xf32, #tpu.memory_space<vmem>>) dst(%dma_wait3A_47 : memref<10112x128xf32, #tpu.memory_space<vmem_shared>>)
    %dma_wait3A_48 = arith.constant 0 : i32
    %dma_wait3A_49 = arith.constant 0 : i32
    %dma_wait3A_50 = tpu.memref_slice %arg8[%dma_wait3A_48, %dma_wait3A_49] : memref<200x50xi32, #tpu.memory_space<vmem>> -> memref<1x50xi32, #tpu.memory_space<vmem>>
    %dma_wait3A_51 = tpu.memref_squeeze %dma_wait3A_50 : memref<1x50xi32, #tpu.memory_space<vmem>> -> memref<50xi32, #tpu.memory_space<vmem>>
    %dma_wait3A_52 = arith.constant 0 : i32
    %dma_wait3A_53 = arith.constant 0 : i32
    %dma_wait3A_54 = tpu.memref_slice %arg21[%dma_wait3A_52, %dma_wait3A_53] : memref<10112x128xf32, #tpu.memory_space<vmem_shared>> -> memref<10112x128xf32, #tpu.memory_space<vmem_shared>>
    tpu.wait_indirect_dma semaphore(%arg19 : memref<!tpu.dma_semaphore, #tpu.memory_space<semaphore_mem>>) src(%arg11 : memref<50x128xf32, #tpu.memory_space<vmem>>) dst(%dma_wait3A_54 : memref<10112x128xf32, #tpu.memory_space<vmem_shared>>)
    %dma_wait3A_55 = arith.constant 0 : i32
    %dma_wait3A_56 = arith.constant 0 : i32
    %dma_wait3A_57 = tpu.memref_slice %arg8[%dma_wait3A_55, %dma_wait3A_56] : memref<200x50xi32, #tpu.memory_space<vmem>> -> memref<1x50xi32, #tpu.memory_space<vmem>>
    %dma_wait3A_58 = tpu.memref_squeeze %dma_wait3A_57 : memref<1x50xi32, #tpu.memory_space<vmem>> -> memref<50xi32, #tpu.memory_space<vmem>>
    %dma_wait3A_59 = arith.constant 0 : i32
    %dma_wait3A_60 = arith.constant 0 : i32
    %dma_wait3A_61 = tpu.memref_slice %arg21[%dma_wait3A_59, %dma_wait3A_60] : memref<10112x128xf32, #tpu.memory_space<vmem_shared>> -> memref<10112x128xf32, #tpu.memory_space<vmem_shared>>
    tpu.wait_indirect_dma semaphore(%arg20 : memref<!tpu.dma_semaphore, #tpu.memory_space<semaphore_mem>>) src(%arg12 : memref<50x128xf32, #tpu.memory_space<vmem>>) dst(%dma_wait3A_61 : memref<10112x128xf32, #tpu.memory_space<vmem_shared>>)
    %barrier3A_62 = arith.constant 0 : index
    tpu.barrier barrier_id(%barrier3A_62)
    "tpu.region"() ({
      %run_scoped3A = tpu.sem_alloc : memref<!tpu.dma_semaphore, #tpu.memory_space<semaphore_mem>>
      %dma_start3A_63 = arith.constant 0 : i32
      %dma_start3A_64 = tpu.memref_slice %arg6[%arg0, %mul3A_2, %dma_start3A_63] : memref<2x10112x128xf32, #tpu.memory_space<hbm>> -> memref<1x632x128xf32, #tpu.memory_space<hbm>>
      %dma_start3A_65 = tpu.memref_squeeze %dma_start3A_64 : memref<1x632x128xf32, #tpu.memory_space<hbm>> -> memref<632x128xf32, #tpu.memory_space<hbm>>
      %dma_start3A_66 = arith.constant 0 : i32
      %dma_start3A_67 = tpu.memref_slice %arg21[%mul3A_2, %dma_start3A_66] : memref<10112x128xf32, #tpu.memory_space<vmem_shared>> -> memref<632x128xf32, #tpu.memory_space<vmem_shared>>
      tpu.enqueue_dma source(%dma_start3A_67 : memref<632x128xf32, #tpu.memory_space<vmem_shared>>) target(%dma_start3A_65 : memref<632x128xf32, #tpu.memory_space<hbm>>) target_semaphore(%run_scoped3A : memref<!tpu.dma_semaphore, #tpu.memory_space<semaphore_mem>>)
      %dma_wait3A_68 = arith.constant 0 : i32
      %dma_wait3A_69 = tpu.memref_slice %arg6[%arg0, %mul3A_2, %dma_wait3A_68] : memref<2x10112x128xf32, #tpu.memory_space<hbm>> -> memref<1x632x128xf32, #tpu.memory_space<hbm>>
      %dma_wait3A_70 = tpu.memref_squeeze %dma_wait3A_69 : memref<1x632x128xf32, #tpu.memory_space<hbm>> -> memref<632x128xf32, #tpu.memory_space<hbm>>
      %dma_wait3A_71 = arith.constant 0 : i32
      %dma_wait3A_72 = tpu.memref_slice %arg21[%mul3A_2, %dma_wait3A_71] : memref<10112x128xf32, #tpu.memory_space<vmem_shared>> -> memref<632x128xf32, #tpu.memory_space<vmem_shared>>
      tpu.wait_dma2 semaphore(%run_scoped3A : memref<!tpu.dma_semaphore, #tpu.memory_space<semaphore_mem>>) src(%dma_wait3A_72 : memref<632x128xf32, #tpu.memory_space<vmem_shared>>) dst(%dma_wait3A_70 : memref<632x128xf32, #tpu.memory_space<hbm>>)
      tpu.yield
    }) : () -> ()
    return
  }
}

#map = affine_map<(d0, d1) -> (0, 0)>
#map1 = affine_map<(d0, d1) -> (0, 0, 0)>
module attributes {stable_mosaic.version = 14 : i64} {
  func.func @_sc_label2_body(%arg0: i32, %arg1: i32, %arg2: memref<10112x48xf32, #tpu.memory_space<hbm>>, %arg3: memref<32x200x50xi32, #tpu.memory_space<hbm>>, %arg4: memref<32x200x50xi32, #tpu.memory_space<hbm>>, %arg5: memref<10112x48xf32, #tpu.memory_space<hbm>>, %arg6: memref<2x10112x48xf32, #tpu.memory_space<hbm>>, %arg7: memref<200x50xi32, #tpu.memory_space<vmem>>, %arg8: memref<200x50xi32, #tpu.memory_space<vmem>>, %arg9: memref<50x48xf32, #tpu.memory_space<vmem>>, %arg10: memref<50x48xf32, #tpu.memory_space<vmem>>, %arg11: memref<50x48xf32, #tpu.memory_space<vmem>>, %arg12: memref<50x48xf32, #tpu.memory_space<vmem>>, %arg13: memref<!tpu.dma_semaphore, #tpu.memory_space<semaphore_mem>>, %arg14: memref<!tpu.dma_semaphore, #tpu.memory_space<semaphore_mem>>, %arg15: memref<!tpu.dma_semaphore, #tpu.memory_space<semaphore_mem>>, %arg16: memref<!tpu.dma_semaphore, #tpu.memory_space<semaphore_mem>>, %arg17: memref<!tpu.dma_semaphore, #tpu.memory_space<semaphore_mem>>, %arg18: memref<!tpu.dma_semaphore, #tpu.memory_space<semaphore_mem>>, %arg19: memref<!tpu.dma_semaphore, #tpu.memory_space<semaphore_mem>>, %arg20: memref<!tpu.dma_semaphore, #tpu.memory_space<semaphore_mem>>, %arg21: memref<10112x48xf32, #tpu.memory_space<vmem_shared>>) attributes {dimension_semantics = [#tpu.dimension_semantics<core_parallel>, #tpu.dimension_semantics<subcore_parallel>], iteration_bounds = array<i64: 2, 16>, scalar_prefetch = 0 : i64, scratch_operands = 15 : i64, tpu.core_type = #tpu.core_type<sc_vector_subcore>, window_params = [{transform_indices = #map}, {transform_indices = #map1}, {transform_indices = #map1}, {transform_indices = #map}, {transform_indices = #map1}]} {
    %mul3A = arith.constant 2 : i32
    %mul3A_0 = arith.muli %arg1, %mul3A : i32
    %add3A = arith.addi %mul3A_0, %arg0 : i32
    %mul3A_1 = arith.constant 632 : i32
    %mul3A_2 = arith.muli %arg1, %mul3A_1 : i32
    "tpu.region"() ({
      %run_scoped3A = tpu.sem_alloc : memref<!tpu.dma_semaphore, #tpu.memory_space<semaphore_mem>>
      %dma_start3A_63 = arith.constant 0 : i32
      %dma_start3A_64 = tpu.memref_slice %arg21[%mul3A_2, %dma_start3A_63] : memref<10112x48xf32, #tpu.memory_space<vmem_shared>> -> memref<632x48xf32, #tpu.memory_space<vmem_shared>>
      %dma_start3A_65 = arith.constant 0 : i32
      %dma_start3A_66 = tpu.memref_slice %arg5[%mul3A_2, %dma_start3A_65] : memref<10112x48xf32, #tpu.memory_space<hbm>> -> memref<632x48xf32, #tpu.memory_space<hbm>>
      tpu.enqueue_dma source(%dma_start3A_66 : memref<632x48xf32, #tpu.memory_space<hbm>>) target(%dma_start3A_64 : memref<632x48xf32, #tpu.memory_space<vmem_shared>>) target_semaphore(%run_scoped3A : memref<!tpu.dma_semaphore, #tpu.memory_space<semaphore_mem>>)
      %dma_wait3A_67 = arith.constant 0 : i32
      %dma_wait3A_68 = tpu.memref_slice %arg21[%mul3A_2, %dma_wait3A_67] : memref<10112x48xf32, #tpu.memory_space<vmem_shared>> -> memref<632x48xf32, #tpu.memory_space<vmem_shared>>
      %dma_wait3A_69 = arith.constant 0 : i32
      %dma_wait3A_70 = tpu.memref_slice %arg5[%mul3A_2, %dma_wait3A_69] : memref<10112x48xf32, #tpu.memory_space<hbm>> -> memref<632x48xf32, #tpu.memory_space<hbm>>
      tpu.wait_dma2 semaphore(%run_scoped3A : memref<!tpu.dma_semaphore, #tpu.memory_space<semaphore_mem>>) src(%dma_wait3A_70 : memref<632x48xf32, #tpu.memory_space<hbm>>) dst(%dma_wait3A_68 : memref<632x48xf32, #tpu.memory_space<vmem_shared>>)
      tpu.yield
    }) : () -> ()
    "tpu.region"() ({
      %run_scoped3A = tpu.sem_alloc : memref<!tpu.dma_semaphore, #tpu.memory_space<semaphore_mem>>
      %dma_start3A_63 = arith.constant 0 : i32
      %dma_start3A_64 = arith.constant 0 : i32
      %dma_start3A_65 = tpu.memref_slice %arg3[%add3A, %dma_start3A_63, %dma_start3A_64] : memref<32x200x50xi32, #tpu.memory_space<hbm>> -> memref<1x200x50xi32, #tpu.memory_space<hbm>>
      %dma_start3A_66 = tpu.memref_squeeze %dma_start3A_65 : memref<1x200x50xi32, #tpu.memory_space<hbm>> -> memref<200x50xi32, #tpu.memory_space<hbm>>
      %dma_start3A_67 = arith.constant 0 : i32
      %dma_start3A_68 = arith.constant 0 : i32
      %dma_start3A_69 = tpu.memref_slice %arg3[%add3A, %dma_start3A_67, %dma_start3A_68] : memref<32x200x50xi32, #tpu.memory_space<hbm>> -> memref<1x200x50xi32, #tpu.memory_space<hbm>>
      %dma_start3A_70 = tpu.memref_squeeze %dma_start3A_69 : memref<1x200x50xi32, #tpu.memory_space<hbm>> -> memref<200x50xi32, #tpu.memory_space<hbm>>
      tpu.enqueue_dma source(%dma_start3A_70 : memref<200x50xi32, #tpu.memory_space<hbm>>) target(%arg7 : memref<200x50xi32, #tpu.memory_space<vmem>>) target_semaphore(%run_scoped3A : memref<!tpu.dma_semaphore, #tpu.memory_space<semaphore_mem>>)
      %dma_wait3A_71 = arith.constant 0 : i32
      %dma_wait3A_72 = arith.constant 0 : i32
      %dma_wait3A_73 = tpu.memref_slice %arg3[%add3A, %dma_wait3A_71, %dma_wait3A_72] : memref<32x200x50xi32, #tpu.memory_space<hbm>> -> memref<1x200x50xi32, #tpu.memory_space<hbm>>
      %dma_wait3A_74 = tpu.memref_squeeze %dma_wait3A_73 : memref<1x200x50xi32, #tpu.memory_space<hbm>> -> memref<200x50xi32, #tpu.memory_space<hbm>>
      %dma_wait3A_75 = arith.constant 0 : i32
      %dma_wait3A_76 = arith.constant 0 : i32
      %dma_wait3A_77 = tpu.memref_slice %arg3[%add3A, %dma_wait3A_75, %dma_wait3A_76] : memref<32x200x50xi32, #tpu.memory_space<hbm>> -> memref<1x200x50xi32, #tpu.memory_space<hbm>>
      %dma_wait3A_78 = tpu.memref_squeeze %dma_wait3A_77 : memref<1x200x50xi32, #tpu.memory_space<hbm>> -> memref<200x50xi32, #tpu.memory_space<hbm>>
      tpu.wait_dma2 semaphore(%run_scoped3A : memref<!tpu.dma_semaphore, #tpu.memory_space<semaphore_mem>>) src(%dma_wait3A_78 : memref<200x50xi32, #tpu.memory_space<hbm>>) dst(%arg7 : memref<200x50xi32, #tpu.memory_space<vmem>>)
      tpu.yield
    }) : () -> ()
    "tpu.region"() ({
      %run_scoped3A = tpu.sem_alloc : memref<!tpu.dma_semaphore, #tpu.memory_space<semaphore_mem>>
      %dma_start3A_63 = arith.constant 0 : i32
      %dma_start3A_64 = arith.constant 0 : i32
      %dma_start3A_65 = tpu.memref_slice %arg4[%add3A, %dma_start3A_63, %dma_start3A_64] : memref<32x200x50xi32, #tpu.memory_space<hbm>> -> memref<1x200x50xi32, #tpu.memory_space<hbm>>
      %dma_start3A_66 = tpu.memref_squeeze %dma_start3A_65 : memref<1x200x50xi32, #tpu.memory_space<hbm>> -> memref<200x50xi32, #tpu.memory_space<hbm>>
      %dma_start3A_67 = arith.constant 0 : i32
      %dma_start3A_68 = arith.constant 0 : i32
      %dma_start3A_69 = tpu.memref_slice %arg4[%add3A, %dma_start3A_67, %dma_start3A_68] : memref<32x200x50xi32, #tpu.memory_space<hbm>> -> memref<1x200x50xi32, #tpu.memory_space<hbm>>
      %dma_start3A_70 = tpu.memref_squeeze %dma_start3A_69 : memref<1x200x50xi32, #tpu.memory_space<hbm>> -> memref<200x50xi32, #tpu.memory_space<hbm>>
      tpu.enqueue_dma source(%dma_start3A_70 : memref<200x50xi32, #tpu.memory_space<hbm>>) target(%arg8 : memref<200x50xi32, #tpu.memory_space<vmem>>) target_semaphore(%run_scoped3A : memref<!tpu.dma_semaphore, #tpu.memory_space<semaphore_mem>>)
      %dma_wait3A_71 = arith.constant 0 : i32
      %dma_wait3A_72 = arith.constant 0 : i32
      %dma_wait3A_73 = tpu.memref_slice %arg4[%add3A, %dma_wait3A_71, %dma_wait3A_72] : memref<32x200x50xi32, #tpu.memory_space<hbm>> -> memref<1x200x50xi32, #tpu.memory_space<hbm>>
      %dma_wait3A_74 = tpu.memref_squeeze %dma_wait3A_73 : memref<1x200x50xi32, #tpu.memory_space<hbm>> -> memref<200x50xi32, #tpu.memory_space<hbm>>
      %dma_wait3A_75 = arith.constant 0 : i32
      %dma_wait3A_76 = arith.constant 0 : i32
      %dma_wait3A_77 = tpu.memref_slice %arg4[%add3A, %dma_wait3A_75, %dma_wait3A_76] : memref<32x200x50xi32, #tpu.memory_space<hbm>> -> memref<1x200x50xi32, #tpu.memory_space<hbm>>
      %dma_wait3A_78 = tpu.memref_squeeze %dma_wait3A_77 : memref<1x200x50xi32, #tpu.memory_space<hbm>> -> memref<200x50xi32, #tpu.memory_space<hbm>>
      tpu.wait_dma2 semaphore(%run_scoped3A : memref<!tpu.dma_semaphore, #tpu.memory_space<semaphore_mem>>) src(%dma_wait3A_78 : memref<200x50xi32, #tpu.memory_space<hbm>>) dst(%arg8 : memref<200x50xi32, #tpu.memory_space<vmem>>)
      tpu.yield
    }) : () -> ()
    %barrier3A = arith.constant 0 : index
    tpu.barrier barrier_id(%barrier3A)
    %dma_start3A = arith.constant 0 : i32
    %dma_start3A_3 = arith.constant 0 : i32
    %dma_start3A_4 = tpu.memref_slice %arg7[%dma_start3A, %dma_start3A_3] : memref<200x50xi32, #tpu.memory_space<vmem>> -> memref<1x50xi32, #tpu.memory_space<vmem>>
    %dma_start3A_5 = tpu.memref_squeeze %dma_start3A_4 : memref<1x50xi32, #tpu.memory_space<vmem>> -> memref<50xi32, #tpu.memory_space<vmem>>
    %dma_start3A_6 = arith.constant 0 : i32
    %dma_start3A_7 = arith.constant 0 : i32
    %dma_start3A_8 = tpu.memref_slice %arg2[%dma_start3A_6, %dma_start3A_7] : memref<10112x48xf32, #tpu.memory_space<hbm>> -> memref<10112x48xf32, #tpu.memory_space<hbm>>
    tpu.enqueue_indirect_dma source(%dma_start3A_8 : memref<10112x48xf32, #tpu.memory_space<hbm>>) target(%arg9 : memref<50x48xf32, #tpu.memory_space<vmem>>) offsets(%dma_start3A_5 : memref<50xi32, #tpu.memory_space<vmem>>) semaphore(%arg13 : memref<!tpu.dma_semaphore, #tpu.memory_space<semaphore_mem>>)
    %dma_start3A_9 = arith.constant 1 : i32
    %dma_start3A_10 = arith.constant 0 : i32
    %dma_start3A_11 = tpu.memref_slice %arg7[%dma_start3A_9, %dma_start3A_10] : memref<200x50xi32, #tpu.memory_space<vmem>> -> memref<1x50xi32, #tpu.memory_space<vmem>>
    %dma_start3A_12 = tpu.memref_squeeze %dma_start3A_11 : memref<1x50xi32, #tpu.memory_space<vmem>> -> memref<50xi32, #tpu.memory_space<vmem>>
    %dma_start3A_13 = arith.constant 0 : i32
    %dma_start3A_14 = arith.constant 0 : i32
    %dma_start3A_15 = tpu.memref_slice %arg2[%dma_start3A_13, %dma_start3A_14] : memref<10112x48xf32, #tpu.memory_space<hbm>> -> memref<10112x48xf32, #tpu.memory_space<hbm>>
    tpu.enqueue_indirect_dma source(%dma_start3A_15 : memref<10112x48xf32, #tpu.memory_space<hbm>>) target(%arg10 : memref<50x48xf32, #tpu.memory_space<vmem>>) offsets(%dma_start3A_12 : memref<50xi32, #tpu.memory_space<vmem>>) semaphore(%arg14 : memref<!tpu.dma_semaphore, #tpu.memory_space<semaphore_mem>>)
    %dma_start3A_16 = arith.constant 2 : i32
    %dma_start3A_17 = arith.constant 0 : i32
    %dma_start3A_18 = tpu.memref_slice %arg7[%dma_start3A_16, %dma_start3A_17] : memref<200x50xi32, #tpu.memory_space<vmem>> -> memref<1x50xi32, #tpu.memory_space<vmem>>
    %dma_start3A_19 = tpu.memref_squeeze %dma_start3A_18 : memref<1x50xi32, #tpu.memory_space<vmem>> -> memref<50xi32, #tpu.memory_space<vmem>>
    %dma_start3A_20 = arith.constant 0 : i32
    %dma_start3A_21 = arith.constant 0 : i32
    %dma_start3A_22 = tpu.memref_slice %arg2[%dma_start3A_20, %dma_start3A_21] : memref<10112x48xf32, #tpu.memory_space<hbm>> -> memref<10112x48xf32, #tpu.memory_space<hbm>>
    tpu.enqueue_indirect_dma source(%dma_start3A_22 : memref<10112x48xf32, #tpu.memory_space<hbm>>) target(%arg11 : memref<50x48xf32, #tpu.memory_space<vmem>>) offsets(%dma_start3A_19 : memref<50xi32, #tpu.memory_space<vmem>>) semaphore(%arg15 : memref<!tpu.dma_semaphore, #tpu.memory_space<semaphore_mem>>)
    %dma_start3A_23 = arith.constant 3 : i32
    %dma_start3A_24 = arith.constant 0 : i32
    %dma_start3A_25 = tpu.memref_slice %arg7[%dma_start3A_23, %dma_start3A_24] : memref<200x50xi32, #tpu.memory_space<vmem>> -> memref<1x50xi32, #tpu.memory_space<vmem>>
    %dma_start3A_26 = tpu.memref_squeeze %dma_start3A_25 : memref<1x50xi32, #tpu.memory_space<vmem>> -> memref<50xi32, #tpu.memory_space<vmem>>
    %dma_start3A_27 = arith.constant 0 : i32
    %dma_start3A_28 = arith.constant 0 : i32
    %dma_start3A_29 = tpu.memref_slice %arg2[%dma_start3A_27, %dma_start3A_28] : memref<10112x48xf32, #tpu.memory_space<hbm>> -> memref<10112x48xf32, #tpu.memory_space<hbm>>
    tpu.enqueue_indirect_dma source(%dma_start3A_29 : memref<10112x48xf32, #tpu.memory_space<hbm>>) target(%arg12 : memref<50x48xf32, #tpu.memory_space<vmem>>) offsets(%dma_start3A_26 : memref<50xi32, #tpu.memory_space<vmem>>) semaphore(%arg16 : memref<!tpu.dma_semaphore, #tpu.memory_space<semaphore_mem>>)
    %scan3A = arith.constant 0 : i32
    %scan3A_30 = arith.constant 0 : i32
    %scan3A_31 = arith.constant 50 : i32
    %scan3A_32 = arith.addi %scan3A_30, %scan3A_31 : i32
    %scan3A_33 = arith.constant 1 : i32
    scf.for %scan3A_63 = %scan3A_30 to %scan3A_32 step %scan3A_33  : i32 {
      %mul3A_64 = arith.constant 4 : i32
      %mul3A_65 = arith.muli %scan3A_63, %mul3A_64 : i32
      %add3A_66 = arith.constant 0 : i32
      %add3A_67 = arith.addi %mul3A_65, %add3A_66 : i32
      %dma_wait3A_68 = arith.constant 0 : i32
      %dma_wait3A_69 = tpu.memref_slice %arg7[%add3A_67, %dma_wait3A_68] : memref<200x50xi32, #tpu.memory_space<vmem>> -> memref<1x50xi32, #tpu.memory_space<vmem>>
      %dma_wait3A_70 = tpu.memref_squeeze %dma_wait3A_69 : memref<1x50xi32, #tpu.memory_space<vmem>> -> memref<50xi32, #tpu.memory_space<vmem>>
      %dma_wait3A_71 = arith.constant 0 : i32
      %dma_wait3A_72 = arith.constant 0 : i32
      %dma_wait3A_73 = tpu.memref_slice %arg2[%dma_wait3A_71, %dma_wait3A_72] : memref<10112x48xf32, #tpu.memory_space<hbm>> -> memref<10112x48xf32, #tpu.memory_space<hbm>>
      tpu.wait_indirect_dma semaphore(%arg13 : memref<!tpu.dma_semaphore, #tpu.memory_space<semaphore_mem>>) src(%dma_wait3A_73 : memref<10112x48xf32, #tpu.memory_space<hbm>>) dst(%arg9 : memref<50x48xf32, #tpu.memory_space<vmem>>)
      %dma_start3A_74 = arith.constant 0 : i32
      %dma_start3A_75 = tpu.memref_slice %arg8[%add3A_67, %dma_start3A_74] : memref<200x50xi32, #tpu.memory_space<vmem>> -> memref<1x50xi32, #tpu.memory_space<vmem>>
      %dma_start3A_76 = tpu.memref_squeeze %dma_start3A_75 : memref<1x50xi32, #tpu.memory_space<vmem>> -> memref<50xi32, #tpu.memory_space<vmem>>
      %dma_start3A_77 = arith.constant 0 : i32
      %dma_start3A_78 = arith.constant 0 : i32
      %dma_start3A_79 = tpu.memref_slice %arg21[%dma_start3A_77, %dma_start3A_78] : memref<10112x48xf32, #tpu.memory_space<vmem_shared>> -> memref<10112x48xf32, #tpu.memory_space<vmem_shared>>
      tpu.enqueue_indirect_dma source(%arg9 : memref<50x48xf32, #tpu.memory_space<vmem>>) target(%dma_start3A_79 : memref<10112x48xf32, #tpu.memory_space<vmem_shared>>) offsets(%dma_start3A_76 : memref<50xi32, #tpu.memory_space<vmem>>) semaphore(%arg17 : memref<!tpu.dma_semaphore, #tpu.memory_space<semaphore_mem>>) {add = true}
      %add3A_80 = arith.constant 2 : i32
      %add3A_81 = arith.addi %add3A_67, %add3A_80 : i32
      %ge3A = arith.constant 4 : i32
      %ge3A_82 = arith.cmpi sge, %add3A_81, %ge3A : i32
      %lt3A = arith.constant 200 : i32
      %lt3A_83 = arith.cmpi slt, %add3A_81, %lt3A : i32
      %and3A = arith.andi %ge3A_82, %lt3A_83 : i1
      %convert_element_type3A = arith.extui %and3A : i1 to i32
      %cond3A = arith.constant 0 : i32
      %cond3A_84 = arith.cmpi ne, %convert_element_type3A, %cond3A : i32
      scf.if %cond3A_84 {
        %dma_wait3A_163 = arith.constant 0 : i32
        %dma_wait3A_164 = tpu.memref_slice %arg8[%add3A_81, %dma_wait3A_163] : memref<200x50xi32, #tpu.memory_space<vmem>> -> memref<1x50xi32, #tpu.memory_space<vmem>>
        %dma_wait3A_165 = tpu.memref_squeeze %dma_wait3A_164 : memref<1x50xi32, #tpu.memory_space<vmem>> -> memref<50xi32, #tpu.memory_space<vmem>>
        %dma_wait3A_166 = arith.constant 0 : i32
        %dma_wait3A_167 = arith.constant 0 : i32
        %dma_wait3A_168 = tpu.memref_slice %arg21[%dma_wait3A_166, %dma_wait3A_167] : memref<10112x48xf32, #tpu.memory_space<vmem_shared>> -> memref<10112x48xf32, #tpu.memory_space<vmem_shared>>
        tpu.wait_indirect_dma semaphore(%arg19 : memref<!tpu.dma_semaphore, #tpu.memory_space<semaphore_mem>>) src(%arg11 : memref<50x48xf32, #tpu.memory_space<vmem>>) dst(%dma_wait3A_168 : memref<10112x48xf32, #tpu.memory_space<vmem_shared>>)
        %dma_start3A_169 = arith.constant 0 : i32
        %dma_start3A_170 = tpu.memref_slice %arg7[%add3A_81, %dma_start3A_169] : memref<200x50xi32, #tpu.memory_space<vmem>> -> memref<1x50xi32, #tpu.memory_space<vmem>>
        %dma_start3A_171 = tpu.memref_squeeze %dma_start3A_170 : memref<1x50xi32, #tpu.memory_space<vmem>> -> memref<50xi32, #tpu.memory_space<vmem>>
        %dma_start3A_172 = arith.constant 0 : i32
        %dma_start3A_173 = arith.constant 0 : i32
        %dma_start3A_174 = tpu.memref_slice %arg2[%dma_start3A_172, %dma_start3A_173] : memref<10112x48xf32, #tpu.memory_space<hbm>> -> memref<10112x48xf32, #tpu.memory_space<hbm>>
        tpu.enqueue_indirect_dma source(%dma_start3A_174 : memref<10112x48xf32, #tpu.memory_space<hbm>>) target(%arg11 : memref<50x48xf32, #tpu.memory_space<vmem>>) offsets(%dma_start3A_171 : memref<50xi32, #tpu.memory_space<vmem>>) semaphore(%arg15 : memref<!tpu.dma_semaphore, #tpu.memory_space<semaphore_mem>>)
      } else {
      }
      %mul3A_85 = arith.constant 4 : i32
      %mul3A_86 = arith.muli %scan3A_63, %mul3A_85 : i32
      %add3A_87 = arith.constant 1 : i32
      %add3A_88 = arith.addi %mul3A_86, %add3A_87 : i32
      %dma_wait3A_89 = arith.constant 0 : i32
      %dma_wait3A_90 = tpu.memref_slice %arg7[%add3A_88, %dma_wait3A_89] : memref<200x50xi32, #tpu.memory_space<vmem>> -> memref<1x50xi32, #tpu.memory_space<vmem>>
      %dma_wait3A_91 = tpu.memref_squeeze %dma_wait3A_90 : memref<1x50xi32, #tpu.memory_space<vmem>> -> memref<50xi32, #tpu.memory_space<vmem>>
      %dma_wait3A_92 = arith.constant 0 : i32
      %dma_wait3A_93 = arith.constant 0 : i32
      %dma_wait3A_94 = tpu.memref_slice %arg2[%dma_wait3A_92, %dma_wait3A_93] : memref<10112x48xf32, #tpu.memory_space<hbm>> -> memref<10112x48xf32, #tpu.memory_space<hbm>>
      tpu.wait_indirect_dma semaphore(%arg14 : memref<!tpu.dma_semaphore, #tpu.memory_space<semaphore_mem>>) src(%dma_wait3A_94 : memref<10112x48xf32, #tpu.memory_space<hbm>>) dst(%arg10 : memref<50x48xf32, #tpu.memory_space<vmem>>)
      %dma_start3A_95 = arith.constant 0 : i32
      %dma_start3A_96 = tpu.memref_slice %arg8[%add3A_88, %dma_start3A_95] : memref<200x50xi32, #tpu.memory_space<vmem>> -> memref<1x50xi32, #tpu.memory_space<vmem>>
      %dma_start3A_97 = tpu.memref_squeeze %dma_start3A_96 : memref<1x50xi32, #tpu.memory_space<vmem>> -> memref<50xi32, #tpu.memory_space<vmem>>
      %dma_start3A_98 = arith.constant 0 : i32
      %dma_start3A_99 = arith.constant 0 : i32
      %dma_start3A_100 = tpu.memref_slice %arg21[%dma_start3A_98, %dma_start3A_99] : memref<10112x48xf32, #tpu.memory_space<vmem_shared>> -> memref<10112x48xf32, #tpu.memory_space<vmem_shared>>
      tpu.enqueue_indirect_dma source(%arg10 : memref<50x48xf32, #tpu.memory_space<vmem>>) target(%dma_start3A_100 : memref<10112x48xf32, #tpu.memory_space<vmem_shared>>) offsets(%dma_start3A_97 : memref<50xi32, #tpu.memory_space<vmem>>) semaphore(%arg18 : memref<!tpu.dma_semaphore, #tpu.memory_space<semaphore_mem>>) {add = true}
      %add3A_101 = arith.constant 2 : i32
      %add3A_102 = arith.addi %add3A_88, %add3A_101 : i32
      %ge3A_103 = arith.constant 4 : i32
      %ge3A_104 = arith.cmpi sge, %add3A_102, %ge3A_103 : i32
      %lt3A_105 = arith.constant 200 : i32
      %lt3A_106 = arith.cmpi slt, %add3A_102, %lt3A_105 : i32
      %and3A_107 = arith.andi %ge3A_104, %lt3A_106 : i1
      %convert_element_type3A_108 = arith.extui %and3A_107 : i1 to i32
      %cond3A_109 = arith.constant 0 : i32
      %cond3A_110 = arith.cmpi ne, %convert_element_type3A_108, %cond3A_109 : i32
      scf.if %cond3A_110 {
        %dma_wait3A_163 = arith.constant 0 : i32
        %dma_wait3A_164 = tpu.memref_slice %arg8[%add3A_102, %dma_wait3A_163] : memref<200x50xi32, #tpu.memory_space<vmem>> -> memref<1x50xi32, #tpu.memory_space<vmem>>
        %dma_wait3A_165 = tpu.memref_squeeze %dma_wait3A_164 : memref<1x50xi32, #tpu.memory_space<vmem>> -> memref<50xi32, #tpu.memory_space<vmem>>
        %dma_wait3A_166 = arith.constant 0 : i32
        %dma_wait3A_167 = arith.constant 0 : i32
        %dma_wait3A_168 = tpu.memref_slice %arg21[%dma_wait3A_166, %dma_wait3A_167] : memref<10112x48xf32, #tpu.memory_space<vmem_shared>> -> memref<10112x48xf32, #tpu.memory_space<vmem_shared>>
        tpu.wait_indirect_dma semaphore(%arg20 : memref<!tpu.dma_semaphore, #tpu.memory_space<semaphore_mem>>) src(%arg12 : memref<50x48xf32, #tpu.memory_space<vmem>>) dst(%dma_wait3A_168 : memref<10112x48xf32, #tpu.memory_space<vmem_shared>>)
        %dma_start3A_169 = arith.constant 0 : i32
        %dma_start3A_170 = tpu.memref_slice %arg7[%add3A_102, %dma_start3A_169] : memref<200x50xi32, #tpu.memory_space<vmem>> -> memref<1x50xi32, #tpu.memory_space<vmem>>
        %dma_start3A_171 = tpu.memref_squeeze %dma_start3A_170 : memref<1x50xi32, #tpu.memory_space<vmem>> -> memref<50xi32, #tpu.memory_space<vmem>>
        %dma_start3A_172 = arith.constant 0 : i32
        %dma_start3A_173 = arith.constant 0 : i32
        %dma_start3A_174 = tpu.memref_slice %arg2[%dma_start3A_172, %dma_start3A_173] : memref<10112x48xf32, #tpu.memory_space<hbm>> -> memref<10112x48xf32, #tpu.memory_space<hbm>>
        tpu.enqueue_indirect_dma source(%dma_start3A_174 : memref<10112x48xf32, #tpu.memory_space<hbm>>) target(%arg12 : memref<50x48xf32, #tpu.memory_space<vmem>>) offsets(%dma_start3A_171 : memref<50xi32, #tpu.memory_space<vmem>>) semaphore(%arg16 : memref<!tpu.dma_semaphore, #tpu.memory_space<semaphore_mem>>)
      } else {
      }
      %mul3A_111 = arith.constant 4 : i32
      %mul3A_112 = arith.muli %scan3A_63, %mul3A_111 : i32
      %add3A_113 = arith.constant 2 : i32
      %add3A_114 = arith.addi %mul3A_112, %add3A_113 : i32
      %dma_wait3A_115 = arith.constant 0 : i32
      %dma_wait3A_116 = tpu.memref_slice %arg7[%add3A_114, %dma_wait3A_115] : memref<200x50xi32, #tpu.memory_space<vmem>> -> memref<1x50xi32, #tpu.memory_space<vmem>>
      %dma_wait3A_117 = tpu.memref_squeeze %dma_wait3A_116 : memref<1x50xi32, #tpu.memory_space<vmem>> -> memref<50xi32, #tpu.memory_space<vmem>>
      %dma_wait3A_118 = arith.constant 0 : i32
      %dma_wait3A_119 = arith.constant 0 : i32
      %dma_wait3A_120 = tpu.memref_slice %arg2[%dma_wait3A_118, %dma_wait3A_119] : memref<10112x48xf32, #tpu.memory_space<hbm>> -> memref<10112x48xf32, #tpu.memory_space<hbm>>
      tpu.wait_indirect_dma semaphore(%arg15 : memref<!tpu.dma_semaphore, #tpu.memory_space<semaphore_mem>>) src(%dma_wait3A_120 : memref<10112x48xf32, #tpu.memory_space<hbm>>) dst(%arg11 : memref<50x48xf32, #tpu.memory_space<vmem>>)
      %dma_start3A_121 = arith.constant 0 : i32
      %dma_start3A_122 = tpu.memref_slice %arg8[%add3A_114, %dma_start3A_121] : memref<200x50xi32, #tpu.memory_space<vmem>> -> memref<1x50xi32, #tpu.memory_space<vmem>>
      %dma_start3A_123 = tpu.memref_squeeze %dma_start3A_122 : memref<1x50xi32, #tpu.memory_space<vmem>> -> memref<50xi32, #tpu.memory_space<vmem>>
      %dma_start3A_124 = arith.constant 0 : i32
      %dma_start3A_125 = arith.constant 0 : i32
      %dma_start3A_126 = tpu.memref_slice %arg21[%dma_start3A_124, %dma_start3A_125] : memref<10112x48xf32, #tpu.memory_space<vmem_shared>> -> memref<10112x48xf32, #tpu.memory_space<vmem_shared>>
      tpu.enqueue_indirect_dma source(%arg11 : memref<50x48xf32, #tpu.memory_space<vmem>>) target(%dma_start3A_126 : memref<10112x48xf32, #tpu.memory_space<vmem_shared>>) offsets(%dma_start3A_123 : memref<50xi32, #tpu.memory_space<vmem>>) semaphore(%arg19 : memref<!tpu.dma_semaphore, #tpu.memory_space<semaphore_mem>>) {add = true}
      %add3A_127 = arith.constant 2 : i32
      %add3A_128 = arith.addi %add3A_114, %add3A_127 : i32
      %ge3A_129 = arith.constant 4 : i32
      %ge3A_130 = arith.cmpi sge, %add3A_128, %ge3A_129 : i32
      %lt3A_131 = arith.constant 200 : i32
      %lt3A_132 = arith.cmpi slt, %add3A_128, %lt3A_131 : i32
      %and3A_133 = arith.andi %ge3A_130, %lt3A_132 : i1
      %convert_element_type3A_134 = arith.extui %and3A_133 : i1 to i32
      %cond3A_135 = arith.constant 0 : i32
      %cond3A_136 = arith.cmpi ne, %convert_element_type3A_134, %cond3A_135 : i32
      scf.if %cond3A_136 {
        %dma_wait3A_163 = arith.constant 0 : i32
        %dma_wait3A_164 = tpu.memref_slice %arg8[%add3A_128, %dma_wait3A_163] : memref<200x50xi32, #tpu.memory_space<vmem>> -> memref<1x50xi32, #tpu.memory_space<vmem>>
        %dma_wait3A_165 = tpu.memref_squeeze %dma_wait3A_164 : memref<1x50xi32, #tpu.memory_space<vmem>> -> memref<50xi32, #tpu.memory_space<vmem>>
        %dma_wait3A_166 = arith.constant 0 : i32
        %dma_wait3A_167 = arith.constant 0 : i32
        %dma_wait3A_168 = tpu.memref_slice %arg21[%dma_wait3A_166, %dma_wait3A_167] : memref<10112x48xf32, #tpu.memory_space<vmem_shared>> -> memref<10112x48xf32, #tpu.memory_space<vmem_shared>>
        tpu.wait_indirect_dma semaphore(%arg17 : memref<!tpu.dma_semaphore, #tpu.memory_space<semaphore_mem>>) src(%arg9 : memref<50x48xf32, #tpu.memory_space<vmem>>) dst(%dma_wait3A_168 : memref<10112x48xf32, #tpu.memory_space<vmem_shared>>)
        %dma_start3A_169 = arith.constant 0 : i32
        %dma_start3A_170 = tpu.memref_slice %arg7[%add3A_128, %dma_start3A_169] : memref<200x50xi32, #tpu.memory_space<vmem>> -> memref<1x50xi32, #tpu.memory_space<vmem>>
        %dma_start3A_171 = tpu.memref_squeeze %dma_start3A_170 : memref<1x50xi32, #tpu.memory_space<vmem>> -> memref<50xi32, #tpu.memory_space<vmem>>
        %dma_start3A_172 = arith.constant 0 : i32
        %dma_start3A_173 = arith.constant 0 : i32
        %dma_start3A_174 = tpu.memref_slice %arg2[%dma_start3A_172, %dma_start3A_173] : memref<10112x48xf32, #tpu.memory_space<hbm>> -> memref<10112x48xf32, #tpu.memory_space<hbm>>
        tpu.enqueue_indirect_dma source(%dma_start3A_174 : memref<10112x48xf32, #tpu.memory_space<hbm>>) target(%arg9 : memref<50x48xf32, #tpu.memory_space<vmem>>) offsets(%dma_start3A_171 : memref<50xi32, #tpu.memory_space<vmem>>) semaphore(%arg13 : memref<!tpu.dma_semaphore, #tpu.memory_space<semaphore_mem>>)
      } else {
      }
      %mul3A_137 = arith.constant 4 : i32
      %mul3A_138 = arith.muli %scan3A_63, %mul3A_137 : i32
      %add3A_139 = arith.constant 3 : i32
      %add3A_140 = arith.addi %mul3A_138, %add3A_139 : i32
      %dma_wait3A_141 = arith.constant 0 : i32
      %dma_wait3A_142 = tpu.memref_slice %arg7[%add3A_140, %dma_wait3A_141] : memref<200x50xi32, #tpu.memory_space<vmem>> -> memref<1x50xi32, #tpu.memory_space<vmem>>
      %dma_wait3A_143 = tpu.memref_squeeze %dma_wait3A_142 : memref<1x50xi32, #tpu.memory_space<vmem>> -> memref<50xi32, #tpu.memory_space<vmem>>
      %dma_wait3A_144 = arith.constant 0 : i32
      %dma_wait3A_145 = arith.constant 0 : i32
      %dma_wait3A_146 = tpu.memref_slice %arg2[%dma_wait3A_144, %dma_wait3A_145] : memref<10112x48xf32, #tpu.memory_space<hbm>> -> memref<10112x48xf32, #tpu.memory_space<hbm>>
      tpu.wait_indirect_dma semaphore(%arg16 : memref<!tpu.dma_semaphore, #tpu.memory_space<semaphore_mem>>) src(%dma_wait3A_146 : memref<10112x48xf32, #tpu.memory_space<hbm>>) dst(%arg12 : memref<50x48xf32, #tpu.memory_space<vmem>>)
      %dma_start3A_147 = arith.constant 0 : i32
      %dma_start3A_148 = tpu.memref_slice %arg8[%add3A_140, %dma_start3A_147] : memref<200x50xi32, #tpu.memory_space<vmem>> -> memref<1x50xi32, #tpu.memory_space<vmem>>
      %dma_start3A_149 = tpu.memref_squeeze %dma_start3A_148 : memref<1x50xi32, #tpu.memory_space<vmem>> -> memref<50xi32, #tpu.memory_space<vmem>>
      %dma_start3A_150 = arith.constant 0 : i32
      %dma_start3A_151 = arith.constant 0 : i32
      %dma_start3A_152 = tpu.memref_slice %arg21[%dma_start3A_150, %dma_start3A_151] : memref<10112x48xf32, #tpu.memory_space<vmem_shared>> -> memref<10112x48xf32, #tpu.memory_space<vmem_shared>>
      tpu.enqueue_indirect_dma source(%arg12 : memref<50x48xf32, #tpu.memory_space<vmem>>) target(%dma_start3A_152 : memref<10112x48xf32, #tpu.memory_space<vmem_shared>>) offsets(%dma_start3A_149 : memref<50xi32, #tpu.memory_space<vmem>>) semaphore(%arg20 : memref<!tpu.dma_semaphore, #tpu.memory_space<semaphore_mem>>) {add = true}
      %add3A_153 = arith.constant 2 : i32
      %add3A_154 = arith.addi %add3A_140, %add3A_153 : i32
      %ge3A_155 = arith.constant 4 : i32
      %ge3A_156 = arith.cmpi sge, %add3A_154, %ge3A_155 : i32
      %lt3A_157 = arith.constant 200 : i32
      %lt3A_158 = arith.cmpi slt, %add3A_154, %lt3A_157 : i32
      %and3A_159 = arith.andi %ge3A_156, %lt3A_158 : i1
      %convert_element_type3A_160 = arith.extui %and3A_159 : i1 to i32
      %cond3A_161 = arith.constant 0 : i32
      %cond3A_162 = arith.cmpi ne, %convert_element_type3A_160, %cond3A_161 : i32
      scf.if %cond3A_162 {
        %dma_wait3A_163 = arith.constant 0 : i32
        %dma_wait3A_164 = tpu.memref_slice %arg8[%add3A_154, %dma_wait3A_163] : memref<200x50xi32, #tpu.memory_space<vmem>> -> memref<1x50xi32, #tpu.memory_space<vmem>>
        %dma_wait3A_165 = tpu.memref_squeeze %dma_wait3A_164 : memref<1x50xi32, #tpu.memory_space<vmem>> -> memref<50xi32, #tpu.memory_space<vmem>>
        %dma_wait3A_166 = arith.constant 0 : i32
        %dma_wait3A_167 = arith.constant 0 : i32
        %dma_wait3A_168 = tpu.memref_slice %arg21[%dma_wait3A_166, %dma_wait3A_167] : memref<10112x48xf32, #tpu.memory_space<vmem_shared>> -> memref<10112x48xf32, #tpu.memory_space<vmem_shared>>
        tpu.wait_indirect_dma semaphore(%arg18 : memref<!tpu.dma_semaphore, #tpu.memory_space<semaphore_mem>>) src(%arg10 : memref<50x48xf32, #tpu.memory_space<vmem>>) dst(%dma_wait3A_168 : memref<10112x48xf32, #tpu.memory_space<vmem_shared>>)
        %dma_start3A_169 = arith.constant 0 : i32
        %dma_start3A_170 = tpu.memref_slice %arg7[%add3A_154, %dma_start3A_169] : memref<200x50xi32, #tpu.memory_space<vmem>> -> memref<1x50xi32, #tpu.memory_space<vmem>>
        %dma_start3A_171 = tpu.memref_squeeze %dma_start3A_170 : memref<1x50xi32, #tpu.memory_space<vmem>> -> memref<50xi32, #tpu.memory_space<vmem>>
        %dma_start3A_172 = arith.constant 0 : i32
        %dma_start3A_173 = arith.constant 0 : i32
        %dma_start3A_174 = tpu.memref_slice %arg2[%dma_start3A_172, %dma_start3A_173] : memref<10112x48xf32, #tpu.memory_space<hbm>> -> memref<10112x48xf32, #tpu.memory_space<hbm>>
        tpu.enqueue_indirect_dma source(%dma_start3A_174 : memref<10112x48xf32, #tpu.memory_space<hbm>>) target(%arg10 : memref<50x48xf32, #tpu.memory_space<vmem>>) offsets(%dma_start3A_171 : memref<50xi32, #tpu.memory_space<vmem>>) semaphore(%arg14 : memref<!tpu.dma_semaphore, #tpu.memory_space<semaphore_mem>>)
      } else {
      }
    }
    %scan3A_34 = arith.constant 50 : i32
    %dma_wait3A = arith.constant 0 : i32
    %dma_wait3A_35 = arith.constant 0 : i32
    %dma_wait3A_36 = tpu.memref_slice %arg8[%dma_wait3A, %dma_wait3A_35] : memref<200x50xi32, #tpu.memory_space<vmem>> -> memref<1x50xi32, #tpu.memory_space<vmem>>
    %dma_wait3A_37 = tpu.memref_squeeze %dma_wait3A_36 : memref<1x50xi32, #tpu.memory_space<vmem>> -> memref<50xi32, #tpu.memory_space<vmem>>
    %dma_wait3A_38 = arith.constant 0 : i32
    %dma_wait3A_39 = arith.constant 0 : i32
    %dma_wait3A_40 = tpu.memref_slice %arg21[%dma_wait3A_38, %dma_wait3A_39] : memref<10112x48xf32, #tpu.memory_space<vmem_shared>> -> memref<10112x48xf32, #tpu.memory_space<vmem_shared>>
    tpu.wait_indirect_dma semaphore(%arg17 : memref<!tpu.dma_semaphore, #tpu.memory_space<semaphore_mem>>) src(%arg9 : memref<50x48xf32, #tpu.memory_space<vmem>>) dst(%dma_wait3A_40 : memref<10112x48xf32, #tpu.memory_space<vmem_shared>>)
    %dma_wait3A_41 = arith.constant 0 : i32
    %dma_wait3A_42 = arith.constant 0 : i32
    %dma_wait3A_43 = tpu.memref_slice %arg8[%dma_wait3A_41, %dma_wait3A_42] : memref<200x50xi32, #tpu.memory_space<vmem>> -> memref<1x50xi32, #tpu.memory_space<vmem>>
    %dma_wait3A_44 = tpu.memref_squeeze %dma_wait3A_43 : memref<1x50xi32, #tpu.memory_space<vmem>> -> memref<50xi32, #tpu.memory_space<vmem>>
    %dma_wait3A_45 = arith.constant 0 : i32
    %dma_wait3A_46 = arith.constant 0 : i32
    %dma_wait3A_47 = tpu.memref_slice %arg21[%dma_wait3A_45, %dma_wait3A_46] : memref<10112x48xf32, #tpu.memory_space<vmem_shared>> -> memref<10112x48xf32, #tpu.memory_space<vmem_shared>>
    tpu.wait_indirect_dma semaphore(%arg18 : memref<!tpu.dma_semaphore, #tpu.memory_space<semaphore_mem>>) src(%arg10 : memref<50x48xf32, #tpu.memory_space<vmem>>) dst(%dma_wait3A_47 : memref<10112x48xf32, #tpu.memory_space<vmem_shared>>)
    %dma_wait3A_48 = arith.constant 0 : i32
    %dma_wait3A_49 = arith.constant 0 : i32
    %dma_wait3A_50 = tpu.memref_slice %arg8[%dma_wait3A_48, %dma_wait3A_49] : memref<200x50xi32, #tpu.memory_space<vmem>> -> memref<1x50xi32, #tpu.memory_space<vmem>>
    %dma_wait3A_51 = tpu.memref_squeeze %dma_wait3A_50 : memref<1x50xi32, #tpu.memory_space<vmem>> -> memref<50xi32, #tpu.memory_space<vmem>>
    %dma_wait3A_52 = arith.constant 0 : i32
    %dma_wait3A_53 = arith.constant 0 : i32
    %dma_wait3A_54 = tpu.memref_slice %arg21[%dma_wait3A_52, %dma_wait3A_53] : memref<10112x48xf32, #tpu.memory_space<vmem_shared>> -> memref<10112x48xf32, #tpu.memory_space<vmem_shared>>
    tpu.wait_indirect_dma semaphore(%arg19 : memref<!tpu.dma_semaphore, #tpu.memory_space<semaphore_mem>>) src(%arg11 : memref<50x48xf32, #tpu.memory_space<vmem>>) dst(%dma_wait3A_54 : memref<10112x48xf32, #tpu.memory_space<vmem_shared>>)
    %dma_wait3A_55 = arith.constant 0 : i32
    %dma_wait3A_56 = arith.constant 0 : i32
    %dma_wait3A_57 = tpu.memref_slice %arg8[%dma_wait3A_55, %dma_wait3A_56] : memref<200x50xi32, #tpu.memory_space<vmem>> -> memref<1x50xi32, #tpu.memory_space<vmem>>
    %dma_wait3A_58 = tpu.memref_squeeze %dma_wait3A_57 : memref<1x50xi32, #tpu.memory_space<vmem>> -> memref<50xi32, #tpu.memory_space<vmem>>
    %dma_wait3A_59 = arith.constant 0 : i32
    %dma_wait3A_60 = arith.constant 0 : i32
    %dma_wait3A_61 = tpu.memref_slice %arg21[%dma_wait3A_59, %dma_wait3A_60] : memref<10112x48xf32, #tpu.memory_space<vmem_shared>> -> memref<10112x48xf32, #tpu.memory_space<vmem_shared>>
    tpu.wait_indirect_dma semaphore(%arg20 : memref<!tpu.dma_semaphore, #tpu.memory_space<semaphore_mem>>) src(%arg12 : memref<50x48xf32, #tpu.memory_space<vmem>>) dst(%dma_wait3A_61 : memref<10112x48xf32, #tpu.memory_space<vmem_shared>>)
    %barrier3A_62 = arith.constant 0 : index
    tpu.barrier barrier_id(%barrier3A_62)
    "tpu.region"() ({
      %run_scoped3A = tpu.sem_alloc : memref<!tpu.dma_semaphore, #tpu.memory_space<semaphore_mem>>
      %dma_start3A_63 = arith.constant 0 : i32
      %dma_start3A_64 = tpu.memref_slice %arg6[%arg0, %mul3A_2, %dma_start3A_63] : memref<2x10112x48xf32, #tpu.memory_space<hbm>> -> memref<1x632x48xf32, #tpu.memory_space<hbm>>
      %dma_start3A_65 = tpu.memref_squeeze %dma_start3A_64 : memref<1x632x48xf32, #tpu.memory_space<hbm>> -> memref<632x48xf32, #tpu.memory_space<hbm>>
      %dma_start3A_66 = arith.constant 0 : i32
      %dma_start3A_67 = tpu.memref_slice %arg21[%mul3A_2, %dma_start3A_66] : memref<10112x48xf32, #tpu.memory_space<vmem_shared>> -> memref<632x48xf32, #tpu.memory_space<vmem_shared>>
      tpu.enqueue_dma source(%dma_start3A_67 : memref<632x48xf32, #tpu.memory_space<vmem_shared>>) target(%dma_start3A_65 : memref<632x48xf32, #tpu.memory_space<hbm>>) target_semaphore(%run_scoped3A : memref<!tpu.dma_semaphore, #tpu.memory_space<semaphore_mem>>)
      %dma_wait3A_68 = arith.constant 0 : i32
      %dma_wait3A_69 = tpu.memref_slice %arg6[%arg0, %mul3A_2, %dma_wait3A_68] : memref<2x10112x48xf32, #tpu.memory_space<hbm>> -> memref<1x632x48xf32, #tpu.memory_space<hbm>>
      %dma_wait3A_70 = tpu.memref_squeeze %dma_wait3A_69 : memref<1x632x48xf32, #tpu.memory_space<hbm>> -> memref<632x48xf32, #tpu.memory_space<hbm>>
      %dma_wait3A_71 = arith.constant 0 : i32
      %dma_wait3A_72 = tpu.memref_slice %arg21[%mul3A_2, %dma_wait3A_71] : memref<10112x48xf32, #tpu.memory_space<vmem_shared>> -> memref<632x48xf32, #tpu.memory_space<vmem_shared>>
      tpu.wait_dma2 semaphore(%run_scoped3A : memref<!tpu.dma_semaphore, #tpu.memory_space<semaphore_mem>>) src(%dma_wait3A_72 : memref<632x48xf32, #tpu.memory_space<vmem_shared>>) dst(%dma_wait3A_70 : memref<632x48xf32, #tpu.memory_space<hbm>>)
      tpu.yield
    }) : () -> ()
    return
  }
}

module attributes {stable_mosaic.version = 14 : i64} {
  func.func @_tc_mid_body(%arg0: i32, %arg1: memref<2x1264x128xf32, #tpu.memory_space<vmem>>, %arg2: memref<2x1264x48xf32, #tpu.memory_space<vmem>>, %arg3: memref<1264x48xf32, #tpu.memory_space<vmem>>, %arg4: memref<1264x16xf32, #tpu.memory_space<vmem>>, %arg5: memref<128x40xf32, #tpu.memory_space<vmem>>, %arg6: memref<40x40xf32, #tpu.memory_space<vmem>>, %arg7: memref<1264x40xf32, #tpu.memory_space<vmem>>, %arg8: memref<1264x48xf32, #tpu.memory_space<vmem>>) attributes {dimension_semantics = [#tpu.dimension_semantics<arbitrary>], iteration_bounds = array<i64: 8>, scalar_prefetch = 0 : i64, scratch_operands = 0 : i64, tpu.core_type = #tpu.core_type<tc>, window_params = [{transform_indices = @transform_0, window_bounds = array<i64: 2, 1264, 128>}, {transform_indices = @transform_1, window_bounds = array<i64: 2, 1264, 48>}, {transform_indices = @transform_2, window_bounds = array<i64: 1264, 48>}, {transform_indices = @transform_3, window_bounds = array<i64: 1264, 16>}, {pipeline_mode = #tpu.pipeline_mode<synchronous>, transform_indices = @transform_4, window_bounds = array<i64: 128, 40>}, {pipeline_mode = #tpu.pipeline_mode<synchronous>, transform_indices = @transform_5, window_bounds = array<i64: 40, 40>}, {transform_indices = @transform_6, window_bounds = array<i64: 1264, 40>}, {transform_indices = @transform_7, window_bounds = array<i64: 1264, 48>}]} {
    %get3A = arith.constant 0 : index
    %get3A_0 = arith.constant 0 : index
    %get3A_1 = arith.constant 0 : index
    %get3A_2 = vector.load %arg1[%get3A, %get3A_0, %get3A_1] : memref<2x1264x128xf32, #tpu.memory_space<vmem>>, vector<1x1264x128xf32>
    %get3A_3 = vector.shape_cast %get3A_2 : vector<1x1264x128xf32> to vector<1264x128xf32>
    %get3A_4 = arith.constant 1 : index
    %get3A_5 = arith.constant 0 : index
    %get3A_6 = arith.constant 0 : index
    %get3A_7 = vector.load %arg1[%get3A_4, %get3A_5, %get3A_6] : memref<2x1264x128xf32, #tpu.memory_space<vmem>>, vector<1x1264x128xf32>
    %get3A_8 = vector.shape_cast %get3A_7 : vector<1x1264x128xf32> to vector<1264x128xf32>
    %add3A = arith.addf %get3A_3, %get3A_8 : vector<1264x128xf32>
    %get3A_9 = arith.constant 0 : index
    %get3A_10 = arith.constant 0 : index
    %get3A_11 = arith.constant 0 : index
    %get3A_12 = vector.load %arg2[%get3A_9, %get3A_10, %get3A_11] : memref<2x1264x48xf32, #tpu.memory_space<vmem>>, vector<1x1264x48xf32>
    %get3A_13 = vector.shape_cast %get3A_12 : vector<1x1264x48xf32> to vector<1264x48xf32>
    %get3A_14 = arith.constant 1 : index
    %get3A_15 = arith.constant 0 : index
    %get3A_16 = arith.constant 0 : index
    %get3A_17 = vector.load %arg2[%get3A_14, %get3A_15, %get3A_16] : memref<2x1264x48xf32, #tpu.memory_space<vmem>>, vector<1x1264x48xf32>
    %get3A_18 = vector.shape_cast %get3A_17 : vector<1x1264x48xf32> to vector<1264x48xf32>
    %add3A_19 = arith.addf %get3A_13, %get3A_18 : vector<1264x48xf32>
    %slice3A = vector.extract_strided_slice %add3A_19 {offsets = [0, 47], sizes = [1264, 1], strides = [1, 1]} : vector<1264x48xf32> to vector<1264x1xf32>
    %max3A = arith.constant 1.000000e+00 : f32
    %max3A_20 = vector.broadcast %max3A : f32 to vector<1264x1xf32>
    %max3A_21 = arith.maximumf %slice3A, %max3A_20 : vector<1264x1xf32>
    %div3A = arith.constant 1.000000e+00 : f32
    %div3A_22 = vector.broadcast %div3A : f32 to vector<1264x1xf32>
    %div3A_23 = arith.divf %div3A_22, %max3A_21 : vector<1264x1xf32>
    %mul3A = vector.broadcast %div3A_23 : vector<1264x1xf32> to vector<1264x128xf32>
    %mul3A_24 = arith.mulf %add3A, %mul3A : vector<1264x128xf32>
    %get3A_25 = arith.constant 0 : index
    %get3A_26 = arith.constant 0 : index
    %get3A_27 = vector.load %arg5[%get3A_25, %get3A_26] : memref<128x40xf32, #tpu.memory_space<vmem>>, vector<128x40xf32>
    %dot_general3A = arith.constant dense<0.000000e+00> : vector<1264x40xf32>
    %dot_general3A_28 = tpu.matmul %mul3A_24, %get3A_27, %dot_general3A {dimension_numbers = #tpu.dot_dimension_numbers<[1], [0], [0], [1], [0, 0, 1, 1], [], []>, transpose_lhs_hint = false} : vector<1264x128xf32>, vector<128x40xf32>, vector<1264x40xf32> -> vector<1264x40xf32>
    %slice3A_29 = vector.extract_strided_slice %add3A_19 {offsets = [0, 0], sizes = [1264, 40], strides = [1, 1]} : vector<1264x48xf32> to vector<1264x40xf32>
    %mul3A_30 = vector.broadcast %div3A_23 : vector<1264x1xf32> to vector<1264x40xf32>
    %mul3A_31 = arith.mulf %slice3A_29, %mul3A_30 : vector<1264x40xf32>
    %get3A_32 = arith.constant 0 : index
    %get3A_33 = arith.constant 0 : index
    %get3A_34 = vector.load %arg6[%get3A_32, %get3A_33] : memref<40x40xf32, #tpu.memory_space<vmem>>, vector<40x40xf32>
    %dot_general3A_35 = arith.constant dense<0.000000e+00> : vector<1264x40xf32>
    %dot_general3A_36 = tpu.matmul %mul3A_31, %get3A_34, %dot_general3A_35 {dimension_numbers = #tpu.dot_dimension_numbers<[1], [0], [0], [1], [0, 0, 1, 1], [], []>, transpose_lhs_hint = false} : vector<1264x40xf32>, vector<40x40xf32>, vector<1264x40xf32> -> vector<1264x40xf32>
    %add3A_37 = arith.addf %dot_general3A_28, %dot_general3A_36 : vector<1264x40xf32>
    %reduce_max3A = arith.constant dense<0xFF800000> : vector<1264xf32>
    %reduce_max3A_38 = vector.multi_reduction <maximumf>, %add3A_37, %reduce_max3A [1] : vector<1264x40xf32> to vector<1264xf32>
    %broadcast_in_dim3A = vector.shape_cast %reduce_max3A_38 : vector<1264xf32> to vector<1264x1xf32>
    %sub3A = vector.broadcast %broadcast_in_dim3A : vector<1264x1xf32> to vector<1264x40xf32>
    %sub3A_39 = arith.subf %add3A_37, %sub3A : vector<1264x40xf32>
    %exp3A = math.exp %sub3A_39 : vector<1264x40xf32>
    %reduce_sum3A = arith.constant dense<0.000000e+00> : vector<1264xf32>
    %reduce_sum3A_40 = vector.multi_reduction <add>, %exp3A, %reduce_sum3A [1] : vector<1264x40xf32> to vector<1264xf32>
    %broadcast_in_dim3A_41 = vector.shape_cast %reduce_sum3A_40 : vector<1264xf32> to vector<1264x1xf32>
    %div3A_42 = vector.broadcast %broadcast_in_dim3A_41 : vector<1264x1xf32> to vector<1264x40xf32>
    %div3A_43 = arith.divf %exp3A, %div3A_42 : vector<1264x40xf32>
    %get3A_44 = arith.constant 0 : index
    %get3A_45 = arith.constant 0 : index
    %get3A_46 = vector.load %arg4[%get3A_44, %get3A_45] : memref<1264x16xf32, #tpu.memory_space<vmem>>, vector<1264x1xf32>
    %gt3A = arith.constant 0.000000e+00 : f32
    %gt3A_47 = vector.broadcast %gt3A : f32 to vector<1264x1xf32>
    %gt3A_48 = arith.cmpf ogt, %get3A_46, %gt3A_47 : vector<1264x1xf32>
    %get3A_49 = arith.constant 0 : index
    %get3A_50 = arith.constant 0 : index
    %get3A_51 = vector.load %arg3[%get3A_49, %get3A_50] : memref<1264x48xf32, #tpu.memory_space<vmem>>, vector<1264x40xf32>
    %broadcast_in_dim3A_52 = vector.shape_cast %gt3A_48 : vector<1264x1xi1> to vector<1264x1xi1>
    %broadcast_in_dim3A_53 = vector.broadcast %broadcast_in_dim3A_52 : vector<1264x1xi1> to vector<1264x40xi1>
    %select_n3A = arith.select %broadcast_in_dim3A_53, %div3A_43, %get3A_51 : vector<1264x40xi1>, vector<1264x40xf32>
    %swap3A = arith.constant 0 : index
    %swap3A_54 = arith.constant 0 : index
    %swap3A_55 = vector.load %arg7[%swap3A, %swap3A_54] : memref<1264x40xf32, #tpu.memory_space<vmem>>, vector<1264x40xf32>
    tpu.vector_store %arg7[%swap3A, %swap3A_54], %dot_general3A_28 {strides = array<i32>} : memref<1264x40xf32, #tpu.memory_space<vmem>>, vector<1264x40xf32>,
    %broadcast_in_dim3A_56 = arith.constant 0.000000e+00 : f32
    %broadcast_in_dim3A_57 = vector.broadcast %broadcast_in_dim3A_56 : f32 to vector<1264x7xf32>
    %broadcast_in_dim3A_58 = arith.constant 1.000000e+00 : f32
    %broadcast_in_dim3A_59 = vector.broadcast %broadcast_in_dim3A_58 : f32 to vector<1264x1xf32>
    %concatenate3A = tpu.concatenate %select_n3A, %broadcast_in_dim3A_57, %broadcast_in_dim3A_59 in 1 : vector<1264x40xf32>, vector<1264x7xf32>, vector<1264x1xf32> -> vector<1264x48xf32>
    %swap3A_60 = arith.constant 0 : index
    %swap3A_61 = arith.constant 0 : index
    %swap3A_62 = vector.load %arg8[%swap3A_60, %swap3A_61] : memref<1264x48xf32, #tpu.memory_space<vmem>>, vector<1264x48xf32>
    tpu.vector_store %arg8[%swap3A_60, %swap3A_61], %concatenate3A {strides = array<i32>} : memref<1264x48xf32, #tpu.memory_space<vmem>>, vector<1264x48xf32>,
    return
  }
  func.func @transform_0(%arg0: i32) -> (i32, i32, i32) {
    %c0_i32 = arith.constant 0 : i32
    %c0_i32_0 = arith.constant 0 : i32
    %c0_i32_1 = arith.constant 0 : i32
    return %c0_i32, %arg0, %c0_i32_0 : i32, i32, i32
  }
  func.func @transform_1(%arg0: i32) -> (i32, i32, i32) {
    %c0_i32 = arith.constant 0 : i32
    %c0_i32_0 = arith.constant 0 : i32
    %c0_i32_1 = arith.constant 0 : i32
    return %c0_i32, %arg0, %c0_i32_0 : i32, i32, i32
  }
  func.func @transform_2(%arg0: i32) -> (i32, i32) {
    %c0_i32 = arith.constant 0 : i32
    %c0_i32_0 = arith.constant 0 : i32
    return %arg0, %c0_i32 : i32, i32
  }
  func.func @transform_3(%arg0: i32) -> (i32, i32) {
    %c0_i32 = arith.constant 0 : i32
    %c0_i32_0 = arith.constant 0 : i32
    return %arg0, %c0_i32 : i32, i32
  }
  func.func @transform_4(%arg0: i32) -> (i32, i32) {
    %c0_i32 = arith.constant 0 : i32
    %c0_i32_0 = arith.constant 0 : i32
    %c0_i32_1 = arith.constant 0 : i32
    return %c0_i32, %c0_i32_0 : i32, i32
  }
  func.func @transform_5(%arg0: i32) -> (i32, i32) {
    %c0_i32 = arith.constant 0 : i32
    %c0_i32_0 = arith.constant 0 : i32
    %c0_i32_1 = arith.constant 0 : i32
    return %c0_i32, %c0_i32_0 : i32, i32
  }
  func.func @transform_6(%arg0: i32) -> (i32, i32) {
    %c0_i32 = arith.constant 0 : i32
    %c0_i32_0 = arith.constant 0 : i32
    return %arg0, %c0_i32 : i32, i32
  }
  func.func @transform_7(%arg0: i32) -> (i32, i32) {
    %c0_i32 = arith.constant 0 : i32
    %c0_i32_0 = arith.constant 0 : i32
    return %arg0, %c0_i32 : i32, i32
  }
}

module attributes {stable_mosaic.version = 14 : i64} {
  func.func @_tc_final_body(%arg0: i32, %arg1: memref<2x1264x48xf32, #tpu.memory_space<vmem>>, %arg2: memref<1264x40xf32, #tpu.memory_space<vmem>>, %arg3: memref<40x40xf32, #tpu.memory_space<vmem>>, %arg4: memref<1264x40xf32, #tpu.memory_space<vmem>>) attributes {dimension_semantics = [#tpu.dimension_semantics<arbitrary>], iteration_bounds = array<i64: 8>, scalar_prefetch = 0 : i64, scratch_operands = 0 : i64, tpu.core_type = #tpu.core_type<tc>, window_params = [{transform_indices = @transform_0, window_bounds = array<i64: 2, 1264, 48>}, {transform_indices = @transform_1, window_bounds = array<i64: 1264, 40>}, {pipeline_mode = #tpu.pipeline_mode<synchronous>, transform_indices = @transform_2, window_bounds = array<i64: 40, 40>}, {transform_indices = @transform_3, window_bounds = array<i64: 1264, 40>}]} {
    %get3A = arith.constant 0 : index
    %get3A_0 = arith.constant 0 : index
    %get3A_1 = arith.constant 0 : index
    %get3A_2 = vector.load %arg1[%get3A, %get3A_0, %get3A_1] : memref<2x1264x48xf32, #tpu.memory_space<vmem>>, vector<1x1264x48xf32>
    %get3A_3 = vector.shape_cast %get3A_2 : vector<1x1264x48xf32> to vector<1264x48xf32>
    %get3A_4 = arith.constant 1 : index
    %get3A_5 = arith.constant 0 : index
    %get3A_6 = arith.constant 0 : index
    %get3A_7 = vector.load %arg1[%get3A_4, %get3A_5, %get3A_6] : memref<2x1264x48xf32, #tpu.memory_space<vmem>>, vector<1x1264x48xf32>
    %get3A_8 = vector.shape_cast %get3A_7 : vector<1x1264x48xf32> to vector<1264x48xf32>
    %add3A = arith.addf %get3A_3, %get3A_8 : vector<1264x48xf32>
    %slice3A = vector.extract_strided_slice %add3A {offsets = [0, 47], sizes = [1264, 1], strides = [1, 1]} : vector<1264x48xf32> to vector<1264x1xf32>
    %max3A = arith.constant 1.000000e+00 : f32
    %max3A_9 = vector.broadcast %max3A : f32 to vector<1264x1xf32>
    %max3A_10 = arith.maximumf %slice3A, %max3A_9 : vector<1264x1xf32>
    %div3A = arith.constant 1.000000e+00 : f32
    %div3A_11 = vector.broadcast %div3A : f32 to vector<1264x1xf32>
    %div3A_12 = arith.divf %div3A_11, %max3A_10 : vector<1264x1xf32>
    %get3A_13 = arith.constant 0 : index
    %get3A_14 = arith.constant 0 : index
    %get3A_15 = vector.load %arg2[%get3A_13, %get3A_14] : memref<1264x40xf32, #tpu.memory_space<vmem>>, vector<1264x40xf32>
    %slice3A_16 = vector.extract_strided_slice %add3A {offsets = [0, 0], sizes = [1264, 40], strides = [1, 1]} : vector<1264x48xf32> to vector<1264x40xf32>
    %mul3A = vector.broadcast %div3A_12 : vector<1264x1xf32> to vector<1264x40xf32>
    %mul3A_17 = arith.mulf %slice3A_16, %mul3A : vector<1264x40xf32>
    %get3A_18 = arith.constant 0 : index
    %get3A_19 = arith.constant 0 : index
    %get3A_20 = vector.load %arg3[%get3A_18, %get3A_19] : memref<40x40xf32, #tpu.memory_space<vmem>>, vector<40x40xf32>
    %dot_general3A = arith.constant dense<0.000000e+00> : vector<1264x40xf32>
    %dot_general3A_21 = tpu.matmul %mul3A_17, %get3A_20, %dot_general3A {dimension_numbers = #tpu.dot_dimension_numbers<[1], [0], [0], [1], [0, 0, 1, 1], [], []>, transpose_lhs_hint = false} : vector<1264x40xf32>, vector<40x40xf32>, vector<1264x40xf32> -> vector<1264x40xf32>
    %add3A_22 = arith.addf %get3A_15, %dot_general3A_21 : vector<1264x40xf32>
    %swap3A = arith.constant 0 : index
    %swap3A_23 = arith.constant 0 : index
    %swap3A_24 = vector.load %arg4[%swap3A, %swap3A_23] : memref<1264x40xf32, #tpu.memory_space<vmem>>, vector<1264x40xf32>
    tpu.vector_store %arg4[%swap3A, %swap3A_23], %add3A_22 {strides = array<i32>} : memref<1264x40xf32, #tpu.memory_space<vmem>>, vector<1264x40xf32>,
    return
  }
  func.func @transform_0(%arg0: i32) -> (i32, i32, i32) {
    %c0_i32 = arith.constant 0 : i32
    %c0_i32_0 = arith.constant 0 : i32
    %c0_i32_1 = arith.constant 0 : i32
    return %c0_i32, %arg0, %c0_i32_0 : i32, i32, i32
  }
  func.func @transform_1(%arg0: i32) -> (i32, i32) {
    %c0_i32 = arith.constant 0 : i32
    %c0_i32_0 = arith.constant 0 : i32
    return %arg0, %c0_i32 : i32, i32
  }
  func.func @transform_2(%arg0: i32) -> (i32, i32) {
    %c0_i32 = arith.constant 0 : i32
    %c0_i32_0 = arith.constant 0 : i32
    %c0_i32_1 = arith.constant 0 : i32
    return %c0_i32, %c0_i32_0 : i32, i32
  }
  func.func @transform_3(%arg0: i32) -> (i32, i32) {
    %c0_i32 = arith.constant 0 : i32
    %c0_i32_0 = arith.constant 0 : i32
    return %arg0, %c0_i32 : i32, i32
  }
}

</mosaic_0001>

<sc_bundles>
// kernel: kernel.10.cloned.1.call-start
scs
__scs_entry_jumppad:
0x0: {  	(pc) =	sbr.rel $0x88, $3  }
0x1: {  	(tag) =	ssettag $0x0;
	lr =	simm.s32 $0x1  }
0x2: {  	[smem:$0x3F9A] =	sst lr;
	_ =	strace $0xD0000000  }
0x3: {  	_ = 	snop  }
0x4: {  	_ = 	snop  }
0x5: {  	_ = 	snop  }
0x6: {  	_ = 	snop  }
0x7: {  	_ = 	snop  }
__scs_overlays_trampoline_lowered:
0x8: {  	[smem:$0x3FA9] =	sst s0  }
0x9: {  	[smem:$0x3FAA] =	sst s1  }
0xa: {  	[smem:$0x3FAB] =	sst s2  }
0xb: {  	[smem:$0x3FAC] =	sst s3  }
0xc: {  	[smem:$0x3FAD] =	sst s4  }
0xd: {  	[smem:$0x3FAE] =	sst s5  }
0xe: {  	[smem:$0x3FAF] =	sst s6  }
0xf: {  	[smem:$0x3FB0] =	sst s7  }
0x10: {  	[smem:$0x3FB1] =	sst s8  }
0x11: {  	[smem:$0x3FB2] =	sst s9;
	s0 =	simm.s32 @!p0 $0x0  }
0x12: {  	s1 =	sld [smem:$0x3F98];
	s0 =	simm.s32 @p0 $0x1  }
0x13: {  	[smem:$0x3FB3] =	sst s0;
	s0 =	simm.s32 @!p1 $0x0  }
0x14: {  	s2 =	sld [smem:$0x3F97];
	s0 =	simm.s32 @p1 $0x1  }
0x15: {  	[smem:$0x3FB4] =	sst s0;
	s0 =	simm.s32 @!p2 $0x0  }
0x16: {  	s3 =	sld [smem:$0x3FDB];
	s0 =	simm.s32 @p2 $0x1  }
0x17: {  	s4 =	simm.s32 $0x1BF5;
	[smem:$0x3FB6] =	sst s0  }
0x18: {  	s0 =	sld [smem:$0x3F99];
	_ =	swait.ge [sflag:s4], $0x0  }
0x19: {  	s7 =	sld [smem:$0x3F9A]  }
0x1a: {  	s8 =	sadd.s32 $0xFFFFE003, lr  }
0x1b: {  	s9 =	sadd.s32 $0xFFFFFEF7, lr;
	s5 =	simm.s32 $0xFFFFFFFF;
	p2 =	slt.u32 s8, $0xFFFFF086  }
0x1c: {  	p1 =	slt.u32 s9, $0xF7A;
	s5 =	simm.s32 @!p2 $0x0  }
0x1d: {  	s5 =	simm.s32 @p1 $0x1;
	p0 =	seq.s32 s7, s2  }
0x1e: {  	s7 =	smul.u32 @!p0 $0xF7A, s2;
	p2 =	seq.s32 @!p0 s5, $0x0  }
0x1f: {  	s9 =	smul.u32 $0xF7A, s1;
	s8 =	simm.s32 @!p0 $0x1BF5;
	p2 =	por !p2, p0  }
0x20: {  	[sflag:s8] =	ssyncset.s32 @!p0 $0xFFFFF086;
	s6 =	sadd.s32 @!p0 s3, s7;
	s7 =	simm.s32 @!p0 $0x108  }
0x21: {  	s3 =	sadd.s32 s3, s9;
	s6 =	sadd.s32 @!p0 $0x88, s6;
	s7 =	simm.s32 @p2 $0x1082  }
0x22: {  	[simem:s7], [sflag:s8] =	dma.local @!p0 [hbm:s6], $0xF7A  }
0x23: {  	s9 =	sor.u32 $0xD0000000, s2;
	s6 =	simm.s32 $0x108;
	_ =	swait.ge @!p0 [sflag:s8], $0x0  }
0x24: {  	s3 =	sadd.s32 $0x88, s3;
	s6 =	simm.s32 @!p1 $0x1082;
	[sflag:s4] =	ssyncset.s32 $0xFFFFF086  }
0x25: {  	[simem:s6], [sflag:s4] =	dma.local [hbm:s3], $0xF7A  }
0x26: {  	[smem:$0x3F9A] =	sst s1;
	(tag) =	ssettag s2;
	_ =	strace s9  }
0x27: {  	s1 =	sld [smem:$0x3FAA]  }
0x28: {  	s2 =	sld [smem:$0x3FAB]  }
0x29: {  	s4 =	sld [smem:$0x3FAD]  }
0x2a: {  	p0 =	seq.s32 s5, $0x0;
	s5 =	sld [smem:$0x3FAE]  }
0x2b: {  	s6 =	sld [smem:$0x3FAF]  }
0x2c: {  	s7 =	sld [smem:$0x3FB0]  }
0x2d: {  	s3 =	simm.s32 $0x108;
	s8 =	sld [smem:$0x3FB1]  }
0x2e: {  	s3 =	simm.s32 @!p0 $0x1082;
	s9 =	sld [smem:$0x3FB2]  }
0x2f: {  	lr =	sadd.s32 s0, s3;
	s0 =	sld [smem:$0x3FA9]  }
0x30: {  	s3 =	sld [smem:$0x3FAC]  }
0x31: {  	[smem:$0x3FB5] =	sst s10  }
0x32: {  	s10 =	sld [smem:$0x3FB3];
	_ =	sdelay $0x3  }
0x33: {  	p0 =	seq.s32 s10, $0x1;
	s10 =	sld [smem:$0x3FB5];
	_ =	sdelay $0x3  }
0x34: {  	[smem:$0x3FB5] =	sst s10  }
0x35: {  	s10 =	sld [smem:$0x3FB4];
	_ =	sdelay $0x3  }
0x36: {  	p1 =	seq.s32 s10, $0x1;
	s10 =	sld [smem:$0x3FB5];
	_ =	sdelay $0x3  }
0x37: {  	[smem:$0x3FB5] =	sst s10  }
0x38: {  	s10 =	sld [smem:$0x3FB6]  }
0x39: {  	_ = 	snop;
	(pc) =	sbr.ind lr, $3  }
0x3a: {  	_ = 	snop  }
0x3b: {  	_ = 	snop  }
0x3c: {  	p2 =	seq.s32 s10, $0x1;
	s10 =	sld [smem:$0x3FB5]  }
0x3d: {  	_ =	shalt  }
0x3e: {  	_ =	shalt  }
0x3f: {  	_ =	shalt  }
0x40: {  	_ =	shalt  }
0x41: {  	_ =	shalt  }
0x42: {  	_ =	shalt  }
0x43: {  	_ =	shalt  }
0x44: {  	_ =	shalt  }
0x45: {  	_ =	shalt  }
0x46: {  	_ =	shalt  }
0x47: {  	_ =	shalt  }
0x48: {  	_ =	shalt  }
0x49: {  	_ =	shalt  }
0x4a: {  	_ =	shalt  }
0x4b: {  	_ =	shalt  }
0x4c: {  	_ =	shalt  }
0x4d: {  	_ =	shalt  }
0x4e: {  	_ =	shalt  }
0x4f: {  	_ =	shalt  }
0x50: {  	_ =	shalt  }
0x51: {  	_ =	shalt  }
0x52: {  	_ =	shalt  }
0x53: {  	_ =	shalt  }
0x54: {  	_ =	shalt  }
0x55: {  	_ =	shalt  }
0x56: {  	_ =	shalt  }
0x57: {  	_ =	shalt  }
0x58: {  	_ =	shalt  }
0x59: {  	_ =	shalt  }
0x5a: {  	_ =	shalt  }
0x5b: {  	_ =	shalt  }
0x5c: {  	_ =	shalt  }
0x5d: {  	_ =	shalt  }
0x5e: {  	_ =	shalt  }
0x5f: {  	_ =	shalt  }
0x60: {  	_ =	shalt  }
0x61: {  	_ =	shalt  }
0x62: {  	_ =	shalt  }
0x63: {  	_ =	shalt  }
0x64: {  	_ =	shalt  }
0x65: {  	_ =	shalt  }
0x66: {  	_ =	shalt  }
0x67: {  	_ =	shalt  }
0x68: {  	_ =	shalt  }
0x69: {  	_ =	shalt  }
0x6a: {  	_ =	shalt  }
0x6b: {  	_ =	shalt  }
0x6c: {  	_ =	shalt  }
0x6d: {  	_ =	shalt  }
0x6e: {  	_ =	shalt  }
0x6f: {  	_ =	shalt  }
0x70: {  	_ =	shalt  }
0x71: {  	_ =	shalt  }
0x72: {  	_ =	shalt  }
0x73: {  	_ =	shalt  }
0x74: {  	_ =	shalt  }
0x75: {  	_ =	shalt  }
0x76: {  	_ =	shalt  }
0x77: {  	_ =	shalt  }
0x78: {  	_ =	shalt  }
0x79: {  	_ =	shalt  }
0x7a: {  	_ =	shalt  }
0x7b: {  	_ =	shalt  }
0x7c: {  	_ =	shalt  }
0x7d: {  	_ =	shalt  }
0x7e: {  	_ =	shalt  }
0x7f: {  	_ =	shalt  }
0x80: {  	_ =	shalt  }
0x81: {  	_ =	shalt  }
0x82: {  	_ =	shalt  }
0x83: {  	_ =	shalt  }
0x84: {  	_ =	shalt  }
0x85: {  	_ =	shalt  }
0x86: {  	_ =	shalt  }
0x87: {  	_ =	shalt  }
.Lfunc_end0:
.L_simem_size_0:
called_computation.1_lowered:
.L_overlay_start_0:
0x88: {  	s2 =	sld [smem:$0x3FD9]  }
0x89: {  	s3 =	sld [smem:$0x3FFE];
	_ =	sdelay $0x1  }
0x8a: {  	s1 =	srdreg.scid  }
0x8b: {  	s0 =	sand.u32 $0x1, s1  }
0x8c: {  	s17 =	sshll.u32 s0, $0xA;
	s2 =	sadd.s32 s3, s2  }
0x8d: {  	s2 =	sadd.s32 s2, s17  }
0x8e: {  	[smem:$0x3FC1] =	sst s2  }
0x8f: {  	_ = 	snop  }
0x90: {  	s2 =	sld [smem:$0x3FD0];
	(tm) =	ssettm $0x1  }
0x91: {  	s18 =	sld [smem:$0x3FFB];
	_ =	sdelay $0x3  }
0x92: {  	_ =	strace s18  }
0x93: {  	s3 =	sld [smem:$0x3FFC];
	_ =	sdelay $0x3  }
0x94: {  	_ =	strace s3  }
0x95: {  	s3 =	sld [smem:$0x3FFD];
	_ =	sdelay $0x3  }
0x96: {  	_ =	strace s3  }
0x97: {  	_ =	strace $0x8FFFFFFF  }
0x98: {  	s19 =	sld [smem:$0x3FDB];
	_ =	sdelay $0x1  }
0x99: {  	s4 =	simm.s32 $_scs_section_size  }
0x9a: {  	s5 =	simm.s32 $_size__tile_overlayer_lowered;
	s6 =	simm.s32 $_tile_overlayer_lowered  }
0x9b: {  	s22 =	simm.s32 $0x1BFF;
	s21 =	sshll.u32 s6, $0x1;
	s3 =	sadd.s32 s4, s19  }
0x9c: {  	s7 =	simm.s32 $0x0;
	s20 =	sshll.u32 s5, $0x1;
	s5 =	sadd.s32 s21, s3  }
0x9d: {  	[timem:s7], [sflag:s22] =	dma.local [hbm:s5], s20  }
0x9e: {  	_ =	swait.ge [sflag:s22], s20  }
0x9f: {  	s4 =	ssub.s32 $0x0, s20;
	[sflag:s22] =	ssyncset.done $0x0  }
0xa0: {  	[sflag:s22] =	ssyncadd.s32 s4;
	_ =	sdelay $0x1  }
0xa1: {  	s23 =	simm.s32 $0x1B8B  }
0xa2: {  	_ =	swait.ge [sflag:s23], $0x1  }
0xa3: {  	[sflag:s23] =	ssyncset.done $0x0  }
0xa4: {  	s25 =	simm.s32 $0x1B8E;
	s24 =	sld [smem:$0x3FFE];
	[sflag:s23] =	ssyncadd.s32 $0xFFFFFFFF  }
0xa5: {  	s26 =	simm.s32 $execute0_lowered;
	[smem:$0x3FD2] =	sst s25  }
0xa6: {  	s5 =	sshll.u32 s26, $0x1;
	_ =	strace $0x80000046;
	[dreg:$0x1] =	wrdreg $0xFFFFFFFF  }
0xa7: {  	s28 =	simm.s32 $_size_execute0_lowered;
	s3 =	sadd.s32 s3, s5;
	[dreg:$0x0] =	wrdreg $0x0  }
0xa8: {  	s5 =	sshll.u32 s28, $0x1;
	[dreg:$0x2] =	wrdreg s3  }
0xa9: {  	[dreg:$0x3] =	wrdreg s5  }
0xaa: {  	[dreg:$0x4] =	wrdreg $0xC0  }
0xab: {  	_ =	task [dreg:s7], $0x5FFFF  }
0xac: {  	[dreg:$0x1] =	wrdreg $0xFFFFFFFF  }
0xad: {  	[dreg:$0x0] =	wrdreg $0x60  }
0xae: {  	[dreg:$0x2] =	wrdreg s2  }
0xaf: {  	[dreg:$0x3] =	wrdreg s24  }
0xb0: {  	[dreg:$0x4] =	wrdreg $0x9B000  }
0xb1: {  	[dreg:$0x5] =	wrdreg $0x111800  }
0xb2: {  	[dreg:$0x6] =	wrdreg $0xA  }
0xb3: {  	_ =	task.clear_ibuf [dreg:s7], $0x7FFFF;
	_ =	strace $0x90000046  }
0xb4: {  	s29 =	simm.s32 $0xA;
	_ =	strace $0x80000048  }
0xb5: {  	_ =	swait.ge [sflag:s29], $0x1  }
0xb6: {  	[sflag:s29] =	ssyncadd.s32 $0xFFFFFFFF  }
0xb7: {  	_ =	strace $0x90000048  }
0xb8: {  	_ =	sfence  }
0xb9: {  	s30 =	sld [smem:$0x0];
	_ =	sdelay $0x2  }
0xba: {  	s31 =	sshll.u32 s1, $0xD;
	s1 =	sshrl.u32 s1, $0x2  }
0xbb: {  	s3 =	sand.u32 $0x4000, s31;
	s1 =	sadd.s32 s1, s30  }
0xbc: {  	s0 =	sor.u32 s3, s0;
	s1 =	sshll.u32 s1, $0x11  }
0xbd: {  	s0 =	sor.u32 s1, s0  }
0xbe: {  	s0 =	sadd.s32 $0x8F2B, s0  }
0xbf: {  	[sflag:s0] =	ssyncadd.remote.s32 $0x1  }
0xc0: {  	_ =	sfence.sel $0xFFFF  }
0xc1: {  	[dreg:$0x0] =	wrdreg $0xFFFFFFFF;
	(pc) =	sbr.abs _section_cstart, $3  }
0xc2: {  	[dreg:$0x1] =	wrdreg $0xFFFFFFFF  }
0xc3: {  	_ =	task.clear_ibuf [dreg:s7], $0x2FFFF;
	_ =	strace $0x9FFFFFFF  }
0xc4: {  	(tm) =	ssettm $0x7FFFFFFF  }
0xc5: {  	_ =	shalt  }
tec
execute0_lowered:
.L_overlay_start_1:
0x0: {  	(tag) =	ssettag $0x1  }
0x1: {  	s0 =	srdreg.scid;
	s1 =	rddreg [dreg:$0x0]  }
0x2: {  	s18 =	stileid.u32;
	s6 =	rddreg [dreg:$0x1];
	s4 =	simm.s32 $0x0  }
0x3: {  	s28 =	simm.s32 $0x8500;
	s29 =	simm.s32 $0x1;
	s7 =	smul.u32 $0x30, s18  }
0x4: {  	s0 =	sand.u32 $0x1, s0;
	s2 =	sshll.u32 s18, $0x1;
	s9 =	smul.u32 $0x50, s18  }
0x5: {  	[smem:$0x7FF] =	sst s4;
	s10 =	smul.u32 $0x7680, s18;
	s5 =	sadd.s32 $0xD000, s6  }
0x6: {  	s19 =	smul.u32 $0x2780, s18;
	s16 =	sadd.s32 $0x2AC00, s6;
	s22 =	sshll.u32 s18, $0x6  }
0x7: {  	s18 =	simm.s32 $0x6;
	s3 =	sor.u32 s0, s2;
	s12 =	smul.u32 $0x76800, s0  }
0x8: {  	s2 =	rddreg [dreg:$0x2];
	s0 =	ssub.s32 $0x2, s0;
	s8 =	smul.u32 $0x578, s3  }
0x9: {  	s3 =	rddreg [dreg:$0x3];
	_ =	strace $0x80000047;
	s13 =	sadd.s32 s7, s6  }
0xa: {  	s9 =	sadd.s32 s9, s6;
	s14 =	sshrl.u32 s10, $0x3;
	[dreg:$0x5] =	wrdreg s16  }
0xb: {  	s21 =	sshrl.u32 s0, $0x1;
	s16 =	simm.s32 $0x5;
	s17 =	sadd.s32 s10, s12  }
0xc: {  	s15 =	sadd.s32 s14, s6;
	s0 =	ssub.s32 s0, s21;
	s10 =	sadd.s32 s10, s2  }
0xd: {  	s12 =	sadd.s32 s19, s3;
	s13 =	sadd.s32 $0x1600, s13;
	s9 =	sadd.s32 $0x1A00, s9  }
0xe: {  	s21 =	simm.s32 $0x9;
	s11 =	sadd.s32 s8, s6;
	[dreg:$0x6] =	wrdreg s10  }
0xf: {  	s7 =	sshrl.u32 s17, $0x3;
	s17 =	sshrl.u32 s19, $0x3;
	[dreg:$0x9] =	wrdreg s13  }
0x10: {  	s23 =	sadd.s32 $0x1BE00, s15;
	s10 =	sor.u32 $0x1C09, s22;
	[dreg:$0xa] =	wrdreg s9  }
0x11: {  	s26 =	sadd.s32 $0x2FE00, s15;
	s1 =	sadd.s32 s1, s8;
	s0 =	smax.u32 s0, $0x1  }
0x12: {  	s22 =	sshrl.u32 s12, $0x3;
	s8 =	simm.s32 $0x32;
	s9 =	simm.s32 $0x5780  }
0x13: {  	s12 =	simm.s32 $0x6A40;
	s13 =	simm.s32 $0x73A0;
	[dreg:$0x7] =	wrdreg s23  }
0x14: {  	s15 =	simm.s32 $0x3;
	s19 =	simm.s32 $0x7;
	[dreg:$0xd] =	wrdreg s26  }
0x15: {  	s20 =	sadd.s32 s7, s6;
	s7 =	sadd.s32 $0x3EC00, s6;
	[dreg:$0xe] =	wrdreg s1  }
0x16: {  	s6 =	sadd.s32 s17, s6;
	s30 =	sadd.s32 $0x2000, s11;
	[dreg:$0x11] =	wrdreg s0  }
0x17: {  	s26 =	simm.s32 $0x60;
	s0 =	simm.s32 $0x50;
	s11 =	simm.s32 $0x60E0  }
.Ltmp0:
0x18: {  	s24 =	sadd.s32 $0x2AE00, s6;
	[dreg:$0xf] =	wrdreg s30;
	(pc) =	sbr.rel .LBB2_1-.Ltmp0, $4  }
0x19: {  	s17 =	simm.s32 $0x4;
	s25 =	sadd.s32 s7, s14;
	[dreg:$0x8] =	wrdreg s24  }
0x1a: {  	s6 =	sadd.s32 $0x4DA00, s6;
	s31 =	sadd.s32 $0x52A00, s20;
	[dreg:$0xb] =	wrdreg s25  }
0x1b: {  	s14 =	simm.s32 $0x2;
	s20 =	simm.s32 $0x0;
	[dreg:$0xc] =	wrdreg s6  }
0x1c: {  	[dreg:$0x10] =	wrdreg s31;
	s25 =	simm.s32 $0x7D00;
	s24 =	simm.s32 $0x8  }
.LBB2_4:
0x1d: {  	_ =	swait.ge [sflag:s17], $0x960  }
0x1e: {  	[sflag:s17] =	ssyncset.done $0x0  }
0x1f: {  	[sflag:s17] =	ssyncadd.s32 $0xFFFFF6A0  }
0x20: {  	[spmem:s2] =	stream.indirect.scatter.add.f32 [tilespmem:s13], [sflag:$0x8], $0x30, s6, s8, $0xb8;
	[tilespmem:$0x13900] =	vst v63  }
0x21: {  	_ =	swait.ge [sflag:s16], $0x960  }
0x22: {  	[sflag:s16] =	ssyncset.done $0x0  }
0x23: {  	[sflag:s16] =	ssyncadd.s32 $0xFFFFF6A0  }
0x24: {  	_ =	swait.ge [sflag:s18], $0x960  }
0x25: {  	[sflag:s18] =	ssyncset.done $0x0  }
0x26: {  	[sflag:s18] =	ssyncadd.s32 $0xFFFFF6A0  }
0x27: {  	_ =	swait.ge [sflag:s19], $0x960  }
0x28: {  	[sflag:s19] =	ssyncset.done $0x0  }
0x29: {  	[sflag:s19] =	ssyncadd.s32 $0xFFFFF6A0  }
0x2a: {  	_ =	swait.ge [sflag:s24], $0x960  }
0x2b: {  	[sflag:s24] =	ssyncset.done $0x0  }
0x2c: {  	[sflag:s24] =	ssyncadd.s32 $0xFFFFF6A0  }
0x2d: {  	[bflag:$0x0] =	sbarrier.arrive $0xFFFF  }
0x2e: {  	s1 =	rddreg [dreg:$0x10]  }
0x2f: {  	[hbm:s1], [sflag:s10] =	dma.local [spmem:s30], $0xED0  }
0x30: {  	_ =	swait.ge [sflag:s21], $0xED0  }
0x31: {  	s20 =	sadd.s32 $0x1, s20;
	s31 =	rddreg [dreg:$0x11]  }
0x32: {  	p0 =	sne.s32 s20, s31  }
.Ltmp1:
0x33: {  	_ = 	snop;
	(pc) =	sbr.rel @!p0 .LBB2_5-.Ltmp1, $3  }
0x34: {  	_ =	sdelay $0x1  }
0x35: {  	[sflag:s21] =	ssyncset.done $0x0  }
0x36: {  	[sflag:s21] =	ssyncadd.s32 $0xFFFFF130  }
.LBB2_1:
0x37: {  	s1 =	rddreg [dreg:$0x6]  }
0x38: {  	s23 =	rddreg [dreg:$0x7];
	s30 =	sshrl.u32 s1, $0x3  }
0x39: {  	[spmem:s30], [sflag:s10] =	dma.local [hbm:s23], $0xED0  }
0x3a: {  	_ =	swait.ge [sflag:s21], $0xED0  }
0x3b: {  	[sflag:s21] =	ssyncset.done $0x0  }
0x3c: {  	s6 =	rddreg [dreg:$0x8];
	[sflag:s21] =	ssyncadd.s32 $0xFFFFF130  }
0x3d: {  	[spmem:s22], [sflag:s10] =	dma.local [hbm:s6], $0x4F0  }
0x3e: {  	_ =	swait.ge [sflag:s21], $0x4F0  }
0x3f: {  	[sflag:s21] =	ssyncset.done $0x0  }
0x40: {  	s6 =	simm.s32 $0x9700;
	s23 =	rddreg [dreg:$0x9];
	[sflag:s21] =	ssyncadd.s32 $0xFFFFFB10  }
0x41: {  	[tilespmem:s6], [sflag:$0x9] =	stream.linear.gather [hbm4b:s23+s4], $0x180, $0x38;
	[tilespmem:$0x13900] =	vst v63  }
0x42: {  	_ =	swait.ge [sflag:s21], $0x180  }
0x43: {  	[sflag:s21] =	ssyncset.done $0x0  }
0x44: {  	s23 =	simm.s32 $0x9880;
	s1 =	rddreg [dreg:$0xa];
	[sflag:s21] =	ssyncadd.s32 $0xFFFFFE80  }
0x45: {  	[tilespmem:s23], [sflag:$0x9] =	stream.linear.gather [hbm4b:s1+s4], $0x280, $0x38;
	[tilespmem:$0x13900] =	vst v63  }
0x46: {  	_ =	swait.ge [sflag:s21], $0x280  }
0x47: {  	[sflag:s21] =	ssyncset.done $0x0  }
0x48: {  	s1 =	rddreg [dreg:$0x5];
	[sflag:s21] =	ssyncadd.s32 $0xFFFFFD80  }
0x49: {  	[tilespmem:s25], [sflag:$0x9] =	stream.linear.gather [hbm4b:s1+s4], $0x800, $0x38;
	[tilespmem:$0x13900] =	vst v63  }
0x4a: {  	_ =	swait.ge [sflag:s21], $0x800  }
0x4b: {  	[sflag:s21] =	ssyncset.done $0x0  }
0x4c: {  	[sflag:s21] =	ssyncadd.s32 $0xFFFFF800  }
0x4d: {  	[bflag:$0x0] =	sbarrier.arrive $0xFFFF  }
0x4e: {  	[tilespmem:s28], [sflag:$0x1] =	stream.indirect.gather [hbm4b:s5+s26], $0x30, s6, s26, $0xb8;
	[tilespmem:$0x13900] =	vst v63  }
0x4f: {  	_ =	swait.ge [sflag:s29], $0x1200  }
0x50: {  	[sflag:s29] =	ssyncset.done $0x0  }
0x51: {  	[sflag:s29] =	ssyncadd.s32 $0xFFFFEE00  }
0x52: {  	[spmem:s2] =	stream.indirect.scatter [tilespmem:s28], [sflag:$0x9], $0x30, s6, s26, $0xb8;
	[tilespmem:$0x13900] =	vst v63  }
0x53: {  	_ =	swait.ge [sflag:s21], $0x1200  }
0x54: {  	[sflag:s21] =	ssyncset.done $0x0  }
0x55: {  	s6 =	simm.s32 $0x9760;
	[sflag:s21] =	ssyncadd.s32 $0xFFFFEE00  }
0x56: {  	[tilespmem:s28], [sflag:$0x1] =	stream.indirect.gather [hbm4b:s5+s26], $0x30, s6, s26, $0xb8;
	[tilespmem:$0x13900] =	vst v63  }
0x57: {  	_ =	swait.ge [sflag:s29], $0x1200  }
0x58: {  	[sflag:s29] =	ssyncset.done $0x0  }
0x59: {  	[sflag:s29] =	ssyncadd.s32 $0xFFFFEE00  }
0x5a: {  	[spmem:s2] =	stream.indirect.scatter [tilespmem:s28], [sflag:$0x9], $0x30, s6, s26, $0xb8;
	[tilespmem:$0x13900] =	vst v63  }
0x5b: {  	_ =	swait.ge [sflag:s21], $0x1200  }
0x5c: {  	[sflag:s21] =	ssyncset.done $0x0  }
0x5d: {  	s6 =	simm.s32 $0x97C0;
	[sflag:s21] =	ssyncadd.s32 $0xFFFFEE00  }
0x5e: {  	[tilespmem:s28], [sflag:$0x1] =	stream.indirect.gather [hbm4b:s5+s26], $0x30, s6, s26, $0xb8;
	[tilespmem:$0x13900] =	vst v63  }
0x5f: {  	_ =	swait.ge [sflag:s29], $0x1200  }
0x60: {  	[sflag:s29] =	ssyncset.done $0x0  }
0x61: {  	[sflag:s29] =	ssyncadd.s32 $0xFFFFEE00  }
0x62: {  	[spmem:s2] =	stream.indirect.scatter [tilespmem:s28], [sflag:$0x9], $0x30, s6, s26, $0xb8;
	[tilespmem:$0x13900] =	vst v63  }
0x63: {  	_ =	swait.ge [sflag:s21], $0x1200  }
0x64: {  	[sflag:s21] =	ssyncset.done $0x0  }
0x65: {  	s6 =	simm.s32 $0x9820;
	[sflag:s21] =	ssyncadd.s32 $0xFFFFEE00  }
0x66: {  	[tilespmem:s28], [sflag:$0x1] =	stream.indirect.gather [hbm4b:s5+s26], $0x30, s6, s26, $0xb8;
	[tilespmem:$0x13900] =	vst v63  }
0x67: {  	_ =	swait.ge [sflag:s29], $0x1200  }
0x68: {  	[sflag:s29] =	ssyncset.done $0x0  }
0x69: {  	[sflag:s29] =	ssyncadd.s32 $0xFFFFEE00  }
0x6a: {  	[spmem:s2] =	stream.indirect.scatter [tilespmem:s28], [sflag:$0x9], $0x30, s6, s26, $0xb8;
	[tilespmem:$0x13900] =	vst v63  }
0x6b: {  	_ =	swait.ge [sflag:s21], $0x1200  }
0x6c: {  	[sflag:s21] =	ssyncset.done $0x0  }
0x6d: {  	[sflag:s21] =	ssyncadd.s32 $0xFFFFEE00  }
0x6e: {  	[spmem:s3] =	stream.indirect.scatter [tilespmem:s25], [sflag:$0x9], $0x10, s23, s0, $0xb8;
	[tilespmem:$0x13900] =	vst v63  }
0x6f: {  	_ =	swait.ge [sflag:s21], $0x500  }
0x70: {  	[sflag:s21] =	ssyncset.done $0x0  }
0x71: {  	s6 =	simm.s32 $0x98D0;
	[sflag:s21] =	ssyncadd.s32 $0xFFFFFB00  }
0x72: {  	[spmem:s3] =	stream.indirect.scatter [tilespmem:s25], [sflag:$0x9], $0x10, s6, s0, $0xb8;
	[tilespmem:$0x13900] =	vst v63  }
0x73: {  	_ =	swait.ge [sflag:s21], $0x500  }
0x74: {  	[sflag:s21] =	ssyncset.done $0x0  }
0x75: {  	s23 =	simm.s32 $0x9920;
	[sflag:s21] =	ssyncadd.s32 $0xFFFFFB00  }
0x76: {  	[spmem:s3] =	stream.indirect.scatter [tilespmem:s25], [sflag:$0x9], $0x10, s23, s0, $0xb8;
	[tilespmem:$0x13900] =	vst v63  }
0x77: {  	_ =	swait.ge [sflag:s21], $0x500  }
0x78: {  	[sflag:s21] =	ssyncset.done $0x0  }
0x79: {  	s6 =	simm.s32 $0x9970;
	[sflag:s21] =	ssyncadd.s32 $0xFFFFFB00  }
0x7a: {  	[spmem:s3] =	stream.indirect.scatter [tilespmem:s25], [sflag:$0x9], $0x10, s6, s0, $0xb8;
	[tilespmem:$0x13900] =	vst v63  }
0x7b: {  	_ =	swait.ge [sflag:s21], $0x500  }
0x7c: {  	[sflag:s21] =	ssyncset.done $0x0  }
0x7d: {  	s23 =	simm.s32 $0x99C0;
	[sflag:s21] =	ssyncadd.s32 $0xFFFFFB00  }
0x7e: {  	[spmem:s3] =	stream.indirect.scatter [tilespmem:s25], [sflag:$0x9], $0x10, s23, s0, $0xb8;
	[tilespmem:$0x13900] =	vst v63  }
0x7f: {  	_ =	swait.ge [sflag:s21], $0x500  }
0x80: {  	[sflag:s21] =	ssyncset.done $0x0  }
0x81: {  	s6 =	simm.s32 $0x9A10;
	[sflag:s21] =	ssyncadd.s32 $0xFFFFFB00  }
0x82: {  	[spmem:s3] =	stream.indirect.scatter [tilespmem:s25], [sflag:$0x9], $0x10, s6, s0, $0xb8;
	[tilespmem:$0x13900] =	vst v63  }
0x83: {  	_ =	swait.ge [sflag:s21], $0x500  }
0x84: {  	[sflag:s21] =	ssyncset.done $0x0  }
0x85: {  	s23 =	simm.s32 $0x9A60;
	[sflag:s21] =	ssyncadd.s32 $0xFFFFFB00  }
0x86: {  	[spmem:s3] =	stream.indirect.scatter [tilespmem:s25], [sflag:$0x9], $0x10, s23, s0, $0xb8;
	[tilespmem:$0x13900] =	vst v63  }
0x87: {  	_ =	swait.ge [sflag:s21], $0x500  }
0x88: {  	[sflag:s21] =	ssyncset.done $0x0  }
0x89: {  	s6 =	simm.s32 $0x9AB0;
	[sflag:s21] =	ssyncadd.s32 $0xFFFFFB00  }
0x8a: {  	[spmem:s3] =	stream.indirect.scatter [tilespmem:s25], [sflag:$0x9], $0x10, s6, s0, $0xb8;
	[tilespmem:$0x13900] =	vst v63  }
0x8b: {  	_ =	swait.ge [sflag:s21], $0x500  }
0x8c: {  	[sflag:s21] =	ssyncset.done $0x0  }
0x8d: {  	[sflag:s21] =	ssyncadd.s32 $0xFFFFFB00  }
0x8e: {  	[bflag:$0x0] =	sbarrier.arrive $0xFFFF  }
0x8f: {  	s23 =	rddreg [dreg:$0xb]  }
0x90: {  	[hbm:s23], [sflag:s10] =	dma.local [spmem:s30], $0xED0  }
0x91: {  	_ =	swait.ge [sflag:s21], $0xED0  }
0x92: {  	[sflag:s21] =	ssyncset.done $0x0  }
0x93: {  	s6 =	rddreg [dreg:$0xc];
	[sflag:s21] =	ssyncadd.s32 $0xFFFFF130  }
0x94: {  	[hbm:s6], [sflag:s10] =	dma.local [spmem:s22], $0x4F0  }
0x95: {  	_ =	swait.ge [sflag:s21], $0x4F0  }
0x96: {  	[sflag:s21] =	ssyncset.done $0x0  }
0x97: {  	s23 =	rddreg [dreg:$0xd];
	[sflag:s21] =	ssyncadd.s32 $0xFFFFFB10  }
0x98: {  	[spmem:s30], [sflag:s10] =	dma.local [hbm:s23], $0xED0  }
0x99: {  	_ =	swait.ge [sflag:s21], $0xED0  }
0x9a: {  	[sflag:s21] =	ssyncset.done $0x0  }
0x9b: {  	[sflag:s21] =	ssyncadd.s32 $0xFFFFF130  }
0x9c: {  	[bflag:$0x0] =	sbarrier.arrive $0xFFFF  }
0x9d: {  	s6 =	rddreg [dreg:$0xe]  }
0x9e: {  	[tilespmem:s4], [sflag:$0x9] =	stream.linear.gather [hbm4b:s6+s4], $0x2BC0, $0x38;
	[tilespmem:$0x13900] =	vst v63  }
0x9f: {  	_ =	swait.ge [sflag:s21], $0x2BC0  }
0xa0: {  	[sflag:s21] =	ssyncset.done $0x0  }
0xa1: {  	s6 =	simm.s32 $0x2BC0;
	s23 =	rddreg [dreg:$0xf];
	[sflag:s21] =	ssyncadd.s32 $0xFFFFD440  }
0xa2: {  	[tilespmem:s6], [sflag:$0x9] =	stream.linear.gather [hbm4b:s23+s4], $0x2BC0, $0x38;
	[tilespmem:$0x13900] =	vst v63  }
0xa3: {  	_ =	swait.ge [sflag:s21], $0x2BC0  }
0xa4: {  	[sflag:s21] =	ssyncset.done $0x0  }
0xa5: {  	[sflag:s21] =	ssyncadd.s32 $0xFFFFD440  }
0xa6: {  	[tilespmem:s9], [sflag:$0x1] =	stream.indirect.gather [hbm4b:s7+s8], $0x30, s4, s8, $0xb8;
	[tilespmem:$0x13900] =	vst v63  }
0xa7: {  	s23 =	simm.s32 $0x38  }
0xa8: {  	[tilespmem:s11], [sflag:$0x2] =	stream.indirect.gather [hbm4b:s7+s8], $0x30, s23, s8, $0xb8;
	[tilespmem:$0x13900] =	vst v63  }
0xa9: {  	s23 =	simm.s32 $0x70  }
0xaa: {  	[tilespmem:s12], [sflag:$0x3] =	stream.indirect.gather [hbm4b:s7+s8], $0x30, s23, s8, $0xb8;
	[tilespmem:$0x13900] =	vst v63  }
0xab: {  	s23 =	simm.s32 $0xA8  }
0xac: {  	[tilespmem:s13], [sflag:$0x4] =	stream.indirect.gather [hbm4b:s7+s8], $0x30, s23, s8, $0xb8;
	[tilespmem:$0x13900] =	vst v63  }
0xad: {  	_ =	swait.ge [sflag:s29], $0x960  }
0xae: {  	[sflag:s29] =	ssyncset.done $0x0  }
0xaf: {  	[sflag:s29] =	ssyncadd.s32 $0xFFFFF6A0  }
0xb0: {  	[spmem:s2] =	stream.indirect.scatter.add.f32 [tilespmem:s9], [sflag:$0x5], $0x30, s6, s8, $0xb8;
	[tilespmem:$0x13900] =	vst v63  }
0xb1: {  	_ =	swait.ge [sflag:s14], $0x960  }
0xb2: {  	[sflag:s14] =	ssyncset.done $0x0  }
0xb3: {  	s23 =	simm.s32 $0x2BF8;
	[sflag:s14] =	ssyncadd.s32 $0xFFFFF6A0  }
0xb4: {  	[spmem:s2] =	stream.indirect.scatter.add.f32 [tilespmem:s11], [sflag:$0x6], $0x30, s23, s8, $0xb8;
	[tilespmem:$0x13900] =	vst v63  }
0xb5: {  	_ =	swait.ge [sflag:s15], $0x960  }
0xb6: {  	[sflag:s15] =	ssyncset.done $0x0  }
0xb7: {  	s6 =	simm.s32 $0x2C30;
	[sflag:s15] =	ssyncadd.s32 $0xFFFFF6A0  }
0xb8: {  	[spmem:s2] =	stream.indirect.scatter.add.f32 [tilespmem:s12], [sflag:$0x7], $0x30, s6, s8, $0xb8;
	[tilespmem:$0x13900] =	vst v63  }
0xb9: {  	_ =	swait.ge [sflag:s16], $0x960  }
0xba: {  	[sflag:s16] =	ssyncset.done $0x0  }
0xbb: {  	s23 =	simm.s32 $0xE0;
	[sflag:s16] =	ssyncadd.s32 $0xFFFFF6A0  }
0xbc: {  	[tilespmem:s9], [sflag:$0x1] =	stream.indirect.gather [hbm4b:s7+s8], $0x30, s23, s8, $0xb8;
	[tilespmem:$0x13900] =	vst v63  }
0xbd: {  	_ =	swait.ge [sflag:s17], $0x960  }
0xbe: {  	[sflag:s17] =	ssyncset.done $0x0  }
0xbf: {  	s6 =	simm.s32 $0x2C68;
	[sflag:s17] =	ssyncadd.s32 $0xFFFFF6A0  }
0xc0: {  	[spmem:s2] =	stream.indirect.scatter.add.f32 [tilespmem:s13], [sflag:$0x8], $0x30, s6, s8, $0xb8;
	[tilespmem:$0x13900] =	vst v63  }
0xc1: {  	_ =	swait.ge [sflag:s18], $0x960  }
0xc2: {  	[sflag:s18] =	ssyncset.done $0x0  }
0xc3: {  	s31 =	simm.s32 $0x0;
	s23 =	simm.s32 $0x118;
	[sflag:s18] =	ssyncadd.s32 $0xFFFFF6A0  }
0xc4: {  	[tilespmem:s11], [sflag:$0x2] =	stream.indirect.gather [hbm4b:s7+s8], $0x30, s23, s8, $0xb8;
	[tilespmem:$0x13900] =	vst v63  }
.LBB2_2:
0xc5: {  	_ =	swait.ge [sflag:s29], $0x960  }
0xc6: {  	s1 =	sshra.s32 s31, $0x2;
	[sflag:s29] =	ssyncset.done $0x0  }
0xc7: {  	s6 =	sadd.s32 $0x2CA0, s1;
	[sflag:s29] =	ssyncadd.s32 $0xFFFFF6A0  }
0xc8: {  	[spmem:s2] =	stream.indirect.scatter.add.f32 [tilespmem:s9], [sflag:$0x5], $0x30, s6, s8, $0xb8;
	[tilespmem:$0x13900] =	vst v63  }
0xc9: {  	_ =	swait.ge [sflag:s19], $0x960  }
0xca: {  	[sflag:s19] =	ssyncset.done $0x0  }
0xcb: {  	s23 =	sadd.s32 $0x150, s1;
	[sflag:s19] =	ssyncadd.s32 $0xFFFFF6A0  }
0xcc: {  	[tilespmem:s12], [sflag:$0x3] =	stream.indirect.gather [hbm4b:s7+s8], $0x30, s23, s8, $0xb8;
	[tilespmem:$0x13900] =	vst v63  }
0xcd: {  	_ =	swait.ge [sflag:s14], $0x960  }
0xce: {  	[sflag:s14] =	ssyncset.done $0x0  }
0xcf: {  	s23 =	sadd.s32 $0x2CD8, s1;
	[sflag:s14] =	ssyncadd.s32 $0xFFFFF6A0  }
0xd0: {  	[spmem:s2] =	stream.indirect.scatter.add.f32 [tilespmem:s11], [sflag:$0x6], $0x30, s23, s8, $0xb8;
	[tilespmem:$0x13900] =	vst v63  }
0xd1: {  	_ =	swait.ge [sflag:s24], $0x960  }
0xd2: {  	[sflag:s24] =	ssyncset.done $0x0  }
0xd3: {  	p0 =	seq.s32 s31, $0xA800;
	s23 =	sadd.s32 $0x188, s1;
	[sflag:s24] =	ssyncadd.s32 $0xFFFFF6A0  }
0xd4: {  	[tilespmem:s13], [sflag:$0x4] =	stream.indirect.gather [hbm4b:s7+s8], $0x30, s23, s8, $0xb8;
	[tilespmem:$0x13900] =	vst v63  }
.Ltmp2:
0xd5: {  	_ = 	snop;
	(pc) =	sbr.rel @p0 .LBB2_4-.Ltmp2, $4  }
0xd6: {  	_ =	swait.ge [sflag:s15], $0x960  }
0xd7: {  	[sflag:s15] =	ssyncset.done $0x0  }
0xd8: {  	s6 =	sadd.s32 $0x2D48, s1;
	s23 =	sadd.s32 $0x2D10, s1;
	[sflag:s15] =	ssyncadd.s32 $0xFFFFF6A0  }
0xd9: {  	[spmem:s2] =	stream.indirect.scatter.add.f32 [tilespmem:s12], [sflag:$0x7], $0x30, s23, s8, $0xb8;
	[tilespmem:$0x13900] =	vst v63  }
0xda: {  	_ =	swait.ge [sflag:s16], $0x960  }
0xdb: {  	[sflag:s16] =	ssyncset.done $0x0  }
0xdc: {  	s23 =	sadd.s32 $0x1C0, s1;
	[sflag:s16] =	ssyncadd.s32 $0xFFFFF6A0  }
0xdd: {  	[tilespmem:s9], [sflag:$0x1] =	stream.indirect.gather [hbm4b:s7+s8], $0x30, s23, s8, $0xb8;
	[tilespmem:$0x13900] =	vst v63  }
0xde: {  	_ =	swait.ge [sflag:s17], $0x960  }
0xdf: {  	[sflag:s17] =	ssyncset.done $0x0  }
0xe0: {  	[sflag:s17] =	ssyncadd.s32 $0xFFFFF6A0  }
0xe1: {  	[spmem:s2] =	stream.indirect.scatter.add.f32 [tilespmem:s13], [sflag:$0x8], $0x30, s6, s8, $0xb8;
	[tilespmem:$0x13900] =	vst v63  }
.Ltmp3:
0xe2: {  	_ = 	snop;
	(pc) =	sbr.rel .LBB2_2-.Ltmp3, $4  }
0xe3: {  	_ =	swait.ge [sflag:s18], $0x960  }
0xe4: {  	[sflag:s18] =	ssyncset.done $0x0  }
0xe5: {  	s31 =	sadd.s32 $0x380, s31;
	s23 =	sadd.s32 $0x1F8, s1;
	[sflag:s18] =	ssyncadd.s32 $0xFFFFF6A0  }
0xe6: {  	[tilespmem:s11], [sflag:$0x2] =	stream.indirect.gather [hbm4b:s7+s8], $0x30, s23, s8, $0xb8;
	[tilespmem:$0x13900] =	vst v63  }
.LBB2_5:
0xe7: {  	_ =	sfence.sel $0x180000  }
0xe8: {  	[bflag:$0x0] =	sbarrier.arrive $0xFFFF  }
0xe9: {  	_ =	strace $0x90000047  }
0xea: {  	s0 =	stileid.u32;
	[bflag:$0x2] =	sbarrier.arrive $0xFFFF  }
0xeb: {  	p0 =	sne.s32 s0, $0x0;
	s0 =	rddreg [dreg:$0x4]  }
0xec: {  	s0 =	sadd.s32 @!p0 $0x100000, s0  }
0xed: {  	[sflag:s0] =	ssyncadd.tile.s32 @!p0 $0x1;
	_ =	shalt  }
.Lfunc_end2:
_tile_overlayer_lowered:
.L_overlay_start_2:
0xee: {  	(tag) =	ssettag $0x2  }
0xef: {  	s0 =	rddreg [dreg:$0x0];
	s2 =	stileid.u32  }
0xf0: {  	s1 =	rddreg [dreg:$0x1];
	p0 =	sne.s32 s2, $0x0  }
0xf1: {  	s3 =	rddreg [dreg:$0x2];
	[bflag:$0x3] =	sbarrier.arrive $0xFFFF;
	s2 =	simm.s32 @!p0 $0x1C09  }
0xf2: {  	[timem:s3], [sflag:s2] =	dma.local @!p0 [hbm:s0], s1  }
0xf3: {  	s0 =	simm.s32 @!p0 $0x9  }
0xf4: {  	_ =	swait.ge @!p0 [sflag:s0], s1  }
0xf5: {  	s1 =	ssub.s32 @!p0 $0x0, s1;
	[sflag:s0] =	ssyncset.done @!p0 $0x0  }
0xf6: {  	[sflag:s0] =	ssyncadd.s32 @!p0 s1  }
0xf7: {  	[bflag:$0x3] =	sbarrier.arrive $0xFFFF  }
0xf8: {  	_ =	shalt  }

// kernel: kernel.13.cloned.1.call-start
scs
__scs_entry_jumppad:
0x0: {  	(pc) =	sbr.rel $0x88, $3  }
0x1: {  	(tag) =	ssettag $0x0;
	lr =	simm.s32 $0x1  }
0x2: {  	[smem:$0x3F9A] =	sst lr;
	_ =	strace $0xD0000000  }
0x3: {  	_ = 	snop  }
0x4: {  	_ = 	snop  }
0x5: {  	_ = 	snop  }
0x6: {  	_ = 	snop  }
0x7: {  	_ = 	snop  }
__scs_overlays_trampoline_lowered:
0x8: {  	[smem:$0x3FA9] =	sst s0  }
0x9: {  	[smem:$0x3FAA] =	sst s1  }
0xa: {  	[smem:$0x3FAB] =	sst s2  }
0xb: {  	[smem:$0x3FAC] =	sst s3  }
0xc: {  	[smem:$0x3FAD] =	sst s4  }
0xd: {  	[smem:$0x3FAE] =	sst s5  }
0xe: {  	[smem:$0x3FAF] =	sst s6  }
0xf: {  	[smem:$0x3FB0] =	sst s7  }
0x10: {  	[smem:$0x3FB1] =	sst s8  }
0x11: {  	[smem:$0x3FB2] =	sst s9;
	s0 =	simm.s32 @!p0 $0x0  }
0x12: {  	s1 =	sld [smem:$0x3F98];
	s0 =	simm.s32 @p0 $0x1  }
0x13: {  	[smem:$0x3FB3] =	sst s0;
	s0 =	simm.s32 @!p1 $0x0  }
0x14: {  	s2 =	sld [smem:$0x3F97];
	s0 =	simm.s32 @p1 $0x1  }
0x15: {  	[smem:$0x3FB4] =	sst s0;
	s0 =	simm.s32 @!p2 $0x0  }
0x16: {  	s3 =	sld [smem:$0x3FDB];
	s0 =	simm.s32 @p2 $0x1  }
0x17: {  	s4 =	simm.s32 $0x1BF5;
	[smem:$0x3FB6] =	sst s0  }
0x18: {  	s0 =	sld [smem:$0x3F99];
	_ =	swait.ge [sflag:s4], $0x0  }
0x19: {  	s7 =	sld [smem:$0x3F9A]  }
0x1a: {  	s8 =	sadd.s32 $0xFFFFE003, lr  }
0x1b: {  	s9 =	sadd.s32 $0xFFFFFEF7, lr;
	s5 =	simm.s32 $0xFFFFFFFF;
	p2 =	slt.u32 s8, $0xFFFFF086  }
0x1c: {  	p1 =	slt.u32 s9, $0xF7A;
	s5 =	simm.s32 @!p2 $0x0  }
0x1d: {  	s5 =	simm.s32 @p1 $0x1;
	p0 =	seq.s32 s7, s2  }
0x1e: {  	s7 =	smul.u32 @!p0 $0xF7A, s2;
	p2 =	seq.s32 @!p0 s5, $0x0  }
0x1f: {  	s9 =	smul.u32 $0xF7A, s1;
	s8 =	simm.s32 @!p0 $0x1BF5;
	p2 =	por !p2, p0  }
0x20: {  	[sflag:s8] =	ssyncset.s32 @!p0 $0xFFFFF086;
	s6 =	sadd.s32 @!p0 s3, s7;
	s7 =	simm.s32 @!p0 $0x108  }
0x21: {  	s3 =	sadd.s32 s3, s9;
	s6 =	sadd.s32 @!p0 $0x88, s6;
	s7 =	simm.s32 @p2 $0x1082  }
0x22: {  	[simem:s7], [sflag:s8] =	dma.local @!p0 [hbm:s6], $0xF7A  }
0x23: {  	s9 =	sor.u32 $0xD0000000, s2;
	s6 =	simm.s32 $0x108;
	_ =	swait.ge @!p0 [sflag:s8], $0x0  }
0x24: {  	s3 =	sadd.s32 $0x88, s3;
	s6 =	simm.s32 @!p1 $0x1082;
	[sflag:s4] =	ssyncset.s32 $0xFFFFF086  }
0x25: {  	[simem:s6], [sflag:s4] =	dma.local [hbm:s3], $0xF7A  }
0x26: {  	[smem:$0x3F9A] =	sst s1;
	(tag) =	ssettag s2;
	_ =	strace s9  }
0x27: {  	s1 =	sld [smem:$0x3FAA]  }
0x28: {  	s2 =	sld [smem:$0x3FAB]  }
0x29: {  	s4 =	sld [smem:$0x3FAD]  }
0x2a: {  	p0 =	seq.s32 s5, $0x0;
	s5 =	sld [smem:$0x3FAE]  }
0x2b: {  	s6 =	sld [smem:$0x3FAF]  }
0x2c: {  	s7 =	sld [smem:$0x3FB0]  }
0x2d: {  	s3 =	simm.s32 $0x108;
	s8 =	sld [smem:$0x3FB1]  }
0x2e: {  	s3 =	simm.s32 @!p0 $0x1082;
	s9 =	sld [smem:$0x3FB2]  }
0x2f: {  	lr =	sadd.s32 s0, s3;
	s0 =	sld [smem:$0x3FA9]  }
0x30: {  	s3 =	sld [smem:$0x3FAC]  }
0x31: {  	[smem:$0x3FB5] =	sst s10  }
0x32: {  	s10 =	sld [smem:$0x3FB3];
	_ =	sdelay $0x3  }
0x33: {  	p0 =	seq.s32 s10, $0x1;
	s10 =	sld [smem:$0x3FB5];
	_ =	sdelay $0x3  }
0x34: {  	[smem:$0x3FB5] =	sst s10  }
0x35: {  	s10 =	sld [smem:$0x3FB4];
	_ =	sdelay $0x3  }
0x36: {  	p1 =	seq.s32 s10, $0x1;
	s10 =	sld [smem:$0x3FB5];
	_ =	sdelay $0x3  }
0x37: {  	[smem:$0x3FB5] =	sst s10  }
0x38: {  	s10 =	sld [smem:$0x3FB6]  }
0x39: {  	_ = 	snop;
	(pc) =	sbr.ind lr, $3  }
0x3a: {  	_ = 	snop  }
0x3b: {  	_ = 	snop  }
0x3c: {  	p2 =	seq.s32 s10, $0x1;
	s10 =	sld [smem:$0x3FB5]  }
0x3d: {  	_ =	shalt  }
0x3e: {  	_ =	shalt  }
0x3f: {  	_ =	shalt  }
0x40: {  	_ =	shalt  }
0x41: {  	_ =	shalt  }
0x42: {  	_ =	shalt  }
0x43: {  	_ =	shalt  }
0x44: {  	_ =	shalt  }
0x45: {  	_ =	shalt  }
0x46: {  	_ =	shalt  }
0x47: {  	_ =	shalt  }
0x48: {  	_ =	shalt  }
0x49: {  	_ =	shalt  }
0x4a: {  	_ =	shalt  }
0x4b: {  	_ =	shalt  }
0x4c: {  	_ =	shalt  }
0x4d: {  	_ =	shalt  }
0x4e: {  	_ =	shalt  }
0x4f: {  	_ =	shalt  }
0x50: {  	_ =	shalt  }
0x51: {  	_ =	shalt  }
0x52: {  	_ =	shalt  }
0x53: {  	_ =	shalt  }
0x54: {  	_ =	shalt  }
0x55: {  	_ =	shalt  }
0x56: {  	_ =	shalt  }
0x57: {  	_ =	shalt  }
0x58: {  	_ =	shalt  }
0x59: {  	_ =	shalt  }
0x5a: {  	_ =	shalt  }
0x5b: {  	_ =	shalt  }
0x5c: {  	_ =	shalt  }
0x5d: {  	_ =	shalt  }
0x5e: {  	_ =	shalt  }
0x5f: {  	_ =	shalt  }
0x60: {  	_ =	shalt  }
0x61: {  	_ =	shalt  }
0x62: {  	_ =	shalt  }
0x63: {  	_ =	shalt  }
0x64: {  	_ =	shalt  }
0x65: {  	_ =	shalt  }
0x66: {  	_ =	shalt  }
0x67: {  	_ =	shalt  }
0x68: {  	_ =	shalt  }
0x69: {  	_ =	shalt  }
0x6a: {  	_ =	shalt  }
0x6b: {  	_ =	shalt  }
0x6c: {  	_ =	shalt  }
0x6d: {  	_ =	shalt  }
0x6e: {  	_ =	shalt  }
0x6f: {  	_ =	shalt  }
0x70: {  	_ =	shalt  }
0x71: {  	_ =	shalt  }
0x72: {  	_ =	shalt  }
0x73: {  	_ =	shalt  }
0x74: {  	_ =	shalt  }
0x75: {  	_ =	shalt  }
0x76: {  	_ =	shalt  }
0x77: {  	_ =	shalt  }
0x78: {  	_ =	shalt  }
0x79: {  	_ =	shalt  }
0x7a: {  	_ =	shalt  }
0x7b: {  	_ =	shalt  }
0x7c: {  	_ =	shalt  }
0x7d: {  	_ =	shalt  }
0x7e: {  	_ =	shalt  }
0x7f: {  	_ =	shalt  }
0x80: {  	_ =	shalt  }
0x81: {  	_ =	shalt  }
0x82: {  	_ =	shalt  }
0x83: {  	_ =	shalt  }
0x84: {  	_ =	shalt  }
0x85: {  	_ =	shalt  }
0x86: {  	_ =	shalt  }
0x87: {  	_ =	shalt  }
.Lfunc_end0:
.L_simem_size_0:
called_computation.2_lowered:
.L_overlay_start_0:
0x88: {  	s2 =	sld [smem:$0x3FD9]  }
0x89: {  	s3 =	sld [smem:$0x3FFE];
	_ =	sdelay $0x1  }
0x8a: {  	s1 =	srdreg.scid  }
0x8b: {  	s0 =	sand.u32 $0x1, s1  }
0x8c: {  	s17 =	sshll.u32 s0, $0xA;
	s2 =	sadd.s32 s3, s2  }
0x8d: {  	s2 =	sadd.s32 s2, s17  }
0x8e: {  	[smem:$0x3FC1] =	sst s2  }
0x8f: {  	_ = 	snop  }
0x90: {  	s2 =	sld [smem:$0x3FD0];
	(tm) =	ssettm $0x1  }
0x91: {  	s18 =	sld [smem:$0x3FFB];
	_ =	sdelay $0x3  }
0x92: {  	_ =	strace s18  }
0x93: {  	s3 =	sld [smem:$0x3FFC];
	_ =	sdelay $0x3  }
0x94: {  	_ =	strace s3  }
0x95: {  	s3 =	sld [smem:$0x3FFD];
	_ =	sdelay $0x3  }
0x96: {  	_ =	strace s3  }
0x97: {  	_ =	strace $0x8FFFFFFF  }
0x98: {  	s19 =	sld [smem:$0x3FDB];
	_ =	sdelay $0x1  }
0x99: {  	s4 =	simm.s32 $_scs_section_size  }
0x9a: {  	s5 =	simm.s32 $_size__tile_overlayer_lowered;
	s6 =	simm.s32 $_tile_overlayer_lowered  }
0x9b: {  	s22 =	simm.s32 $0x1BFF;
	s21 =	sshll.u32 s6, $0x1;
	s3 =	sadd.s32 s4, s19  }
0x9c: {  	s7 =	simm.s32 $0x0;
	s20 =	sshll.u32 s5, $0x1;
	s5 =	sadd.s32 s21, s3  }
0x9d: {  	[timem:s7], [sflag:s22] =	dma.local [hbm:s5], s20  }
0x9e: {  	_ =	swait.ge [sflag:s22], s20  }
0x9f: {  	s4 =	ssub.s32 $0x0, s20;
	[sflag:s22] =	ssyncset.done $0x0  }
0xa0: {  	[sflag:s22] =	ssyncadd.s32 s4;
	_ =	sdelay $0x1  }
0xa1: {  	s23 =	simm.s32 $0x1B8B  }
0xa2: {  	_ =	swait.ge [sflag:s23], $0x1  }
0xa3: {  	[sflag:s23] =	ssyncset.done $0x0  }
0xa4: {  	s25 =	simm.s32 $0x1B8E;
	s24 =	sld [smem:$0x3FFE];
	[sflag:s23] =	ssyncadd.s32 $0xFFFFFFFF  }
0xa5: {  	s26 =	simm.s32 $execute0_lowered;
	[smem:$0x3FD2] =	sst s25  }
0xa6: {  	s5 =	sshll.u32 s26, $0x1;
	_ =	strace $0x8000004C;
	[dreg:$0x1] =	wrdreg $0xFFFFFFFF  }
0xa7: {  	s28 =	simm.s32 $_size_execute0_lowered;
	s3 =	sadd.s32 s3, s5;
	[dreg:$0x0] =	wrdreg $0x0  }
0xa8: {  	s5 =	sshll.u32 s28, $0x1;
	[dreg:$0x2] =	wrdreg s3  }
0xa9: {  	[dreg:$0x3] =	wrdreg s5  }
0xaa: {  	[dreg:$0x4] =	wrdreg $0xC0  }
0xab: {  	_ =	task [dreg:s7], $0x5FFFF  }
0xac: {  	[dreg:$0x1] =	wrdreg $0xFFFFFFFF  }
0xad: {  	[dreg:$0x0] =	wrdreg $0x60  }
0xae: {  	[dreg:$0x2] =	wrdreg s24  }
0xaf: {  	[dreg:$0x3] =	wrdreg s2  }
0xb0: {  	[dreg:$0x4] =	wrdreg $0x7D000  }
0xb1: {  	[dreg:$0x5] =	wrdreg $0x9  }
0xb2: {  	_ =	task.clear_ibuf [dreg:s7], $0x6FFFF;
	_ =	strace $0x9000004C  }
0xb3: {  	s29 =	simm.s32 $0x9;
	_ =	strace $0x8000004E  }
0xb4: {  	_ =	swait.ge [sflag:s29], $0x1  }
0xb5: {  	[sflag:s29] =	ssyncadd.s32 $0xFFFFFFFF  }
0xb6: {  	_ =	strace $0x9000004E  }
0xb7: {  	_ =	sfence  }
0xb8: {  	s30 =	sld [smem:$0x0];
	_ =	sdelay $0x2  }
0xb9: {  	s31 =	sshll.u32 s1, $0xD;
	s1 =	sshrl.u32 s1, $0x2  }
0xba: {  	s3 =	sand.u32 $0x4000, s31;
	s1 =	sadd.s32 s1, s30  }
0xbb: {  	s0 =	sor.u32 s3, s0;
	s1 =	sshll.u32 s1, $0x11  }
0xbc: {  	s0 =	sor.u32 s1, s0  }
0xbd: {  	s0 =	sadd.s32 $0x8F2B, s0  }
0xbe: {  	[sflag:s0] =	ssyncadd.remote.s32 $0x1  }
0xbf: {  	_ =	sfence.sel $0xFFFF  }
0xc0: {  	[dreg:$0x0] =	wrdreg $0xFFFFFFFF;
	(pc) =	sbr.abs _section_cstart, $3  }
0xc1: {  	[dreg:$0x1] =	wrdreg $0xFFFFFFFF  }
0xc2: {  	_ =	task.clear_ibuf [dreg:s7], $0x2FFFF;
	_ =	strace $0x9FFFFFFF  }
0xc3: {  	(tm) =	ssettm $0x7FFFFFFF  }
tec
execute0_lowered:
.L_overlay_start_1:
0x0: {  	(tag) =	ssettag $0x1  }
0x1: {  	s0 =	srdreg.scid  }
0x2: {  	s12 =	stileid.u32;
	s1 =	rddreg [dreg:$0x0]  }
0x3: {  	s7 =	rddreg [dreg:$0x1];
	s13 =	simm.s32 $0x2BC0;
	s14 =	simm.s32 $0x32  }
0x4: {  	s15 =	simm.s32 $0x5780;
	s17 =	simm.s32 $0x60E0;
	s19 =	simm.s32 $0x6A40  }
0x5: {  	s21 =	simm.s32 $0x73A0;
	s22 =	simm.s32 $0x1;
	s23 =	simm.s32 $0x2  }
0x6: {  	s25 =	simm.s32 $0x3;
	s28 =	simm.s32 $0x5;
	s30 =	simm.s32 $0x4  }
0x7: {  	s16 =	simm.s32 $0x7;
	s18 =	simm.s32 $0x8;
	s20 =	simm.s32 $0x0  }
0x8: {  	s0 =	sand.u32 $0x1, s0;
	s2 =	sshll.u32 s12, $0x1;
	s5 =	smul.u32 $0x7680, s12  }
0x9: {  	s4 =	sadd.s32 $0xD000, s1;
	s31 =	sshll.u32 s12, $0x6;
	s12 =	simm.s32 $0x9  }
0xa: {  	s3 =	sor.u32 s0, s2;
	s2 =	rddreg [dreg:$0x2];
	s6 =	smul.u32 $0x76800, s0  }
0xb: {  	s0 =	ssub.s32 $0x2, s0;
	s8 =	smul.u32 $0x578, s3;
	s3 =	simm.s32 $0x0  }
0xc: {  	s10 =	sshrl.u32 s5, $0x3;
	s11 =	sshrl.u32 s0, $0x1;
	s29 =	sadd.s32 s5, s2  }
0xd: {  	[smem:$0x7FF] =	sst s3;
	s6 =	sadd.s32 s5, s6;
	s10 =	sadd.s32 s10, s1  }
.Ltmp0:
0xe: {  	s0 =	ssub.s32 s0, s11;
	s11 =	sshrl.u32 s29, $0x3;
	(pc) =	sbr.rel .LBB2_1-.Ltmp0, $4  }
0xf: {  	_ =	strace $0x8000004D;
	s9 =	sadd.s32 s8, s1;
	s6 =	sshrl.u32 s6, $0x3  }
0x10: {  	s5 =	sadd.s32 $0x2FE00, s10;
	s7 =	sadd.s32 s7, s8;
	s10 =	smax.u32 s0, $0x1  }
0x11: {  	s0 =	simm.s32 $0x118;
	s1 =	sadd.s32 s6, s1;
	s6 =	sor.u32 $0x1C09, s31  }
0x12: {  	s8 =	sadd.s32 $0x2000, s9;
	s9 =	sadd.s32 $0x3EC00, s1;
	s1 =	simm.s32 $0x6  }
.LBB2_4:
0x13: {  	_ =	swait.ge [sflag:s30], $0x960  }
0x14: {  	[sflag:s30] =	ssyncset.done $0x0  }
0x15: {  	[sflag:s30] =	ssyncadd.s32 $0xFFFFF6A0  }
0x16: {  	[spmem:s2] =	stream.indirect.scatter.add.f32 [tilespmem:s21], [sflag:$0x8], $0x30, s29, s14, $0xb8;
	[tilespmem:$0xF380] =	vst v63  }
0x17: {  	_ =	swait.ge [sflag:s28], $0x960  }
0x18: {  	[sflag:s28] =	ssyncset.done $0x0  }
0x19: {  	[sflag:s28] =	ssyncadd.s32 $0xFFFFF6A0  }
0x1a: {  	_ =	swait.ge [sflag:s1], $0x960  }
0x1b: {  	[sflag:s1] =	ssyncset.done $0x0  }
0x1c: {  	[sflag:s1] =	ssyncadd.s32 $0xFFFFF6A0  }
0x1d: {  	_ =	swait.ge [sflag:s16], $0x960  }
0x1e: {  	[sflag:s16] =	ssyncset.done $0x0  }
0x1f: {  	[sflag:s16] =	ssyncadd.s32 $0xFFFFF6A0  }
0x20: {  	_ =	swait.ge [sflag:s18], $0x960  }
0x21: {  	s20 =	sadd.s32 $0x1, s20;
	[sflag:s18] =	ssyncset.done $0x0  }
0x22: {  	p0 =	sne.s32 s20, s10;
	[sflag:s18] =	ssyncadd.s32 $0xFFFFF6A0  }
.Ltmp1:
0x23: {  	[bflag:$0x0] =	sbarrier.arrive $0xFFFF;
	(pc) =	sbr.rel @!p0 .LBB2_5-.Ltmp1, $4  }
0x24: {  	[hbm:s9], [sflag:s6] =	dma.local [spmem:s11], $0xED0  }
0x25: {  	_ =	swait.ge [sflag:s12], $0xED0  }
0x26: {  	[sflag:s12] =	ssyncset.done $0x0  }
0x27: {  	[sflag:s12] =	ssyncadd.s32 $0xFFFFF130  }
.LBB2_1:
0x28: {  	[spmem:s11], [sflag:s6] =	dma.local [hbm:s5], $0xED0  }
0x29: {  	_ =	swait.ge [sflag:s12], $0xED0  }
0x2a: {  	[sflag:s12] =	ssyncset.done $0x0  }
0x2b: {  	[sflag:s12] =	ssyncadd.s32 $0xFFFFF130  }
0x2c: {  	[tilespmem:s3], [sflag:$0x9] =	stream.linear.gather [hbm4b:s7+s3], $0x2BC0, $0x38;
	[tilespmem:$0xF380] =	vst v63  }
0x2d: {  	_ =	swait.ge [sflag:s12], $0x2BC0  }
0x2e: {  	[sflag:s12] =	ssyncset.done $0x0  }
0x2f: {  	[sflag:s12] =	ssyncadd.s32 $0xFFFFD440  }
0x30: {  	[tilespmem:s13], [sflag:$0x9] =	stream.linear.gather [hbm4b:s8+s3], $0x2BC0, $0x38;
	[tilespmem:$0xF380] =	vst v63  }
0x31: {  	_ =	swait.ge [sflag:s12], $0x2BC0  }
0x32: {  	[sflag:s12] =	ssyncset.done $0x0  }
0x33: {  	[sflag:s12] =	ssyncadd.s32 $0xFFFFD440  }
0x34: {  	[bflag:$0x0] =	sbarrier.arrive $0xFFFF  }
0x35: {  	[tilespmem:s15], [sflag:$0x1] =	stream.indirect.gather [hbm4b:s4+s14], $0x30, s3, s14, $0xb8;
	[tilespmem:$0xF380] =	vst v63  }
0x36: {  	s24 =	simm.s32 $0x38  }
0x37: {  	[tilespmem:s17], [sflag:$0x2] =	stream.indirect.gather [hbm4b:s4+s14], $0x30, s24, s14, $0xb8;
	[tilespmem:$0xF380] =	vst v63  }
0x38: {  	s26 =	simm.s32 $0x70  }
0x39: {  	[tilespmem:s19], [sflag:$0x3] =	stream.indirect.gather [hbm4b:s4+s14], $0x30, s26, s14, $0xb8;
	[tilespmem:$0xF380] =	vst v63  }
0x3a: {  	s29 =	simm.s32 $0xA8  }
0x3b: {  	[tilespmem:s21], [sflag:$0x4] =	stream.indirect.gather [hbm4b:s4+s14], $0x30, s29, s14, $0xb8;
	[tilespmem:$0xF380] =	vst v63  }
0x3c: {  	_ =	swait.ge [sflag:s22], $0x960  }
0x3d: {  	[sflag:s22] =	ssyncset.done $0x0  }
0x3e: {  	[sflag:s22] =	ssyncadd.s32 $0xFFFFF6A0  }
0x3f: {  	[spmem:s2] =	stream.indirect.scatter.add.f32 [tilespmem:s15], [sflag:$0x5], $0x30, s13, s14, $0xb8;
	[tilespmem:$0xF380] =	vst v63  }
0x40: {  	_ =	swait.ge [sflag:s23], $0x960  }
0x41: {  	[sflag:s23] =	ssyncset.done $0x0  }
0x42: {  	s31 =	simm.s32 $0x2BF8;
	[sflag:s23] =	ssyncadd.s32 $0xFFFFF6A0  }
0x43: {  	[spmem:s2] =	stream.indirect.scatter.add.f32 [tilespmem:s17], [sflag:$0x6], $0x30, s31, s14, $0xb8;
	[tilespmem:$0xF380] =	vst v63  }
0x44: {  	_ =	swait.ge [sflag:s25], $0x960  }
0x45: {  	[sflag:s25] =	ssyncset.done $0x0  }
0x46: {  	s26 =	simm.s32 $0x2C30;
	[sflag:s25] =	ssyncadd.s32 $0xFFFFF6A0  }
0x47: {  	[spmem:s2] =	stream.indirect.scatter.add.f32 [tilespmem:s19], [sflag:$0x7], $0x30, s26, s14, $0xb8;
	[tilespmem:$0xF380] =	vst v63  }
0x48: {  	_ =	swait.ge [sflag:s28], $0x960  }
0x49: {  	[sflag:s28] =	ssyncset.done $0x0  }
0x4a: {  	s29 =	simm.s32 $0xE0;
	[sflag:s28] =	ssyncadd.s32 $0xFFFFF6A0  }
0x4b: {  	[tilespmem:s15], [sflag:$0x1] =	stream.indirect.gather [hbm4b:s4+s14], $0x30, s29, s14, $0xb8;
	[tilespmem:$0xF380] =	vst v63  }
0x4c: {  	_ =	swait.ge [sflag:s30], $0x960  }
0x4d: {  	[sflag:s30] =	ssyncset.done $0x0  }
0x4e: {  	s31 =	simm.s32 $0x2C68;
	[sflag:s30] =	ssyncadd.s32 $0xFFFFF6A0  }
0x4f: {  	[spmem:s2] =	stream.indirect.scatter.add.f32 [tilespmem:s21], [sflag:$0x8], $0x30, s31, s14, $0xb8;
	[tilespmem:$0xF380] =	vst v63  }
0x50: {  	_ =	swait.ge [sflag:s1], $0x960  }
0x51: {  	[sflag:s1] =	ssyncset.done $0x0  }
0x52: {  	s24 =	simm.s32 $0x0;
	[sflag:s1] =	ssyncadd.s32 $0xFFFFF6A0  }
0x53: {  	[tilespmem:s17], [sflag:$0x2] =	stream.indirect.gather [hbm4b:s4+s14], $0x30, s0, s14, $0xb8;
	[tilespmem:$0xF380] =	vst v63  }
.LBB2_2:
0x54: {  	_ =	swait.ge [sflag:s22], $0x960  }
0x55: {  	s26 =	sshra.s32 s24, $0x2;
	[sflag:s22] =	ssyncset.done $0x0  }
0x56: {  	s29 =	sadd.s32 $0x2CA0, s26;
	[sflag:s22] =	ssyncadd.s32 $0xFFFFF6A0  }
0x57: {  	[spmem:s2] =	stream.indirect.scatter.add.f32 [tilespmem:s15], [sflag:$0x5], $0x30, s29, s14, $0xb8;
	[tilespmem:$0xF380] =	vst v63  }
0x58: {  	_ =	swait.ge [sflag:s16], $0x960  }
0x59: {  	[sflag:s16] =	ssyncset.done $0x0  }
0x5a: {  	s29 =	sadd.s32 $0x150, s26;
	[sflag:s16] =	ssyncadd.s32 $0xFFFFF6A0  }
0x5b: {  	[tilespmem:s19], [sflag:$0x3] =	stream.indirect.gather [hbm4b:s4+s14], $0x30, s29, s14, $0xb8;
	[tilespmem:$0xF380] =	vst v63  }
0x5c: {  	_ =	swait.ge [sflag:s23], $0x960  }
0x5d: {  	[sflag:s23] =	ssyncset.done $0x0  }
0x5e: {  	s29 =	sadd.s32 $0x2CD8, s26;
	[sflag:s23] =	ssyncadd.s32 $0xFFFFF6A0  }
0x5f: {  	[spmem:s2] =	stream.indirect.scatter.add.f32 [tilespmem:s17], [sflag:$0x6], $0x30, s29, s14, $0xb8;
	[tilespmem:$0xF380] =	vst v63  }
0x60: {  	_ =	swait.ge [sflag:s18], $0x960  }
0x61: {  	[sflag:s18] =	ssyncset.done $0x0  }
0x62: {  	p0 =	seq.s32 s24, $0xA800;
	s29 =	sadd.s32 $0x188, s26;
	[sflag:s18] =	ssyncadd.s32 $0xFFFFF6A0  }
0x63: {  	[tilespmem:s21], [sflag:$0x4] =	stream.indirect.gather [hbm4b:s4+s14], $0x30, s29, s14, $0xb8;
	[tilespmem:$0xF380] =	vst v63  }
.Ltmp2:
0x64: {  	_ =	swait.ge [sflag:s25], $0x960;
	(pc) =	sbr.rel @p0 .LBB2_4-.Ltmp2, $4  }
0x65: {  	[sflag:s25] =	ssyncset.done $0x0  }
0x66: {  	s29 =	sadd.s32 $0x2D10, s26;
	[sflag:s25] =	ssyncadd.s32 $0xFFFFF6A0  }
0x67: {  	[spmem:s2] =	stream.indirect.scatter.add.f32 [tilespmem:s19], [sflag:$0x7], $0x30, s29, s14, $0xb8;
	[tilespmem:$0xF380] =	vst v63  }
0x68: {  	s29 =	sadd.s32 $0x2D48, s26  }
0x69: {  	_ =	swait.ge [sflag:s28], $0x960  }
0x6a: {  	[sflag:s28] =	ssyncset.done $0x0  }
0x6b: {  	s31 =	sadd.s32 $0x1C0, s26;
	[sflag:s28] =	ssyncadd.s32 $0xFFFFF6A0  }
0x6c: {  	[tilespmem:s15], [sflag:$0x1] =	stream.indirect.gather [hbm4b:s4+s14], $0x30, s31, s14, $0xb8;
	[tilespmem:$0xF380] =	vst v63  }
0x6d: {  	_ =	swait.ge [sflag:s30], $0x960  }
0x6e: {  	[sflag:s30] =	ssyncset.done $0x0  }
0x6f: {  	[sflag:s30] =	ssyncadd.s32 $0xFFFFF6A0  }
0x70: {  	[spmem:s2] =	stream.indirect.scatter.add.f32 [tilespmem:s21], [sflag:$0x8], $0x30, s29, s14, $0xb8;
	[tilespmem:$0xF380] =	vst v63  }
.Ltmp3:
0x71: {  	_ = 	snop;
	(pc) =	sbr.rel .LBB2_2-.Ltmp3, $4  }
0x72: {  	_ =	swait.ge [sflag:s1], $0x960  }
0x73: {  	[sflag:s1] =	ssyncset.done $0x0  }
0x74: {  	s24 =	sadd.s32 $0x380, s24;
	s31 =	sadd.s32 $0x1F8, s26;
	[sflag:s1] =	ssyncadd.s32 $0xFFFFF6A0  }
0x75: {  	[tilespmem:s17], [sflag:$0x2] =	stream.indirect.gather [hbm4b:s4+s14], $0x30, s31, s14, $0xb8;
	[tilespmem:$0xF380] =	vst v63  }
.LBB2_5:
0x76: {  	_ =	sfence.sel $0x180000  }
0x77: {  	[bflag:$0x0] =	sbarrier.arrive $0xFFFF  }
0x78: {  	_ =	strace $0x9000004D  }
0x79: {  	s0 =	stileid.u32;
	[bflag:$0x2] =	sbarrier.arrive $0xFFFF  }
0x7a: {  	p0 =	sne.s32 s0, $0x0;
	s0 =	rddreg [dreg:$0x3]  }
0x7b: {  	s0 =	sadd.s32 @!p0 $0x100000, s0  }
0x7c: {  	[sflag:s0] =	ssyncadd.tile.s32 @!p0 $0x1;
	_ =	shalt  }
.Lfunc_end2:
_tile_overlayer_lowered:
.L_overlay_start_2:
0x7d: {  	(tag) =	ssettag $0x2  }
0x7e: {  	s0 =	rddreg [dreg:$0x0];
	s2 =	stileid.u32  }
0x7f: {  	s1 =	rddreg [dreg:$0x1];
	p0 =	sne.s32 s2, $0x0  }
0x80: {  	s3 =	rddreg [dreg:$0x2];
	[bflag:$0x3] =	sbarrier.arrive $0xFFFF;
	s2 =	simm.s32 @!p0 $0x1C09  }
0x81: {  	[timem:s3], [sflag:s2] =	dma.local @!p0 [hbm:s0], s1  }
0x82: {  	s0 =	simm.s32 @!p0 $0x9  }
0x83: {  	_ =	swait.ge @!p0 [sflag:s0], s1  }
0x84: {  	s1 =	ssub.s32 @!p0 $0x0, s1;
	[sflag:s0] =	ssyncset.done @!p0 $0x0  }
0x85: {  	[sflag:s0] =	ssyncadd.s32 @!p0 s1  }
0x86: {  	[bflag:$0x3] =	sbarrier.arrive $0xFFFF  }
0x87: {  	_ =	shalt  }

// kernel: kernel.7.cloned.1.call-start
scs
__scs_entry_jumppad:
0x0: {  	(pc) =	sbr.rel $0x88, $3  }
0x1: {  	(tag) =	ssettag $0x0;
	lr =	simm.s32 $0x1  }
0x2: {  	[smem:$0x3F9A] =	sst lr;
	_ =	strace $0xD0000000  }
0x3: {  	_ = 	snop  }
0x4: {  	_ = 	snop  }
0x5: {  	_ = 	snop  }
0x6: {  	_ = 	snop  }
0x7: {  	_ = 	snop  }
__scs_overlays_trampoline_lowered:
0x8: {  	[smem:$0x3FA9] =	sst s0  }
0x9: {  	[smem:$0x3FAA] =	sst s1  }
0xa: {  	[smem:$0x3FAB] =	sst s2  }
0xb: {  	[smem:$0x3FAC] =	sst s3  }
0xc: {  	[smem:$0x3FAD] =	sst s4  }
0xd: {  	[smem:$0x3FAE] =	sst s5  }
0xe: {  	[smem:$0x3FAF] =	sst s6  }
0xf: {  	[smem:$0x3FB0] =	sst s7  }
0x10: {  	[smem:$0x3FB1] =	sst s8  }
0x11: {  	[smem:$0x3FB2] =	sst s9;
	s0 =	simm.s32 @!p0 $0x0  }
0x12: {  	s1 =	sld [smem:$0x3F98];
	s0 =	simm.s32 @p0 $0x1  }
0x13: {  	[smem:$0x3FB3] =	sst s0;
	s0 =	simm.s32 @!p1 $0x0  }
0x14: {  	s2 =	sld [smem:$0x3F97];
	s0 =	simm.s32 @p1 $0x1  }
0x15: {  	[smem:$0x3FB4] =	sst s0;
	s0 =	simm.s32 @!p2 $0x0  }
0x16: {  	s3 =	sld [smem:$0x3FDB];
	s0 =	simm.s32 @p2 $0x1  }
0x17: {  	s4 =	simm.s32 $0x1BF5;
	[smem:$0x3FB6] =	sst s0  }
0x18: {  	s0 =	sld [smem:$0x3F99];
	_ =	swait.ge [sflag:s4], $0x0  }
0x19: {  	s7 =	sld [smem:$0x3F9A]  }
0x1a: {  	s8 =	sadd.s32 $0xFFFFE003, lr  }
0x1b: {  	s9 =	sadd.s32 $0xFFFFFEF7, lr;
	s5 =	simm.s32 $0xFFFFFFFF;
	p2 =	slt.u32 s8, $0xFFFFF086  }
0x1c: {  	p1 =	slt.u32 s9, $0xF7A;
	s5 =	simm.s32 @!p2 $0x0  }
0x1d: {  	s5 =	simm.s32 @p1 $0x1;
	p0 =	seq.s32 s7, s2  }
0x1e: {  	s7 =	smul.u32 @!p0 $0xF7A, s2;
	p2 =	seq.s32 @!p0 s5, $0x0  }
0x1f: {  	s9 =	smul.u32 $0xF7A, s1;
	s8 =	simm.s32 @!p0 $0x1BF5;
	p2 =	por !p2, p0  }
0x20: {  	[sflag:s8] =	ssyncset.s32 @!p0 $0xFFFFF086;
	s6 =	sadd.s32 @!p0 s3, s7;
	s7 =	simm.s32 @!p0 $0x108  }
0x21: {  	s3 =	sadd.s32 s3, s9;
	s6 =	sadd.s32 @!p0 $0x88, s6;
	s7 =	simm.s32 @p2 $0x1082  }
0x22: {  	[simem:s7], [sflag:s8] =	dma.local @!p0 [hbm:s6], $0xF7A  }
0x23: {  	s9 =	sor.u32 $0xD0000000, s2;
	s6 =	simm.s32 $0x108;
	_ =	swait.ge @!p0 [sflag:s8], $0x0  }
0x24: {  	s3 =	sadd.s32 $0x88, s3;
	s6 =	simm.s32 @!p1 $0x1082;
	[sflag:s4] =	ssyncset.s32 $0xFFFFF086  }
0x25: {  	[simem:s6], [sflag:s4] =	dma.local [hbm:s3], $0xF7A  }
0x26: {  	[smem:$0x3F9A] =	sst s1;
	(tag) =	ssettag s2;
	_ =	strace s9  }
0x27: {  	s1 =	sld [smem:$0x3FAA]  }
0x28: {  	s2 =	sld [smem:$0x3FAB]  }
0x29: {  	s4 =	sld [smem:$0x3FAD]  }
0x2a: {  	p0 =	seq.s32 s5, $0x0;
	s5 =	sld [smem:$0x3FAE]  }
0x2b: {  	s6 =	sld [smem:$0x3FAF]  }
0x2c: {  	s7 =	sld [smem:$0x3FB0]  }
0x2d: {  	s3 =	simm.s32 $0x108;
	s8 =	sld [smem:$0x3FB1]  }
0x2e: {  	s3 =	simm.s32 @!p0 $0x1082;
	s9 =	sld [smem:$0x3FB2]  }
0x2f: {  	lr =	sadd.s32 s0, s3;
	s0 =	sld [smem:$0x3FA9]  }
0x30: {  	s3 =	sld [smem:$0x3FAC]  }
0x31: {  	[smem:$0x3FB5] =	sst s10  }
0x32: {  	s10 =	sld [smem:$0x3FB3];
	_ =	sdelay $0x3  }
0x33: {  	p0 =	seq.s32 s10, $0x1;
	s10 =	sld [smem:$0x3FB5];
	_ =	sdelay $0x3  }
0x34: {  	[smem:$0x3FB5] =	sst s10  }
0x35: {  	s10 =	sld [smem:$0x3FB4];
	_ =	sdelay $0x3  }
0x36: {  	p1 =	seq.s32 s10, $0x1;
	s10 =	sld [smem:$0x3FB5];
	_ =	sdelay $0x3  }
0x37: {  	[smem:$0x3FB5] =	sst s10  }
0x38: {  	s10 =	sld [smem:$0x3FB6]  }
0x39: {  	_ = 	snop;
	(pc) =	sbr.ind lr, $3  }
0x3a: {  	_ = 	snop  }
0x3b: {  	_ = 	snop  }
0x3c: {  	p2 =	seq.s32 s10, $0x1;
	s10 =	sld [smem:$0x3FB5]  }
0x3d: {  	_ =	shalt  }
0x3e: {  	_ =	shalt  }
0x3f: {  	_ =	shalt  }
0x40: {  	_ =	shalt  }
0x41: {  	_ =	shalt  }
0x42: {  	_ =	shalt  }
0x43: {  	_ =	shalt  }
0x44: {  	_ =	shalt  }
0x45: {  	_ =	shalt  }
0x46: {  	_ =	shalt  }
0x47: {  	_ =	shalt  }
0x48: {  	_ =	shalt  }
0x49: {  	_ =	shalt  }
0x4a: {  	_ =	shalt  }
0x4b: {  	_ =	shalt  }
0x4c: {  	_ =	shalt  }
0x4d: {  	_ =	shalt  }
0x4e: {  	_ =	shalt  }
0x4f: {  	_ =	shalt  }
0x50: {  	_ =	shalt  }
0x51: {  	_ =	shalt  }
0x52: {  	_ =	shalt  }
0x53: {  	_ =	shalt  }
0x54: {  	_ =	shalt  }
0x55: {  	_ =	shalt  }
0x56: {  	_ =	shalt  }
0x57: {  	_ =	shalt  }
0x58: {  	_ =	shalt  }
0x59: {  	_ =	shalt  }
0x5a: {  	_ =	shalt  }
0x5b: {  	_ =	shalt  }
0x5c: {  	_ =	shalt  }
0x5d: {  	_ =	shalt  }
0x5e: {  	_ =	shalt  }
0x5f: {  	_ =	shalt  }
0x60: {  	_ =	shalt  }
0x61: {  	_ =	shalt  }
0x62: {  	_ =	shalt  }
0x63: {  	_ =	shalt  }
0x64: {  	_ =	shalt  }
0x65: {  	_ =	shalt  }
0x66: {  	_ =	shalt  }
0x67: {  	_ =	shalt  }
0x68: {  	_ =	shalt  }
0x69: {  	_ =	shalt  }
0x6a: {  	_ =	shalt  }
0x6b: {  	_ =	shalt  }
0x6c: {  	_ =	shalt  }
0x6d: {  	_ =	shalt  }
0x6e: {  	_ =	shalt  }
0x6f: {  	_ =	shalt  }
0x70: {  	_ =	shalt  }
0x71: {  	_ =	shalt  }
0x72: {  	_ =	shalt  }
0x73: {  	_ =	shalt  }
0x74: {  	_ =	shalt  }
0x75: {  	_ =	shalt  }
0x76: {  	_ =	shalt  }
0x77: {  	_ =	shalt  }
0x78: {  	_ =	shalt  }
0x79: {  	_ =	shalt  }
0x7a: {  	_ =	shalt  }
0x7b: {  	_ =	shalt  }
0x7c: {  	_ =	shalt  }
0x7d: {  	_ =	shalt  }
0x7e: {  	_ =	shalt  }
0x7f: {  	_ =	shalt  }
0x80: {  	_ =	shalt  }
0x81: {  	_ =	shalt  }
0x82: {  	_ =	shalt  }
0x83: {  	_ =	shalt  }
0x84: {  	_ =	shalt  }
0x85: {  	_ =	shalt  }
0x86: {  	_ =	shalt  }
0x87: {  	_ =	shalt  }
.Lfunc_end0:
.L_simem_size_0:
called_computation_lowered:
.L_overlay_start_0:
0x88: {  	s2 =	sld [smem:$0x3FD9]  }
0x89: {  	s3 =	sld [smem:$0x3FFE];
	_ =	sdelay $0x1  }
0x8a: {  	s1 =	srdreg.scid  }
0x8b: {  	s0 =	sand.u32 $0x1, s1  }
0x8c: {  	s17 =	sshll.u32 s0, $0xA;
	s2 =	sadd.s32 s3, s2  }
0x8d: {  	s2 =	sadd.s32 s2, s17  }
0x8e: {  	[smem:$0x3FC1] =	sst s2  }
0x8f: {  	_ = 	snop  }
0x90: {  	s18 =	sld [smem:$0x3FC9]  }
0x91: {  	s4 =	sld [smem:$0x3FD0];
	(tm) =	ssettm $0x1  }
0x92: {  	s19 =	sld [smem:$0x3FFB];
	_ =	sdelay $0x3  }
0x93: {  	_ =	strace s19  }
0x94: {  	s2 =	sld [smem:$0x3FFC];
	_ =	sdelay $0x3  }
0x95: {  	_ =	strace s2  }
0x96: {  	s2 =	sld [smem:$0x3FFD];
	_ =	sdelay $0x3  }
0x97: {  	_ =	strace s2  }
0x98: {  	_ =	strace $0x8FFFFFFF  }
0x99: {  	s20 =	sld [smem:$0x3FDB];
	_ =	sdelay $0x1  }
0x9a: {  	s5 =	simm.s32 $_scs_section_size  }
0x9b: {  	s6 =	simm.s32 $_size__tile_overlayer_lowered;
	s7 =	simm.s32 $_tile_overlayer_lowered  }
0x9c: {  	s8 =	simm.s32 $0x1BFF;
	s21 =	sshll.u32 s7, $0x1;
	s5 =	sadd.s32 s5, s20  }
0x9d: {  	s22 =	simm.s32 $0x0;
	s6 =	sshll.u32 s6, $0x1;
	s7 =	sadd.s32 s21, s5  }
0x9e: {  	[timem:s22], [sflag:s8] =	dma.local [hbm:s7], s6  }
0x9f: {  	_ =	swait.ge [sflag:s8], s6  }
0xa0: {  	s6 =	ssub.s32 $0x0, s6;
	[sflag:s8] =	ssyncset.done $0x0  }
0xa1: {  	[sflag:s8] =	ssyncadd.s32 s6;
	_ =	sdelay $0x1  }
0xa2: {  	s23 =	simm.s32 $0x1B8B  }
0xa3: {  	_ =	swait.ge [sflag:s23], $0x1  }
0xa4: {  	[sflag:s23] =	ssyncset.done $0x0  }
0xa5: {  	[sflag:s23] =	ssyncadd.s32 $0xFFFFFFFF  }
0xa6: {  	s6 =	sld [smem:$0x0]  }
0xa7: {  	s7 =	sand.u32 $0xFFFFFFFE, s1  }
0xa8: {  	p0 =	sne.s32 s1, s7  }
0xa9: {  	s7 =	sshll.u32 @p0 s7, $0xE  }
0xaa: {  	s7 =	sadd.s32 @p0 $0x11B8D, s7;
	s8 =	sshll.u32 @p0 s6, $0x11  }
0xab: {  	s7 =	sor.u32 @p0 s8, s7  }
0xac: {  	[sflag:s7] =	ssyncadd.remote.s32 @p0 $0x1;
	_ =	sdelay $0x1  }
0xad: {  	s7 =	simm.s32 @p0 $0x1B8D  }
0xae: {  	_ =	swait.eq @p0 [sflag:s7], $0x1  }
0xaf: {  	[sflag:s7] =	ssyncadd.s32 @p0 $0xFFFFFFFF  }
0xb0: {  	s8 =	sshll.u32 @!p0 s1, $0xE  }
0xb1: {  	s8 =	sor.u32 @!p0 $0x4000, s8;
	s7 =	simm.s32 @!p0 $0x1B8D  }
0xb2: {  	s6 =	sshll.u32 @!p0 s6, $0x11;
	s8 =	sadd.s32 @!p0 $0x11B8D, s8;
	_ =	swait.eq @!p0 [sflag:s7], $0x1  }
0xb3: {  	s6 =	sor.u32 @!p0 s6, s8;
	[sflag:s7] =	ssyncadd.s32 @!p0 $0xFFFFFFFF  }
0xb4: {  	s25 =	simm.s32 $0x1B8E;
	s24 =	sld [smem:$0x3FFE];
	[sflag:s6] =	ssyncadd.remote.s32 @!p0 $0x1  }
0xb5: {  	s26 =	simm.s32 $execute0_lowered;
	[smem:$0x3FD2] =	sst s25  }
0xb6: {  	s7 =	sshll.u32 s26, $0x1;
	_ =	strace $0x80000049;
	[dreg:$0x1] =	wrdreg $0xFFFFFFFF  }
0xb7: {  	s28 =	simm.s32 $_size_execute0_lowered;
	s5 =	sadd.s32 s5, s7;
	[dreg:$0x0] =	wrdreg $0x0  }
0xb8: {  	s7 =	sshll.u32 s28, $0x1;
	[dreg:$0x2] =	wrdreg s5  }
0xb9: {  	[dreg:$0x3] =	wrdreg s7  }
0xba: {  	[dreg:$0x4] =	wrdreg $0xC0  }
0xbb: {  	_ =	task [dreg:s22], $0x5FFFF  }
0xbc: {  	[dreg:$0x1] =	wrdreg $0xFFFFFFFF  }
0xbd: {  	[dreg:$0x0] =	wrdreg $0x60  }
0xbe: {  	[dreg:$0x2] =	wrdreg s18  }
0xbf: {  	[dreg:$0x3] =	wrdreg s4  }
0xc0: {  	[dreg:$0x4] =	wrdreg s24  }
0xc1: {  	[dreg:$0x5] =	wrdreg $0xBB800  }
0xc2: {  	[dreg:$0x6] =	wrdreg $0x9  }
0xc3: {  	_ =	task.clear_ibuf [dreg:s22], $0x7FFFF;
	_ =	strace $0x90000049  }
0xc4: {  	s29 =	simm.s32 $0x9;
	_ =	strace $0x8000004B  }
0xc5: {  	_ =	swait.ge [sflag:s29], $0x1  }
0xc6: {  	[sflag:s29] =	ssyncadd.s32 $0xFFFFFFFF  }
0xc7: {  	_ =	strace $0x9000004B  }
0xc8: {  	_ =	sfence  }
0xc9: {  	s30 =	sld [smem:$0x0];
	_ =	sdelay $0x2  }
0xca: {  	s31 =	sshll.u32 s1, $0xD;
	s1 =	sshrl.u32 s1, $0x2  }
0xcb: {  	s4 =	sand.u32 $0x4000, s31;
	s1 =	sadd.s32 s1, s30  }
0xcc: {  	s0 =	sor.u32 s4, s0;
	s1 =	sshll.u32 s1, $0x11  }
0xcd: {  	s0 =	sor.u32 s1, s0  }
0xce: {  	s0 =	sadd.s32 $0x8F2B, s0  }
0xcf: {  	[sflag:s0] =	ssyncadd.remote.s32 $0x1  }
0xd0: {  	_ =	sfence.sel $0xFFFF  }
0xd1: {  	[dreg:$0x0] =	wrdreg $0xFFFFFFFF;
	(pc) =	sbr.abs _section_cstart, $3  }
0xd2: {  	[dreg:$0x1] =	wrdreg $0xFFFFFFFF  }
0xd3: {  	_ =	task.clear_ibuf [dreg:s22], $0x2FFFF;
	_ =	strace $0x9FFFFFFF  }
0xd4: {  	(tm) =	ssettm $0x7FFFFFFF  }
0xd5: {  	_ =	shalt  }
tec
execute0_lowered:
.L_overlay_start_1:
0x0: {  	(tag) =	ssettag $0x1  }
0x1: {  	s1 =	rddreg [dreg:$0x0]  }
0x2: {  	s0 =	srdreg.scid;
	s2 =	rddreg [dreg:$0x1]  }
0x3: {  	s13 =	stileid.u32;
	s5 =	rddreg [dreg:$0x2];
	s14 =	simm.s32 $0x32  }
0x4: {  	s15 =	simm.s32 $0x5780;
	s17 =	simm.s32 $0x7080;
	s19 =	simm.s32 $0x8980  }
0x5: {  	s21 =	simm.s32 $0xA280;
	s22 =	simm.s32 $0x1;
	s23 =	simm.s32 $0x2  }
0x6: {  	s25 =	simm.s32 $0x3;
	s28 =	simm.s32 $0x5;
	s30 =	simm.s32 $0x4  }
0x7: {  	s16 =	simm.s32 $0x7;
	s18 =	simm.s32 $0x8;
	s20 =	simm.s32 $0x0  }
0x8: {  	s0 =	sand.u32 $0x1, s0;
	s3 =	sshll.u32 s13, $0x1;
	s6 =	smul.u32 $0x13C00, s13  }
0x9: {  	s31 =	sshll.u32 s13, $0x6;
	s13 =	simm.s32 $0x2BC0;
	s4 =	sor.u32 s0, s3  }
0xa: {  	s3 =	rddreg [dreg:$0x3];
	s8 =	smul.u32 $0x13C000, s0;
	s0 =	ssub.s32 $0x2, s0  }
0xb: {  	s7 =	smul.u32 $0x578, s4;
	s4 =	simm.s32 $0x0;
	s10 =	sshrl.u32 s6, $0x3  }
0xc: {  	s11 =	sshrl.u32 s0, $0x1;
	s29 =	sadd.s32 s6, s3;
	[smem:$0x7FF] =	sst s4  }
0xd: {  	s8 =	sadd.s32 s6, s8;
	s10 =	sadd.s32 s10, s5;
	s0 =	ssub.s32 s0, s11  }
.Ltmp0:
0xe: {  	s6 =	sor.u32 $0x1C09, s31;
	s11 =	sshrl.u32 s29, $0x3;
	(pc) =	sbr.rel .LBB2_1-.Ltmp0, $4  }
0xf: {  	_ =	strace $0x8000004A;
	s9 =	sadd.s32 s7, s5;
	s8 =	sshrl.u32 s8, $0x3  }
0x10: {  	s7 =	sadd.s32 s2, s7;
	s2 =	simm.s32 $0x6;
	s12 =	sadd.s32 s8, s5  }
0x11: {  	s5 =	sadd.s32 $0x70400, s10;
	s8 =	sadd.s32 $0x2000, s9;
	s10 =	smax.u32 s0, $0x1  }
0x12: {  	s0 =	simm.s32 $0x118;
	s9 =	sadd.s32 $0x97C00, s12;
	s12 =	simm.s32 $0x9  }
.LBB2_4:
0x13: {  	_ =	swait.ge [sflag:s30], $0x1900  }
0x14: {  	[sflag:s30] =	ssyncset.done $0x0  }
0x15: {  	[sflag:s30] =	ssyncadd.s32 $0xFFFFE700  }
0x16: {  	[spmem:s3] =	stream.indirect.scatter.add.f32 [tilespmem:s21], [sflag:$0x8], $0x80, s29, s14, $0xb8;
	[tilespmem:$0x1F780] =	vst v63  }
0x17: {  	_ =	swait.ge [sflag:s28], $0x1900  }
0x18: {  	[sflag:s28] =	ssyncset.done $0x0  }
0x19: {  	[sflag:s28] =	ssyncadd.s32 $0xFFFFE700  }
0x1a: {  	_ =	swait.ge [sflag:s2], $0x1900  }
0x1b: {  	[sflag:s2] =	ssyncset.done $0x0  }
0x1c: {  	[sflag:s2] =	ssyncadd.s32 $0xFFFFE700  }
0x1d: {  	_ =	swait.ge [sflag:s16], $0x1900  }
0x1e: {  	[sflag:s16] =	ssyncset.done $0x0  }
0x1f: {  	[sflag:s16] =	ssyncadd.s32 $0xFFFFE700  }
0x20: {  	_ =	swait.ge [sflag:s18], $0x1900  }
0x21: {  	s20 =	sadd.s32 $0x1, s20;
	[sflag:s18] =	ssyncset.done $0x0  }
0x22: {  	p0 =	sne.s32 s20, s10;
	[sflag:s18] =	ssyncadd.s32 $0xFFFFE700  }
.Ltmp1:
0x23: {  	[bflag:$0x0] =	sbarrier.arrive $0xFFFF;
	(pc) =	sbr.rel @!p0 .LBB2_5-.Ltmp1, $4  }
0x24: {  	[hbm:s9], [sflag:s6] =	dma.local [spmem:s11], $0x2780  }
0x25: {  	_ =	swait.ge [sflag:s12], $0x2780  }
0x26: {  	[sflag:s12] =	ssyncset.done $0x0  }
0x27: {  	[sflag:s12] =	ssyncadd.s32 $0xFFFFD880  }
.LBB2_1:
0x28: {  	[spmem:s11], [sflag:s6] =	dma.local [hbm:s5], $0x2780  }
0x29: {  	_ =	swait.ge [sflag:s12], $0x2780  }
0x2a: {  	[sflag:s12] =	ssyncset.done $0x0  }
0x2b: {  	[sflag:s12] =	ssyncadd.s32 $0xFFFFD880  }
0x2c: {  	[tilespmem:s4], [sflag:$0x9] =	stream.linear.gather [hbm4b:s7+s4], $0x2BC0, $0x38;
	[tilespmem:$0x1F780] =	vst v63  }
0x2d: {  	_ =	swait.ge [sflag:s12], $0x2BC0  }
0x2e: {  	[sflag:s12] =	ssyncset.done $0x0  }
0x2f: {  	[sflag:s12] =	ssyncadd.s32 $0xFFFFD440  }
0x30: {  	[tilespmem:s13], [sflag:$0x9] =	stream.linear.gather [hbm4b:s8+s4], $0x2BC0, $0x38;
	[tilespmem:$0x1F780] =	vst v63  }
0x31: {  	_ =	swait.ge [sflag:s12], $0x2BC0  }
0x32: {  	[sflag:s12] =	ssyncset.done $0x0  }
0x33: {  	[sflag:s12] =	ssyncadd.s32 $0xFFFFD440  }
0x34: {  	[bflag:$0x0] =	sbarrier.arrive $0xFFFF  }
0x35: {  	[tilespmem:s15], [sflag:$0x1] =	stream.indirect.gather [hbm4b:s1+s14], $0x80, s4, s14, $0xb8;
	[tilespmem:$0x1F780] =	vst v63  }
0x36: {  	s24 =	simm.s32 $0x38  }
0x37: {  	[tilespmem:s17], [sflag:$0x2] =	stream.indirect.gather [hbm4b:s1+s14], $0x80, s24, s14, $0xb8;
	[tilespmem:$0x1F780] =	vst v63  }
0x38: {  	s26 =	simm.s32 $0x70  }
0x39: {  	[tilespmem:s19], [sflag:$0x3] =	stream.indirect.gather [hbm4b:s1+s14], $0x80, s26, s14, $0xb8;
	[tilespmem:$0x1F780] =	vst v63  }
0x3a: {  	s29 =	simm.s32 $0xA8  }
0x3b: {  	[tilespmem:s21], [sflag:$0x4] =	stream.indirect.gather [hbm4b:s1+s14], $0x80, s29, s14, $0xb8;
	[tilespmem:$0x1F780] =	vst v63  }
0x3c: {  	_ =	swait.ge [sflag:s22], $0x1900  }
0x3d: {  	[sflag:s22] =	ssyncset.done $0x0  }
0x3e: {  	[sflag:s22] =	ssyncadd.s32 $0xFFFFE700  }
0x3f: {  	[spmem:s3] =	stream.indirect.scatter.add.f32 [tilespmem:s15], [sflag:$0x5], $0x80, s13, s14, $0xb8;
	[tilespmem:$0x1F780] =	vst v63  }
0x40: {  	_ =	swait.ge [sflag:s23], $0x1900  }
0x41: {  	[sflag:s23] =	ssyncset.done $0x0  }
0x42: {  	s31 =	simm.s32 $0x2BF8;
	[sflag:s23] =	ssyncadd.s32 $0xFFFFE700  }
0x43: {  	[spmem:s3] =	stream.indirect.scatter.add.f32 [tilespmem:s17], [sflag:$0x6], $0x80, s31, s14, $0xb8;
	[tilespmem:$0x1F780] =	vst v63  }
0x44: {  	_ =	swait.ge [sflag:s25], $0x1900  }
0x45: {  	[sflag:s25] =	ssyncset.done $0x0  }
0x46: {  	s26 =	simm.s32 $0x2C30;
	[sflag:s25] =	ssyncadd.s32 $0xFFFFE700  }
0x47: {  	[spmem:s3] =	stream.indirect.scatter.add.f32 [tilespmem:s19], [sflag:$0x7], $0x80, s26, s14, $0xb8;
	[tilespmem:$0x1F780] =	vst v63  }
0x48: {  	_ =	swait.ge [sflag:s28], $0x1900  }
0x49: {  	[sflag:s28] =	ssyncset.done $0x0  }
0x4a: {  	s29 =	simm.s32 $0xE0;
	[sflag:s28] =	ssyncadd.s32 $0xFFFFE700  }
0x4b: {  	[tilespmem:s15], [sflag:$0x1] =	stream.indirect.gather [hbm4b:s1+s14], $0x80, s29, s14, $0xb8;
	[tilespmem:$0x1F780] =	vst v63  }
0x4c: {  	_ =	swait.ge [sflag:s30], $0x1900  }
0x4d: {  	[sflag:s30] =	ssyncset.done $0x0  }
0x4e: {  	s31 =	simm.s32 $0x2C68;
	[sflag:s30] =	ssyncadd.s32 $0xFFFFE700  }
0x4f: {  	[spmem:s3] =	stream.indirect.scatter.add.f32 [tilespmem:s21], [sflag:$0x8], $0x80, s31, s14, $0xb8;
	[tilespmem:$0x1F780] =	vst v63  }
0x50: {  	_ =	swait.ge [sflag:s2], $0x1900  }
0x51: {  	[sflag:s2] =	ssyncset.done $0x0  }
0x52: {  	s24 =	simm.s32 $0x0;
	[sflag:s2] =	ssyncadd.s32 $0xFFFFE700  }
0x53: {  	[tilespmem:s17], [sflag:$0x2] =	stream.indirect.gather [hbm4b:s1+s14], $0x80, s0, s14, $0xb8;
	[tilespmem:$0x1F780] =	vst v63  }
.LBB2_2:
0x54: {  	_ =	swait.ge [sflag:s22], $0x1900  }
0x55: {  	s26 =	sshra.s32 s24, $0x2;
	[sflag:s22] =	ssyncset.done $0x0  }
0x56: {  	s29 =	sadd.s32 $0x2CA0, s26;
	[sflag:s22] =	ssyncadd.s32 $0xFFFFE700  }
0x57: {  	[spmem:s3] =	stream.indirect.scatter.add.f32 [tilespmem:s15], [sflag:$0x5], $0x80, s29, s14, $0xb8;
	[tilespmem:$0x1F780] =	vst v63  }
0x58: {  	_ =	swait.ge [sflag:s16], $0x1900  }
0x59: {  	[sflag:s16] =	ssyncset.done $0x0  }
0x5a: {  	s29 =	sadd.s32 $0x150, s26;
	[sflag:s16] =	ssyncadd.s32 $0xFFFFE700  }
0x5b: {  	[tilespmem:s19], [sflag:$0x3] =	stream.indirect.gather [hbm4b:s1+s14], $0x80, s29, s14, $0xb8;
	[tilespmem:$0x1F780] =	vst v63  }
0x5c: {  	_ =	swait.ge [sflag:s23], $0x1900  }
0x5d: {  	[sflag:s23] =	ssyncset.done $0x0  }
0x5e: {  	s29 =	sadd.s32 $0x2CD8, s26;
	[sflag:s23] =	ssyncadd.s32 $0xFFFFE700  }
0x5f: {  	[spmem:s3] =	stream.indirect.scatter.add.f32 [tilespmem:s17], [sflag:$0x6], $0x80, s29, s14, $0xb8;
	[tilespmem:$0x1F780] =	vst v63  }
0x60: {  	_ =	swait.ge [sflag:s18], $0x1900  }
0x61: {  	[sflag:s18] =	ssyncset.done $0x0  }
0x62: {  	p0 =	seq.s32 s24, $0xA800;
	s29 =	sadd.s32 $0x188, s26;
	[sflag:s18] =	ssyncadd.s32 $0xFFFFE700  }
0x63: {  	[tilespmem:s21], [sflag:$0x4] =	stream.indirect.gather [hbm4b:s1+s14], $0x80, s29, s14, $0xb8;
	[tilespmem:$0x1F780] =	vst v63  }
.Ltmp2:
0x64: {  	_ =	swait.ge [sflag:s25], $0x1900;
	(pc) =	sbr.rel @p0 .LBB2_4-.Ltmp2, $4  }
0x65: {  	[sflag:s25] =	ssyncset.done $0x0  }
0x66: {  	s29 =	sadd.s32 $0x2D10, s26;
	[sflag:s25] =	ssyncadd.s32 $0xFFFFE700  }
0x67: {  	[spmem:s3] =	stream.indirect.scatter.add.f32 [tilespmem:s19], [sflag:$0x7], $0x80, s29, s14, $0xb8;
	[tilespmem:$0x1F780] =	vst v63  }
0x68: {  	s29 =	sadd.s32 $0x2D48, s26  }
0x69: {  	_ =	swait.ge [sflag:s28], $0x1900  }
0x6a: {  	[sflag:s28] =	ssyncset.done $0x0  }
0x6b: {  	s31 =	sadd.s32 $0x1C0, s26;
	[sflag:s28] =	ssyncadd.s32 $0xFFFFE700  }
0x6c: {  	[tilespmem:s15], [sflag:$0x1] =	stream.indirect.gather [hbm4b:s1+s14], $0x80, s31, s14, $0xb8;
	[tilespmem:$0x1F780] =	vst v63  }
0x6d: {  	_ =	swait.ge [sflag:s30], $0x1900  }
0x6e: {  	[sflag:s30] =	ssyncset.done $0x0  }
0x6f: {  	[sflag:s30] =	ssyncadd.s32 $0xFFFFE700  }
0x70: {  	[spmem:s3] =	stream.indirect.scatter.add.f32 [tilespmem:s21], [sflag:$0x8], $0x80, s29, s14, $0xb8;
	[tilespmem:$0x1F780] =	vst v63  }
.Ltmp3:
0x71: {  	_ = 	snop;
	(pc) =	sbr.rel .LBB2_2-.Ltmp3, $4  }
0x72: {  	_ =	swait.ge [sflag:s2], $0x1900  }
0x73: {  	[sflag:s2] =	ssyncset.done $0x0  }
0x74: {  	s24 =	sadd.s32 $0x380, s24;
	s31 =	sadd.s32 $0x1F8, s26;
	[sflag:s2] =	ssyncadd.s32 $0xFFFFE700  }
0x75: {  	[tilespmem:s17], [sflag:$0x2] =	stream.indirect.gather [hbm4b:s1+s14], $0x80, s31, s14, $0xb8;
	[tilespmem:$0x1F780] =	vst v63  }
.LBB2_5:
0x76: {  	_ =	sfence.sel $0x180000  }
0x77: {  	[bflag:$0x0] =	sbarrier.arrive $0xFFFF  }
0x78: {  	_ =	strace $0x9000004A  }
0x79: {  	s0 =	stileid.u32;
	[bflag:$0x2] =	sbarrier.arrive $0xFFFF  }
0x7a: {  	p0 =	sne.s32 s0, $0x0;
	s0 =	rddreg [dreg:$0x4]  }
0x7b: {  	s0 =	sadd.s32 @!p0 $0x100000, s0  }
0x7c: {  	[sflag:s0] =	ssyncadd.tile.s32 @!p0 $0x1;
	_ =	shalt  }
.Lfunc_end2:
_tile_overlayer_lowered:
.L_overlay_start_2:
0x7d: {  	(tag) =	ssettag $0x2  }
0x7e: {  	s0 =	rddreg [dreg:$0x0];
	s2 =	stileid.u32  }
0x7f: {  	s1 =	rddreg [dreg:$0x1];
	p0 =	sne.s32 s2, $0x0  }
0x80: {  	s3 =	rddreg [dreg:$0x2];
	[bflag:$0x3] =	sbarrier.arrive $0xFFFF;
	s2 =	simm.s32 @!p0 $0x1C09  }
0x81: {  	[timem:s3], [sflag:s2] =	dma.local @!p0 [hbm:s0], s1  }
0x82: {  	s0 =	simm.s32 @!p0 $0x9  }
0x83: {  	_ =	swait.ge @!p0 [sflag:s0], s1  }
0x84: {  	s1 =	ssub.s32 @!p0 $0x0, s1;
	[sflag:s0] =	ssyncset.done @!p0 $0x0  }
0x85: {  	[sflag:s0] =	ssyncadd.s32 @!p0 s1  }
0x86: {  	[bflag:$0x3] =	sbarrier.arrive $0xFFFF  }
0x87: {  	_ =	shalt  }

</sc_bundles>
